<compile_context>
chip_gen: v7x
topology: tpu7x:2x2x1
jax: 0.10.2.dev20260603
libtpu: 0.0.44.dev20260713+nightly
codegen_flags: <defaults>
</compile_context>

<pallas_src>
import functools

import jax
import jax.numpy as jnp
from jax import lax
from jax.experimental import pallas as pl
from jax.experimental.pallas import tpu as pltpu
from jax.experimental.pallas import tpu_sc as plsc

N = 10000
NPAD = 10240
D = 128
DH = 64
E = 640000
OUT = 64
NC = 2
NS = 16
NW = NC * NS
EPW = E // NW
CH = 80
NCH = EPW // CH
RPT = NPAD // NS
CW = 8
BM = 640


def _sc_agg(ntypes, with_counts):
  tab_map = (0, 1, 0)[:ntypes]
  mesh = plsc.VectorSubcoreMesh(core_axis_name="c", subcore_axis_name="s")
  out_type = [jax.ShapeDtypeStruct((NC, NPAD, DH), jnp.float32)
              for _ in range(2 * ntypes)]
  if with_counts:
    out_type += [jax.ShapeDtypeStruct((NC, NPAD, CW), jnp.float32)
                 for _ in range(ntypes)]
  scratch_types = [
      pltpu.VMEM((NCH, CH), jnp.int32),
      pltpu.VMEM((NCH, CH), jnp.int32),
      pltpu.VMEM((CH, DH), jnp.float32),
      pltpu.VMEM((CH, CW), jnp.float32),
      pltpu.VMEM_SHARED((NPAD, DH), jnp.float32),
      pltpu.VMEM_SHARED((NPAD, CW), jnp.float32),
      pltpu.SemaphoreType.DMA,
  ]

  def body(*refs):
    nt = ntypes
    srcs = refs[0:2 * nt:2]
    dsts = refs[1:2 * nt:2]
    tabs = refs[2 * nt:2 * nt + 4]
    ones_h, zf_h, zc_h = refs[2 * nt + 4:2 * nt + 7]
    o = 2 * nt + 7
    aggs = refs[o:o + 2 * nt]
    o += 2 * nt
    cnts = refs[o:o + nt] if with_counts else ()
    o += nt if with_counts else 0
    src_v, dst_v, rows_v, ones_v, acc, cacc, sem = refs[o:]

    c = lax.axis_index("c")
    s = lax.axis_index("s")
    wid = c * NS + s
    if with_counts:
      pltpu.sync_copy(ones_h, ones_v)

    for t in range(nt):
      pltpu.sync_copy(srcs[t].at[wid], src_v)
      pltpu.sync_copy(dsts[t].at[wid], dst_v)
      for h in range(2):
        tab = tabs[2 * tab_map[t] + h]
        do_cnt = with_counts and h == 0
        pltpu.sync_copy(zf_h, acc.at[pl.ds(s * RPT, RPT), :])
        if do_cnt:
          pltpu.sync_copy(zc_h, cacc.at[pl.ds(s * RPT, RPT), :])
        plsc.subcore_barrier()

        def chunk(i, carry):
          pltpu.async_copy(tab.at[src_v.at[i]], rows_v, sem).wait()
          pltpu.sync_copy(rows_v, acc.at[dst_v.at[i]], add=True)
          if do_cnt:
            pltpu.sync_copy(ones_v, cacc.at[dst_v.at[i]], add=True)
          return carry

        lax.fori_loop(0, NCH, chunk, 0)
        plsc.subcore_barrier()
        pltpu.sync_copy(acc.at[pl.ds(s * RPT, RPT), :],
                        aggs[2 * t + h].at[c, pl.ds(s * RPT, RPT), :])
        if do_cnt:
          pltpu.sync_copy(cacc.at[pl.ds(s * RPT, RPT), :],
                          cnts[t].at[c, pl.ds(s * RPT, RPT), :])
        plsc.subcore_barrier()

  return pl.kernel(body, out_type=out_type, mesh=mesh,
                   scratch_types=scratch_types,
                   compiler_params=pltpu.CompilerParams(
                       use_tc_tiling_on_sc=False))


_sc_layer0 = _sc_agg(3, True)
_sc_layer1 = _sc_agg(2, False)


def _mean(a0, a1, cnt):
  cc = jnp.maximum(cnt[0, :, 0:1] + cnt[1, :, 0:1], 1.0)
  return jnp.concatenate([a0[0] + a0[1], a1[0] + a1[1]], axis=1) / cc


def _dot(a, b):
  return jnp.dot(a, b, preferred_element_type=jnp.float32)


def _tc0_body(aC0, aC1, cntC, aW0, aW1, cntW, aR0, aR1, cntR, xp, xa,
              wlc, wlw, wlr, wrc, wrw, wrr, bc, bw, br,
              xp_o0, xp_o1, xa_o0, xa_o1):
  p = (_dot(_mean(aC0, aC1, cntC), wlc[...])
       + _dot(_mean(aW0, aW1, cntW), wlw[...])
       + _dot(xp[...], wrc[...] + wrw[...]) + bc[...] + bw[...])
  p = jnp.maximum(p, 0.0)
  xp_o0[...] = p[:, :DH]
  xp_o1[...] = p[:, DH:]
  a = (_dot(_mean(aR0, aR1, cntR), wlr[...])
       + _dot(xa[...], wrr[...]) + br[...])
  a = jnp.maximum(a, 0.0)
  xa_o0[...] = a[:, :DH]
  xa_o1[...] = a[:, DH:]


def _tc1_body(aC0, aC1, cntC, aW0, aW1, cntW, xp0, xp1,
              wlc, wlw, wrc, wrw, bc, bw, wout, bout, out_o):
  xp = jnp.concatenate([xp0[...], xp1[...]], axis=1)
  p = (_dot(_mean(aC0, aC1, cntC), wlc[...])
       + _dot(_mean(aW0, aW1, cntW), wlw[...])
       + _dot(xp, wrc[...] + wrw[...]) + bc[...] + bw[...])
  out_o[...] = _dot(jnp.maximum(p, 0.0), wout[...]) + bout[...]


_AGG_BS = pl.BlockSpec((NC, BM, DH), lambda i: (0, i, 0))
_CNT_BS = pl.BlockSpec((NC, BM, CW), lambda i: (0, i, 0))
_X_BS = pl.BlockSpec((BM, D), lambda i: (i, 0))
_XH_BS = pl.BlockSpec((BM, DH), lambda i: (i, 0))
_W_BS = pl.BlockSpec((D, D), lambda i: (0, 0))
_B_BS = pl.BlockSpec((1, D), lambda i: (0, 0))

_tc0 = pl.pallas_call(
    _tc0_body,
    grid=(NPAD // BM,),
    in_specs=[_AGG_BS, _AGG_BS, _CNT_BS, _AGG_BS, _AGG_BS, _CNT_BS,
              _AGG_BS, _AGG_BS, _CNT_BS, _X_BS, _X_BS,
              _W_BS, _W_BS, _W_BS, _W_BS, _W_BS, _W_BS,
              _B_BS, _B_BS, _B_BS],
    out_specs=[_XH_BS, _XH_BS, _XH_BS, _XH_BS],
    out_shape=[jax.ShapeDtypeStruct((NPAD, DH), jnp.float32)
               for _ in range(4)],
)

_tc1 = pl.pallas_call(
    _tc1_body,
    grid=(NPAD // BM,),
    in_specs=[_AGG_BS, _AGG_BS, _CNT_BS, _AGG_BS, _AGG_BS, _CNT_BS,
              _XH_BS, _XH_BS,
              _W_BS, _W_BS, _W_BS, _W_BS, _B_BS, _B_BS,
              pl.BlockSpec((D, OUT), lambda i: (0, 0)),
              pl.BlockSpec((1, OUT), lambda i: (0, 0))],
    out_specs=pl.BlockSpec((BM, OUT), lambda i: (i, 0)),
    out_shape=jax.ShapeDtypeStruct((NPAD, OUT), jnp.float32),
)


def kernel(x_paper, x_author, ei_cites, ei_writes, ei_rev,
           Wl0_cites, bl0_cites, Wr0_cites, Wl0_writes, bl0_writes,
           Wr0_writes, Wl0_rev, bl0_rev, Wr0_rev,
           Wl1_cites, bl1_cites, Wr1_cites, Wl1_writes, bl1_writes,
           Wr1_writes, Wl1_rev, bl1_rev, Wr1_rev, W_out, b_out):
  f32 = jnp.float32
  xp = jnp.pad(x_paper, ((0, NPAD - N), (0, 0)))
  xa = jnp.pad(x_author, ((0, NPAD - N), (0, 0)))
  rs = lambda v: v.reshape(NW, NCH, CH)
  sC, dC = rs(ei_cites[0]), rs(ei_cites[1])
  sW, dW = rs(ei_writes[0]), rs(ei_writes[1])
  sR, dR = rs(ei_rev[0]), rs(ei_rev[1])
  ones = jnp.ones((CH, CW), f32)
  zf = jnp.zeros((RPT, DH), f32)
  zc = jnp.zeros((RPT, CW), f32)
  r1 = lambda b: b.reshape(1, -1)

  (aC0, aC1, aW0, aW1, aR0, aR1, cntC, cntW, cntR) = _sc_layer0(
      sC, dC, sW, dW, sR, dR,
      xp[:, :DH], xp[:, DH:], xa[:, :DH], xa[:, DH:], ones, zf, zc)
  xp0, xp1, xa0, xa1 = _tc0(
      aC0, aC1, cntC, aW0, aW1, cntW, aR0, aR1, cntR, xp, xa,
      Wl0_cites, Wl0_writes, Wl0_rev, Wr0_cites, Wr0_writes, Wr0_rev,
      r1(bl0_cites), r1(bl0_writes), r1(bl0_rev))
  (bC0, bC1, bW0, bW1) = _sc_layer1(
      sC, dC, sW, dW, xp0, xp1, xa0, xa1, ones, zf, zc)
  out = _tc1(bC0, bC1, cntC, bW0, bW1, cntW, xp0, xp1,
             Wl1_cites, Wl1_writes, Wr1_cites, Wr1_writes,
             r1(bl1_cites), r1(bl1_writes), W_out, r1(b_out))
  return out[:N]

# --- scband reference (transcript-rebuilt; emitter-appended) ---
"""Pipeline reference for scband-hierarchical-hetero-graph-sage-77403900609229 (READ-ONLY COPY).

The authoritative reference and input builder live on the scoring server;
editing this copy changes nothing except your own understanding.
"""

import jax, jax.numpy as jnp
import numpy as np

N_PAPER = 10000
N_AUTHOR = 10000
E = 640000
D_IN = 128
HID = 128
OUT = 64
EDGE_TYPES = ["cites", "writes", "rev"]


def setup_inputs(seed: int = 0):
    key = jax.random.key(seed)
    ks = jax.random.split(key, 64)
    inp = {}
    inp["x_paper"] = jax.random.normal(ks[0], (N_PAPER, D_IN), dtype=jnp.float32)
    inp["x_author"] = jax.random.normal(ks[1], (N_AUTHOR, D_IN), dtype=jnp.float32)
    inp["ei_cites"] = jax.random.randint(ks[2], (2, E), 0, N_PAPER, dtype=jnp.int32)
    inp["ei_writes"] = jnp.stack([
        jax.random.randint(ks[3], (E,), 0, N_AUTHOR, dtype=jnp.int32),
        jax.random.randint(ks[4], (E,), 0, N_PAPER, dtype=jnp.int32)])
    inp["ei_rev"] = jnp.stack([
        jax.random.randint(ks[5], (E,), 0, N_PAPER, dtype=jnp.int32),
        jax.random.randint(ks[6], (E,), 0, N_AUTHOR, dtype=jnp.int32)])
    k = 7
    for l in range(2):
        fan = D_IN if l == 0 else HID
        s = 1.0 / np.sqrt(fan)
        for et in EDGE_TYPES:
            inp["Wl%d_%s" % (l, et)] = jax.random.normal(ks[k], (fan, HID), dtype=jnp.float32) * s; k += 1
            inp["bl%d_%s" % (l, et)] = jnp.zeros((HID,), dtype=jnp.float32)
            inp["Wr%d_%s" % (l, et)] = jax.random.normal(ks[k], (fan, HID), dtype=jnp.float32) * s; k += 1
    inp["W_out"] = jax.random.normal(ks[k], (HID, OUT), dtype=jnp.float32) * (1.0 / np.sqrt(HID))
    inp["b_out"] = jnp.zeros((OUT,), dtype=jnp.float32)
    return inp


def _sage(x_src, x_dst, ei, Wl, bl, Wr):
    # PyG SAGEConv: out = lin_l(mean_{j in N(i)} x_j) + lin_r(x_i); lin_l has bias, lin_r does not
    src = ei[0]
    dst = ei[1]
    msg = jnp.take(x_src, src, axis=0)
    n = x_dst.shape[0]
    agg = jax.ops.segment_sum(msg, dst, num_segments=n)
    cnt = jax.ops.segment_sum(jnp.ones((src.shape[0],), dtype=x_src.dtype), dst, num_segments=n)
    mean = agg / jnp.clip(cnt, 1.0)[:, None]
    return mean @ Wl + bl + x_dst @ Wr


def reference(x_paper, x_author, ei_cites, ei_writes, ei_rev,
              Wl0_cites, bl0_cites, Wr0_cites, Wl0_writes, bl0_writes, Wr0_writes, Wl0_rev, bl0_rev, Wr0_rev,
              Wl1_cites, bl1_cites, Wr1_cites, Wl1_writes, bl1_writes, Wr1_writes, Wl1_rev, bl1_rev, Wr1_rev,
              W_out, b_out):
    # Layer 0: HeteroConv with aggr='sum' over edge types sharing a dst node type
    p = _sage(x_paper, x_paper, ei_cites, Wl0_cites, bl0_cites, Wr0_cites) \
        + _sage(x_author, x_paper, ei_writes, Wl0_writes, bl0_writes, Wr0_writes)
    a = _sage(x_paper, x_author, ei_rev, Wl0_rev, bl0_rev, Wr0_rev)
    xp = jax.nn.relu(p)
    xa = jax.nn.relu(a)
    # Layer 1
    p = _sage(xp, xp, ei_cites, Wl1_cites, bl1_cites, Wr1_cites) \
        + _sage(xa, xp, ei_writes, Wl1_writes, bl1_writes, Wr1_writes)
    a = _sage(xp, xa, ei_rev, Wl1_rev, bl1_rev, Wr1_rev)
    xp = jax.nn.relu(p)
    # final linear on 'paper'
    return xp @ W_out + b_out

if __name__ == "__main__":
    import jax
    _d = setup_inputs()
    print(jax.jit(kernel)(*tuple(_d.values())))

</pallas_src>

<mosaic_0001>
#map = affine_map<(d0, d1) -> (0, 0, 0)>
#map1 = affine_map<(d0, d1) -> (0, 0)>
module attributes {stable_mosaic.version = 14 : i64} {
  func.func @body(%arg0: i32, %arg1: i32, %arg2: memref<32x250x80xi32, #tpu.memory_space<hbm>>, %arg3: memref<32x250x80xi32, #tpu.memory_space<hbm>>, %arg4: memref<32x250x80xi32, #tpu.memory_space<hbm>>, %arg5: memref<32x250x80xi32, #tpu.memory_space<hbm>>, %arg6: memref<10240x64xf32, #tpu.memory_space<hbm>>, %arg7: memref<10240x64xf32, #tpu.memory_space<hbm>>, %arg8: memref<10240x64xf32, #tpu.memory_space<hbm>>, %arg9: memref<10240x64xf32, #tpu.memory_space<hbm>>, %arg10: memref<80x8xf32, #tpu.memory_space<hbm>>, %arg11: memref<640x64xf32, #tpu.memory_space<hbm>>, %arg12: memref<640x8xf32, #tpu.memory_space<hbm>>, %arg13: memref<2x10240x64xf32, #tpu.memory_space<hbm>>, %arg14: memref<2x10240x64xf32, #tpu.memory_space<hbm>>, %arg15: memref<2x10240x64xf32, #tpu.memory_space<hbm>>, %arg16: memref<2x10240x64xf32, #tpu.memory_space<hbm>>, %arg17: memref<250x80xi32, #tpu.memory_space<vmem>>, %arg18: memref<250x80xi32, #tpu.memory_space<vmem>>, %arg19: memref<80x64xf32, #tpu.memory_space<vmem>>, %arg20: memref<80x8xf32, #tpu.memory_space<vmem>>, %arg21: memref<10240x64xf32, #tpu.memory_space<vmem_shared>>, %arg22: memref<10240x8xf32, #tpu.memory_space<vmem_shared>>, %arg23: memref<!tpu.dma_semaphore, #tpu.memory_space<semaphore_mem>>) attributes {dimension_semantics = [#tpu.dimension_semantics<core_parallel>, #tpu.dimension_semantics<subcore_parallel>], iteration_bounds = array<i64: 2, 16>, scalar_prefetch = 0 : i64, scratch_operands = 7 : i64, tpu.core_type = #tpu.core_type<sc_vector_subcore>, window_params = [{transform_indices = #map}, {transform_indices = #map}, {transform_indices = #map}, {transform_indices = #map}, {transform_indices = #map1}, {transform_indices = #map1}, {transform_indices = #map1}, {transform_indices = #map1}, {transform_indices = #map1}, {transform_indices = #map1}, {transform_indices = #map1}, {transform_indices = #map}, {transform_indices = #map}, {transform_indices = #map}, {transform_indices = #map}]} {
    %mul3A = arith.constant 16 : i32
    %mul3A_0 = arith.muli %arg0, %mul3A : i32
    %add3A = arith.addi %mul3A_0, %arg1 : i32
    "tpu.region"() ({
      %run_scoped3A = tpu.sem_alloc : memref<!tpu.dma_semaphore, #tpu.memory_space<semaphore_mem>>
      %dma_start3A = arith.constant 0 : i32
      %dma_start3A_59 = arith.constant 0 : i32
      %dma_start3A_60 = tpu.memref_slice %arg2[%add3A, %dma_start3A, %dma_start3A_59] : memref<32x250x80xi32, #tpu.memory_space<hbm>> -> memref<1x250x80xi32, #tpu.memory_space<hbm>>
      %dma_start3A_61 = tpu.memref_squeeze %dma_start3A_60 : memref<1x250x80xi32, #tpu.memory_space<hbm>> -> memref<250x80xi32, #tpu.memory_space<hbm>>
      %dma_start3A_62 = arith.constant 0 : i32
      %dma_start3A_63 = arith.constant 0 : i32
      %dma_start3A_64 = tpu.memref_slice %arg2[%add3A, %dma_start3A_62, %dma_start3A_63] : memref<32x250x80xi32, #tpu.memory_space<hbm>> -> memref<1x250x80xi32, #tpu.memory_space<hbm>>
      %dma_start3A_65 = tpu.memref_squeeze %dma_start3A_64 : memref<1x250x80xi32, #tpu.memory_space<hbm>> -> memref<250x80xi32, #tpu.memory_space<hbm>>
      tpu.enqueue_dma source(%dma_start3A_65 : memref<250x80xi32, #tpu.memory_space<hbm>>) target(%arg17 : memref<250x80xi32, #tpu.memory_space<vmem>>) target_semaphore(%run_scoped3A : memref<!tpu.dma_semaphore, #tpu.memory_space<semaphore_mem>>)
      %dma_wait3A = arith.constant 0 : i32
      %dma_wait3A_66 = arith.constant 0 : i32
      %dma_wait3A_67 = tpu.memref_slice %arg2[%add3A, %dma_wait3A, %dma_wait3A_66] : memref<32x250x80xi32, #tpu.memory_space<hbm>> -> memref<1x250x80xi32, #tpu.memory_space<hbm>>
      %dma_wait3A_68 = tpu.memref_squeeze %dma_wait3A_67 : memref<1x250x80xi32, #tpu.memory_space<hbm>> -> memref<250x80xi32, #tpu.memory_space<hbm>>
      %dma_wait3A_69 = arith.constant 0 : i32
      %dma_wait3A_70 = arith.constant 0 : i32
      %dma_wait3A_71 = tpu.memref_slice %arg2[%add3A, %dma_wait3A_69, %dma_wait3A_70] : memref<32x250x80xi32, #tpu.memory_space<hbm>> -> memref<1x250x80xi32, #tpu.memory_space<hbm>>
      %dma_wait3A_72 = tpu.memref_squeeze %dma_wait3A_71 : memref<1x250x80xi32, #tpu.memory_space<hbm>> -> memref<250x80xi32, #tpu.memory_space<hbm>>
      tpu.wait_dma2 semaphore(%run_scoped3A : memref<!tpu.dma_semaphore, #tpu.memory_space<semaphore_mem>>) src(%dma_wait3A_72 : memref<250x80xi32, #tpu.memory_space<hbm>>) dst(%arg17 : memref<250x80xi32, #tpu.memory_space<vmem>>)
      tpu.yield
    }) : () -> ()
    "tpu.region"() ({
      %run_scoped3A = tpu.sem_alloc : memref<!tpu.dma_semaphore, #tpu.memory_space<semaphore_mem>>
      %dma_start3A = arith.constant 0 : i32
      %dma_start3A_59 = arith.constant 0 : i32
      %dma_start3A_60 = tpu.memref_slice %arg3[%add3A, %dma_start3A, %dma_start3A_59] : memref<32x250x80xi32, #tpu.memory_space<hbm>> -> memref<1x250x80xi32, #tpu.memory_space<hbm>>
      %dma_start3A_61 = tpu.memref_squeeze %dma_start3A_60 : memref<1x250x80xi32, #tpu.memory_space<hbm>> -> memref<250x80xi32, #tpu.memory_space<hbm>>
      %dma_start3A_62 = arith.constant 0 : i32
      %dma_start3A_63 = arith.constant 0 : i32
      %dma_start3A_64 = tpu.memref_slice %arg3[%add3A, %dma_start3A_62, %dma_start3A_63] : memref<32x250x80xi32, #tpu.memory_space<hbm>> -> memref<1x250x80xi32, #tpu.memory_space<hbm>>
      %dma_start3A_65 = tpu.memref_squeeze %dma_start3A_64 : memref<1x250x80xi32, #tpu.memory_space<hbm>> -> memref<250x80xi32, #tpu.memory_space<hbm>>
      tpu.enqueue_dma source(%dma_start3A_65 : memref<250x80xi32, #tpu.memory_space<hbm>>) target(%arg18 : memref<250x80xi32, #tpu.memory_space<vmem>>) target_semaphore(%run_scoped3A : memref<!tpu.dma_semaphore, #tpu.memory_space<semaphore_mem>>)
      %dma_wait3A = arith.constant 0 : i32
      %dma_wait3A_66 = arith.constant 0 : i32
      %dma_wait3A_67 = tpu.memref_slice %arg3[%add3A, %dma_wait3A, %dma_wait3A_66] : memref<32x250x80xi32, #tpu.memory_space<hbm>> -> memref<1x250x80xi32, #tpu.memory_space<hbm>>
      %dma_wait3A_68 = tpu.memref_squeeze %dma_wait3A_67 : memref<1x250x80xi32, #tpu.memory_space<hbm>> -> memref<250x80xi32, #tpu.memory_space<hbm>>
      %dma_wait3A_69 = arith.constant 0 : i32
      %dma_wait3A_70 = arith.constant 0 : i32
      %dma_wait3A_71 = tpu.memref_slice %arg3[%add3A, %dma_wait3A_69, %dma_wait3A_70] : memref<32x250x80xi32, #tpu.memory_space<hbm>> -> memref<1x250x80xi32, #tpu.memory_space<hbm>>
      %dma_wait3A_72 = tpu.memref_squeeze %dma_wait3A_71 : memref<1x250x80xi32, #tpu.memory_space<hbm>> -> memref<250x80xi32, #tpu.memory_space<hbm>>
      tpu.wait_dma2 semaphore(%run_scoped3A : memref<!tpu.dma_semaphore, #tpu.memory_space<semaphore_mem>>) src(%dma_wait3A_72 : memref<250x80xi32, #tpu.memory_space<hbm>>) dst(%arg18 : memref<250x80xi32, #tpu.memory_space<vmem>>)
      tpu.yield
    }) : () -> ()
    %mul3A_1 = arith.constant 640 : i32
    %mul3A_2 = arith.muli %arg1, %mul3A_1 : i32
    "tpu.region"() ({
      %run_scoped3A = tpu.sem_alloc : memref<!tpu.dma_semaphore, #tpu.memory_space<semaphore_mem>>
      %dma_start3A = arith.constant 0 : i32
      %dma_start3A_59 = tpu.memref_slice %arg21[%mul3A_2, %dma_start3A] : memref<10240x64xf32, #tpu.memory_space<vmem_shared>> -> memref<640x64xf32, #tpu.memory_space<vmem_shared>>
      tpu.enqueue_dma source(%arg11 : memref<640x64xf32, #tpu.memory_space<hbm>>) target(%dma_start3A_59 : memref<640x64xf32, #tpu.memory_space<vmem_shared>>) target_semaphore(%run_scoped3A : memref<!tpu.dma_semaphore, #tpu.memory_space<semaphore_mem>>)
      %dma_wait3A = arith.constant 0 : i32
      %dma_wait3A_60 = tpu.memref_slice %arg21[%mul3A_2, %dma_wait3A] : memref<10240x64xf32, #tpu.memory_space<vmem_shared>> -> memref<640x64xf32, #tpu.memory_space<vmem_shared>>
      tpu.wait_dma2 semaphore(%run_scoped3A : memref<!tpu.dma_semaphore, #tpu.memory_space<semaphore_mem>>) src(%arg11 : memref<640x64xf32, #tpu.memory_space<hbm>>) dst(%dma_wait3A_60 : memref<640x64xf32, #tpu.memory_space<vmem_shared>>)
      tpu.yield
    }) : () -> ()
    %barrier3A = arith.constant 0 : index
    tpu.barrier barrier_id(%barrier3A)
    %scan3A = arith.constant 0 : i32
    %scan3A_3 = arith.constant 0 : i32
    %scan3A_4 = arith.constant 250 : i32
    %scan3A_5 = arith.addi %scan3A_3, %scan3A_4 : i32
    %scan3A_6 = arith.constant 1 : i32
    scf.for %scan3A_59 = %scan3A_3 to %scan3A_5 step %scan3A_6  : i32 {
      %dma_start3A = arith.constant 0 : i32
      %dma_start3A_60 = tpu.memref_slice %arg17[%scan3A_59, %dma_start3A] : memref<250x80xi32, #tpu.memory_space<vmem>> -> memref<1x80xi32, #tpu.memory_space<vmem>>
      %dma_start3A_61 = tpu.memref_squeeze %dma_start3A_60 : memref<1x80xi32, #tpu.memory_space<vmem>> -> memref<80xi32, #tpu.memory_space<vmem>>
      %dma_start3A_62 = arith.constant 0 : i32
      %dma_start3A_63 = arith.constant 0 : i32
      %dma_start3A_64 = tpu.memref_slice %arg6[%dma_start3A_62, %dma_start3A_63] : memref<10240x64xf32, #tpu.memory_space<hbm>> -> memref<10240x64xf32, #tpu.memory_space<hbm>>
      tpu.enqueue_indirect_dma source(%dma_start3A_64 : memref<10240x64xf32, #tpu.memory_space<hbm>>) target(%arg19 : memref<80x64xf32, #tpu.memory_space<vmem>>) offsets(%dma_start3A_61 : memref<80xi32, #tpu.memory_space<vmem>>) semaphore(%arg23 : memref<!tpu.dma_semaphore, #tpu.memory_space<semaphore_mem>>)
      %dma_wait3A = arith.constant 0 : i32
      %dma_wait3A_65 = tpu.memref_slice %arg17[%scan3A_59, %dma_wait3A] : memref<250x80xi32, #tpu.memory_space<vmem>> -> memref<1x80xi32, #tpu.memory_space<vmem>>
      %dma_wait3A_66 = tpu.memref_squeeze %dma_wait3A_65 : memref<1x80xi32, #tpu.memory_space<vmem>> -> memref<80xi32, #tpu.memory_space<vmem>>
      %dma_wait3A_67 = arith.constant 0 : i32
      %dma_wait3A_68 = arith.constant 0 : i32
      %dma_wait3A_69 = tpu.memref_slice %arg6[%dma_wait3A_67, %dma_wait3A_68] : memref<10240x64xf32, #tpu.memory_space<hbm>> -> memref<10240x64xf32, #tpu.memory_space<hbm>>
      tpu.wait_indirect_dma semaphore(%arg23 : memref<!tpu.dma_semaphore, #tpu.memory_space<semaphore_mem>>) src(%dma_wait3A_69 : memref<10240x64xf32, #tpu.memory_space<hbm>>) dst(%arg19 : memref<80x64xf32, #tpu.memory_space<vmem>>)
      "tpu.region"() ({
        %run_scoped3A = tpu.sem_alloc : memref<!tpu.dma_semaphore, #tpu.memory_space<semaphore_mem>>
        %dma_start3A_70 = arith.constant 0 : i32
        %dma_start3A_71 = tpu.memref_slice %arg18[%scan3A_59, %dma_start3A_70] : memref<250x80xi32, #tpu.memory_space<vmem>> -> memref<1x80xi32, #tpu.memory_space<vmem>>
        %dma_start3A_72 = tpu.memref_squeeze %dma_start3A_71 : memref<1x80xi32, #tpu.memory_space<vmem>> -> memref<80xi32, #tpu.memory_space<vmem>>
        %dma_start3A_73 = arith.constant 0 : i32
        %dma_start3A_74 = arith.constant 0 : i32
        %dma_start3A_75 = tpu.memref_slice %arg21[%dma_start3A_73, %dma_start3A_74] : memref<10240x64xf32, #tpu.memory_space<vmem_shared>> -> memref<10240x64xf32, #tpu.memory_space<vmem_shared>>
        tpu.enqueue_indirect_dma source(%arg19 : memref<80x64xf32, #tpu.memory_space<vmem>>) target(%dma_start3A_75 : memref<10240x64xf32, #tpu.memory_space<vmem_shared>>) offsets(%dma_start3A_72 : memref<80xi32, #tpu.memory_space<vmem>>) semaphore(%run_scoped3A : memref<!tpu.dma_semaphore, #tpu.memory_space<semaphore_mem>>) {add = true}
        %dma_wait3A_76 = arith.constant 0 : i32
        %dma_wait3A_77 = tpu.memref_slice %arg18[%scan3A_59, %dma_wait3A_76] : memref<250x80xi32, #tpu.memory_space<vmem>> -> memref<1x80xi32, #tpu.memory_space<vmem>>
        %dma_wait3A_78 = tpu.memref_squeeze %dma_wait3A_77 : memref<1x80xi32, #tpu.memory_space<vmem>> -> memref<80xi32, #tpu.memory_space<vmem>>
        %dma_wait3A_79 = arith.constant 0 : i32
        %dma_wait3A_80 = arith.constant 0 : i32
        %dma_wait3A_81 = tpu.memref_slice %arg21[%dma_wait3A_79, %dma_wait3A_80] : memref<10240x64xf32, #tpu.memory_space<vmem_shared>> -> memref<10240x64xf32, #tpu.memory_space<vmem_shared>>
        tpu.wait_indirect_dma semaphore(%run_scoped3A : memref<!tpu.dma_semaphore, #tpu.memory_space<semaphore_mem>>) src(%arg19 : memref<80x64xf32, #tpu.memory_space<vmem>>) dst(%dma_wait3A_81 : memref<10240x64xf32, #tpu.memory_space<vmem_shared>>)
        tpu.yield
      }) : () -> ()
    }
    %scan3A_7 = arith.constant 250 : i32
    %barrier3A_8 = arith.constant 0 : index
    tpu.barrier barrier_id(%barrier3A_8)
    %mul3A_9 = arith.constant 640 : i32
    %mul3A_10 = arith.muli %arg1, %mul3A_9 : i32
    %mul3A_11 = arith.constant 640 : i32
    %mul3A_12 = arith.muli %arg1, %mul3A_11 : i32
    "tpu.region"() ({
      %run_scoped3A = tpu.sem_alloc : memref<!tpu.dma_semaphore, #tpu.memory_space<semaphore_mem>>
      %dma_start3A = arith.constant 0 : i32
      %dma_start3A_59 = tpu.memref_slice %arg13[%arg0, %mul3A_12, %dma_start3A] : memref<2x10240x64xf32, #tpu.memory_space<hbm>> -> memref<1x640x64xf32, #tpu.memory_space<hbm>>
      %dma_start3A_60 = tpu.memref_squeeze %dma_start3A_59 : memref<1x640x64xf32, #tpu.memory_space<hbm>> -> memref<640x64xf32, #tpu.memory_space<hbm>>
      %dma_start3A_61 = arith.constant 0 : i32
      %dma_start3A_62 = tpu.memref_slice %arg21[%mul3A_10, %dma_start3A_61] : memref<10240x64xf32, #tpu.memory_space<vmem_shared>> -> memref<640x64xf32, #tpu.memory_space<vmem_shared>>
      tpu.enqueue_dma source(%dma_start3A_62 : memref<640x64xf32, #tpu.memory_space<vmem_shared>>) target(%dma_start3A_60 : memref<640x64xf32, #tpu.memory_space<hbm>>) target_semaphore(%run_scoped3A : memref<!tpu.dma_semaphore, #tpu.memory_space<semaphore_mem>>)
      %dma_wait3A = arith.constant 0 : i32
      %dma_wait3A_63 = tpu.memref_slice %arg13[%arg0, %mul3A_12, %dma_wait3A] : memref<2x10240x64xf32, #tpu.memory_space<hbm>> -> memref<1x640x64xf32, #tpu.memory_space<hbm>>
      %dma_wait3A_64 = tpu.memref_squeeze %dma_wait3A_63 : memref<1x640x64xf32, #tpu.memory_space<hbm>> -> memref<640x64xf32, #tpu.memory_space<hbm>>
      %dma_wait3A_65 = arith.constant 0 : i32
      %dma_wait3A_66 = tpu.memref_slice %arg21[%mul3A_10, %dma_wait3A_65] : memref<10240x64xf32, #tpu.memory_space<vmem_shared>> -> memref<640x64xf32, #tpu.memory_space<vmem_shared>>
      tpu.wait_dma2 semaphore(%run_scoped3A : memref<!tpu.dma_semaphore, #tpu.memory_space<semaphore_mem>>) src(%dma_wait3A_66 : memref<640x64xf32, #tpu.memory_space<vmem_shared>>) dst(%dma_wait3A_64 : memref<640x64xf32, #tpu.memory_space<hbm>>)
      tpu.yield
    }) : () -> ()
    %barrier3A_13 = arith.constant 0 : index
    tpu.barrier barrier_id(%barrier3A_13)
    %mul3A_14 = arith.constant 640 : i32
    %mul3A_15 = arith.muli %arg1, %mul3A_14 : i32
    "tpu.region"() ({
      %run_scoped3A = tpu.sem_alloc : memref<!tpu.dma_semaphore, #tpu.memory_space<semaphore_mem>>
      %dma_start3A = arith.constant 0 : i32
      %dma_start3A_59 = tpu.memref_slice %arg21[%mul3A_15, %dma_start3A] : memref<10240x64xf32, #tpu.memory_space<vmem_shared>> -> memref<640x64xf32, #tpu.memory_space<vmem_shared>>
      tpu.enqueue_dma source(%arg11 : memref<640x64xf32, #tpu.memory_space<hbm>>) target(%dma_start3A_59 : memref<640x64xf32, #tpu.memory_space<vmem_shared>>) target_semaphore(%run_scoped3A : memref<!tpu.dma_semaphore, #tpu.memory_space<semaphore_mem>>)
      %dma_wait3A = arith.constant 0 : i32
      %dma_wait3A_60 = tpu.memref_slice %arg21[%mul3A_15, %dma_wait3A] : memref<10240x64xf32, #tpu.memory_space<vmem_shared>> -> memref<640x64xf32, #tpu.memory_space<vmem_shared>>
      tpu.wait_dma2 semaphore(%run_scoped3A : memref<!tpu.dma_semaphore, #tpu.memory_space<semaphore_mem>>) src(%arg11 : memref<640x64xf32, #tpu.memory_space<hbm>>) dst(%dma_wait3A_60 : memref<640x64xf32, #tpu.memory_space<vmem_shared>>)
      tpu.yield
    }) : () -> ()
    %barrier3A_16 = arith.constant 0 : index
    tpu.barrier barrier_id(%barrier3A_16)
    %scan3A_17 = arith.constant 0 : i32
    %scan3A_18 = arith.constant 0 : i32
    %scan3A_19 = arith.constant 250 : i32
    %scan3A_20 = arith.addi %scan3A_18, %scan3A_19 : i32
    %scan3A_21 = arith.constant 1 : i32
    scf.for %scan3A_59 = %scan3A_18 to %scan3A_20 step %scan3A_21  : i32 {
      %dma_start3A = arith.constant 0 : i32
      %dma_start3A_60 = tpu.memref_slice %arg17[%scan3A_59, %dma_start3A] : memref<250x80xi32, #tpu.memory_space<vmem>> -> memref<1x80xi32, #tpu.memory_space<vmem>>
      %dma_start3A_61 = tpu.memref_squeeze %dma_start3A_60 : memref<1x80xi32, #tpu.memory_space<vmem>> -> memref<80xi32, #tpu.memory_space<vmem>>
      %dma_start3A_62 = arith.constant 0 : i32
      %dma_start3A_63 = arith.constant 0 : i32
      %dma_start3A_64 = tpu.memref_slice %arg7[%dma_start3A_62, %dma_start3A_63] : memref<10240x64xf32, #tpu.memory_space<hbm>> -> memref<10240x64xf32, #tpu.memory_space<hbm>>
      tpu.enqueue_indirect_dma source(%dma_start3A_64 : memref<10240x64xf32, #tpu.memory_space<hbm>>) target(%arg19 : memref<80x64xf32, #tpu.memory_space<vmem>>) offsets(%dma_start3A_61 : memref<80xi32, #tpu.memory_space<vmem>>) semaphore(%arg23 : memref<!tpu.dma_semaphore, #tpu.memory_space<semaphore_mem>>)
      %dma_wait3A = arith.constant 0 : i32
      %dma_wait3A_65 = tpu.memref_slice %arg17[%scan3A_59, %dma_wait3A] : memref<250x80xi32, #tpu.memory_space<vmem>> -> memref<1x80xi32, #tpu.memory_space<vmem>>
      %dma_wait3A_66 = tpu.memref_squeeze %dma_wait3A_65 : memref<1x80xi32, #tpu.memory_space<vmem>> -> memref<80xi32, #tpu.memory_space<vmem>>
      %dma_wait3A_67 = arith.constant 0 : i32
      %dma_wait3A_68 = arith.constant 0 : i32
      %dma_wait3A_69 = tpu.memref_slice %arg7[%dma_wait3A_67, %dma_wait3A_68] : memref<10240x64xf32, #tpu.memory_space<hbm>> -> memref<10240x64xf32, #tpu.memory_space<hbm>>
      tpu.wait_indirect_dma semaphore(%arg23 : memref<!tpu.dma_semaphore, #tpu.memory_space<semaphore_mem>>) src(%dma_wait3A_69 : memref<10240x64xf32, #tpu.memory_space<hbm>>) dst(%arg19 : memref<80x64xf32, #tpu.memory_space<vmem>>)
      "tpu.region"() ({
        %run_scoped3A = tpu.sem_alloc : memref<!tpu.dma_semaphore, #tpu.memory_space<semaphore_mem>>
        %dma_start3A_70 = arith.constant 0 : i32
        %dma_start3A_71 = tpu.memref_slice %arg18[%scan3A_59, %dma_start3A_70] : memref<250x80xi32, #tpu.memory_space<vmem>> -> memref<1x80xi32, #tpu.memory_space<vmem>>
        %dma_start3A_72 = tpu.memref_squeeze %dma_start3A_71 : memref<1x80xi32, #tpu.memory_space<vmem>> -> memref<80xi32, #tpu.memory_space<vmem>>
        %dma_start3A_73 = arith.constant 0 : i32
        %dma_start3A_74 = arith.constant 0 : i32
        %dma_start3A_75 = tpu.memref_slice %arg21[%dma_start3A_73, %dma_start3A_74] : memref<10240x64xf32, #tpu.memory_space<vmem_shared>> -> memref<10240x64xf32, #tpu.memory_space<vmem_shared>>
        tpu.enqueue_indirect_dma source(%arg19 : memref<80x64xf32, #tpu.memory_space<vmem>>) target(%dma_start3A_75 : memref<10240x64xf32, #tpu.memory_space<vmem_shared>>) offsets(%dma_start3A_72 : memref<80xi32, #tpu.memory_space<vmem>>) semaphore(%run_scoped3A : memref<!tpu.dma_semaphore, #tpu.memory_space<semaphore_mem>>) {add = true}
        %dma_wait3A_76 = arith.constant 0 : i32
        %dma_wait3A_77 = tpu.memref_slice %arg18[%scan3A_59, %dma_wait3A_76] : memref<250x80xi32, #tpu.memory_space<vmem>> -> memref<1x80xi32, #tpu.memory_space<vmem>>
        %dma_wait3A_78 = tpu.memref_squeeze %dma_wait3A_77 : memref<1x80xi32, #tpu.memory_space<vmem>> -> memref<80xi32, #tpu.memory_space<vmem>>
        %dma_wait3A_79 = arith.constant 0 : i32
        %dma_wait3A_80 = arith.constant 0 : i32
        %dma_wait3A_81 = tpu.memref_slice %arg21[%dma_wait3A_79, %dma_wait3A_80] : memref<10240x64xf32, #tpu.memory_space<vmem_shared>> -> memref<10240x64xf32, #tpu.memory_space<vmem_shared>>
        tpu.wait_indirect_dma semaphore(%run_scoped3A : memref<!tpu.dma_semaphore, #tpu.memory_space<semaphore_mem>>) src(%arg19 : memref<80x64xf32, #tpu.memory_space<vmem>>) dst(%dma_wait3A_81 : memref<10240x64xf32, #tpu.memory_space<vmem_shared>>)
        tpu.yield
      }) : () -> ()
    }
    %scan3A_22 = arith.constant 250 : i32
    %barrier3A_23 = arith.constant 0 : index
    tpu.barrier barrier_id(%barrier3A_23)
    %mul3A_24 = arith.constant 640 : i32
    %mul3A_25 = arith.muli %arg1, %mul3A_24 : i32
    %mul3A_26 = arith.constant 640 : i32
    %mul3A_27 = arith.muli %arg1, %mul3A_26 : i32
    "tpu.region"() ({
      %run_scoped3A = tpu.sem_alloc : memref<!tpu.dma_semaphore, #tpu.memory_space<semaphore_mem>>
      %dma_start3A = arith.constant 0 : i32
      %dma_start3A_59 = tpu.memref_slice %arg14[%arg0, %mul3A_27, %dma_start3A] : memref<2x10240x64xf32, #tpu.memory_space<hbm>> -> memref<1x640x64xf32, #tpu.memory_space<hbm>>
      %dma_start3A_60 = tpu.memref_squeeze %dma_start3A_59 : memref<1x640x64xf32, #tpu.memory_space<hbm>> -> memref<640x64xf32, #tpu.memory_space<hbm>>
      %dma_start3A_61 = arith.constant 0 : i32
      %dma_start3A_62 = tpu.memref_slice %arg21[%mul3A_25, %dma_start3A_61] : memref<10240x64xf32, #tpu.memory_space<vmem_shared>> -> memref<640x64xf32, #tpu.memory_space<vmem_shared>>
      tpu.enqueue_dma source(%dma_start3A_62 : memref<640x64xf32, #tpu.memory_space<vmem_shared>>) target(%dma_start3A_60 : memref<640x64xf32, #tpu.memory_space<hbm>>) target_semaphore(%run_scoped3A : memref<!tpu.dma_semaphore, #tpu.memory_space<semaphore_mem>>)
      %dma_wait3A = arith.constant 0 : i32
      %dma_wait3A_63 = tpu.memref_slice %arg14[%arg0, %mul3A_27, %dma_wait3A] : memref<2x10240x64xf32, #tpu.memory_space<hbm>> -> memref<1x640x64xf32, #tpu.memory_space<hbm>>
      %dma_wait3A_64 = tpu.memref_squeeze %dma_wait3A_63 : memref<1x640x64xf32, #tpu.memory_space<hbm>> -> memref<640x64xf32, #tpu.memory_space<hbm>>
      %dma_wait3A_65 = arith.constant 0 : i32
      %dma_wait3A_66 = tpu.memref_slice %arg21[%mul3A_25, %dma_wait3A_65] : memref<10240x64xf32, #tpu.memory_space<vmem_shared>> -> memref<640x64xf32, #tpu.memory_space<vmem_shared>>
      tpu.wait_dma2 semaphore(%run_scoped3A : memref<!tpu.dma_semaphore, #tpu.memory_space<semaphore_mem>>) src(%dma_wait3A_66 : memref<640x64xf32, #tpu.memory_space<vmem_shared>>) dst(%dma_wait3A_64 : memref<640x64xf32, #tpu.memory_space<hbm>>)
      tpu.yield
    }) : () -> ()
    %barrier3A_28 = arith.constant 0 : index
    tpu.barrier barrier_id(%barrier3A_28)
    "tpu.region"() ({
      %run_scoped3A = tpu.sem_alloc : memref<!tpu.dma_semaphore, #tpu.memory_space<semaphore_mem>>
      %dma_start3A = arith.constant 0 : i32
      %dma_start3A_59 = arith.constant 0 : i32
      %dma_start3A_60 = tpu.memref_slice %arg4[%add3A, %dma_start3A, %dma_start3A_59] : memref<32x250x80xi32, #tpu.memory_space<hbm>> -> memref<1x250x80xi32, #tpu.memory_space<hbm>>
      %dma_start3A_61 = tpu.memref_squeeze %dma_start3A_60 : memref<1x250x80xi32, #tpu.memory_space<hbm>> -> memref<250x80xi32, #tpu.memory_space<hbm>>
      %dma_start3A_62 = arith.constant 0 : i32
      %dma_start3A_63 = arith.constant 0 : i32
      %dma_start3A_64 = tpu.memref_slice %arg4[%add3A, %dma_start3A_62, %dma_start3A_63] : memref<32x250x80xi32, #tpu.memory_space<hbm>> -> memref<1x250x80xi32, #tpu.memory_space<hbm>>
      %dma_start3A_65 = tpu.memref_squeeze %dma_start3A_64 : memref<1x250x80xi32, #tpu.memory_space<hbm>> -> memref<250x80xi32, #tpu.memory_space<hbm>>
      tpu.enqueue_dma source(%dma_start3A_65 : memref<250x80xi32, #tpu.memory_space<hbm>>) target(%arg17 : memref<250x80xi32, #tpu.memory_space<vmem>>) target_semaphore(%run_scoped3A : memref<!tpu.dma_semaphore, #tpu.memory_space<semaphore_mem>>)
      %dma_wait3A = arith.constant 0 : i32
      %dma_wait3A_66 = arith.constant 0 : i32
      %dma_wait3A_67 = tpu.memref_slice %arg4[%add3A, %dma_wait3A, %dma_wait3A_66] : memref<32x250x80xi32, #tpu.memory_space<hbm>> -> memref<1x250x80xi32, #tpu.memory_space<hbm>>
      %dma_wait3A_68 = tpu.memref_squeeze %dma_wait3A_67 : memref<1x250x80xi32, #tpu.memory_space<hbm>> -> memref<250x80xi32, #tpu.memory_space<hbm>>
      %dma_wait3A_69 = arith.constant 0 : i32
      %dma_wait3A_70 = arith.constant 0 : i32
      %dma_wait3A_71 = tpu.memref_slice %arg4[%add3A, %dma_wait3A_69, %dma_wait3A_70] : memref<32x250x80xi32, #tpu.memory_space<hbm>> -> memref<1x250x80xi32, #tpu.memory_space<hbm>>
      %dma_wait3A_72 = tpu.memref_squeeze %dma_wait3A_71 : memref<1x250x80xi32, #tpu.memory_space<hbm>> -> memref<250x80xi32, #tpu.memory_space<hbm>>
      tpu.wait_dma2 semaphore(%run_scoped3A : memref<!tpu.dma_semaphore, #tpu.memory_space<semaphore_mem>>) src(%dma_wait3A_72 : memref<250x80xi32, #tpu.memory_space<hbm>>) dst(%arg17 : memref<250x80xi32, #tpu.memory_space<vmem>>)
      tpu.yield
    }) : () -> ()
    "tpu.region"() ({
      %run_scoped3A = tpu.sem_alloc : memref<!tpu.dma_semaphore, #tpu.memory_space<semaphore_mem>>
      %dma_start3A = arith.constant 0 : i32
      %dma_start3A_59 = arith.constant 0 : i32
      %dma_start3A_60 = tpu.memref_slice %arg5[%add3A, %dma_start3A, %dma_start3A_59] : memref<32x250x80xi32, #tpu.memory_space<hbm>> -> memref<1x250x80xi32, #tpu.memory_space<hbm>>
      %dma_start3A_61 = tpu.memref_squeeze %dma_start3A_60 : memref<1x250x80xi32, #tpu.memory_space<hbm>> -> memref<250x80xi32, #tpu.memory_space<hbm>>
      %dma_start3A_62 = arith.constant 0 : i32
      %dma_start3A_63 = arith.constant 0 : i32
      %dma_start3A_64 = tpu.memref_slice %arg5[%add3A, %dma_start3A_62, %dma_start3A_63] : memref<32x250x80xi32, #tpu.memory_space<hbm>> -> memref<1x250x80xi32, #tpu.memory_space<hbm>>
      %dma_start3A_65 = tpu.memref_squeeze %dma_start3A_64 : memref<1x250x80xi32, #tpu.memory_space<hbm>> -> memref<250x80xi32, #tpu.memory_space<hbm>>
      tpu.enqueue_dma source(%dma_start3A_65 : memref<250x80xi32, #tpu.memory_space<hbm>>) target(%arg18 : memref<250x80xi32, #tpu.memory_space<vmem>>) target_semaphore(%run_scoped3A : memref<!tpu.dma_semaphore, #tpu.memory_space<semaphore_mem>>)
      %dma_wait3A = arith.constant 0 : i32
      %dma_wait3A_66 = arith.constant 0 : i32
      %dma_wait3A_67 = tpu.memref_slice %arg5[%add3A, %dma_wait3A, %dma_wait3A_66] : memref<32x250x80xi32, #tpu.memory_space<hbm>> -> memref<1x250x80xi32, #tpu.memory_space<hbm>>
      %dma_wait3A_68 = tpu.memref_squeeze %dma_wait3A_67 : memref<1x250x80xi32, #tpu.memory_space<hbm>> -> memref<250x80xi32, #tpu.memory_space<hbm>>
      %dma_wait3A_69 = arith.constant 0 : i32
      %dma_wait3A_70 = arith.constant 0 : i32
      %dma_wait3A_71 = tpu.memref_slice %arg5[%add3A, %dma_wait3A_69, %dma_wait3A_70] : memref<32x250x80xi32, #tpu.memory_space<hbm>> -> memref<1x250x80xi32, #tpu.memory_space<hbm>>
      %dma_wait3A_72 = tpu.memref_squeeze %dma_wait3A_71 : memref<1x250x80xi32, #tpu.memory_space<hbm>> -> memref<250x80xi32, #tpu.memory_space<hbm>>
      tpu.wait_dma2 semaphore(%run_scoped3A : memref<!tpu.dma_semaphore, #tpu.memory_space<semaphore_mem>>) src(%dma_wait3A_72 : memref<250x80xi32, #tpu.memory_space<hbm>>) dst(%arg18 : memref<250x80xi32, #tpu.memory_space<vmem>>)
      tpu.yield
    }) : () -> ()
    %mul3A_29 = arith.constant 640 : i32
    %mul3A_30 = arith.muli %arg1, %mul3A_29 : i32
    "tpu.region"() ({
      %run_scoped3A = tpu.sem_alloc : memref<!tpu.dma_semaphore, #tpu.memory_space<semaphore_mem>>
      %dma_start3A = arith.constant 0 : i32
      %dma_start3A_59 = tpu.memref_slice %arg21[%mul3A_30, %dma_start3A] : memref<10240x64xf32, #tpu.memory_space<vmem_shared>> -> memref<640x64xf32, #tpu.memory_space<vmem_shared>>
      tpu.enqueue_dma source(%arg11 : memref<640x64xf32, #tpu.memory_space<hbm>>) target(%dma_start3A_59 : memref<640x64xf32, #tpu.memory_space<vmem_shared>>) target_semaphore(%run_scoped3A : memref<!tpu.dma_semaphore, #tpu.memory_space<semaphore_mem>>)
      %dma_wait3A = arith.constant 0 : i32
      %dma_wait3A_60 = tpu.memref_slice %arg21[%mul3A_30, %dma_wait3A] : memref<10240x64xf32, #tpu.memory_space<vmem_shared>> -> memref<640x64xf32, #tpu.memory_space<vmem_shared>>
      tpu.wait_dma2 semaphore(%run_scoped3A : memref<!tpu.dma_semaphore, #tpu.memory_space<semaphore_mem>>) src(%arg11 : memref<640x64xf32, #tpu.memory_space<hbm>>) dst(%dma_wait3A_60 : memref<640x64xf32, #tpu.memory_space<vmem_shared>>)
      tpu.yield
    }) : () -> ()
    %barrier3A_31 = arith.constant 0 : index
    tpu.barrier barrier_id(%barrier3A_31)
    %scan3A_32 = arith.constant 0 : i32
    %scan3A_33 = arith.constant 0 : i32
    %scan3A_34 = arith.constant 250 : i32
    %scan3A_35 = arith.addi %scan3A_33, %scan3A_34 : i32
    %scan3A_36 = arith.constant 1 : i32
    scf.for %scan3A_59 = %scan3A_33 to %scan3A_35 step %scan3A_36  : i32 {
      %dma_start3A = arith.constant 0 : i32
      %dma_start3A_60 = tpu.memref_slice %arg17[%scan3A_59, %dma_start3A] : memref<250x80xi32, #tpu.memory_space<vmem>> -> memref<1x80xi32, #tpu.memory_space<vmem>>
      %dma_start3A_61 = tpu.memref_squeeze %dma_start3A_60 : memref<1x80xi32, #tpu.memory_space<vmem>> -> memref<80xi32, #tpu.memory_space<vmem>>
      %dma_start3A_62 = arith.constant 0 : i32
      %dma_start3A_63 = arith.constant 0 : i32
      %dma_start3A_64 = tpu.memref_slice %arg8[%dma_start3A_62, %dma_start3A_63] : memref<10240x64xf32, #tpu.memory_space<hbm>> -> memref<10240x64xf32, #tpu.memory_space<hbm>>
      tpu.enqueue_indirect_dma source(%dma_start3A_64 : memref<10240x64xf32, #tpu.memory_space<hbm>>) target(%arg19 : memref<80x64xf32, #tpu.memory_space<vmem>>) offsets(%dma_start3A_61 : memref<80xi32, #tpu.memory_space<vmem>>) semaphore(%arg23 : memref<!tpu.dma_semaphore, #tpu.memory_space<semaphore_mem>>)
      %dma_wait3A = arith.constant 0 : i32
      %dma_wait3A_65 = tpu.memref_slice %arg17[%scan3A_59, %dma_wait3A] : memref<250x80xi32, #tpu.memory_space<vmem>> -> memref<1x80xi32, #tpu.memory_space<vmem>>
      %dma_wait3A_66 = tpu.memref_squeeze %dma_wait3A_65 : memref<1x80xi32, #tpu.memory_space<vmem>> -> memref<80xi32, #tpu.memory_space<vmem>>
      %dma_wait3A_67 = arith.constant 0 : i32
      %dma_wait3A_68 = arith.constant 0 : i32
      %dma_wait3A_69 = tpu.memref_slice %arg8[%dma_wait3A_67, %dma_wait3A_68] : memref<10240x64xf32, #tpu.memory_space<hbm>> -> memref<10240x64xf32, #tpu.memory_space<hbm>>
      tpu.wait_indirect_dma semaphore(%arg23 : memref<!tpu.dma_semaphore, #tpu.memory_space<semaphore_mem>>) src(%dma_wait3A_69 : memref<10240x64xf32, #tpu.memory_space<hbm>>) dst(%arg19 : memref<80x64xf32, #tpu.memory_space<vmem>>)
      "tpu.region"() ({
        %run_scoped3A = tpu.sem_alloc : memref<!tpu.dma_semaphore, #tpu.memory_space<semaphore_mem>>
        %dma_start3A_70 = arith.constant 0 : i32
        %dma_start3A_71 = tpu.memref_slice %arg18[%scan3A_59, %dma_start3A_70] : memref<250x80xi32, #tpu.memory_space<vmem>> -> memref<1x80xi32, #tpu.memory_space<vmem>>
        %dma_start3A_72 = tpu.memref_squeeze %dma_start3A_71 : memref<1x80xi32, #tpu.memory_space<vmem>> -> memref<80xi32, #tpu.memory_space<vmem>>
        %dma_start3A_73 = arith.constant 0 : i32
        %dma_start3A_74 = arith.constant 0 : i32
        %dma_start3A_75 = tpu.memref_slice %arg21[%dma_start3A_73, %dma_start3A_74] : memref<10240x64xf32, #tpu.memory_space<vmem_shared>> -> memref<10240x64xf32, #tpu.memory_space<vmem_shared>>
        tpu.enqueue_indirect_dma source(%arg19 : memref<80x64xf32, #tpu.memory_space<vmem>>) target(%dma_start3A_75 : memref<10240x64xf32, #tpu.memory_space<vmem_shared>>) offsets(%dma_start3A_72 : memref<80xi32, #tpu.memory_space<vmem>>) semaphore(%run_scoped3A : memref<!tpu.dma_semaphore, #tpu.memory_space<semaphore_mem>>) {add = true}
        %dma_wait3A_76 = arith.constant 0 : i32
        %dma_wait3A_77 = tpu.memref_slice %arg18[%scan3A_59, %dma_wait3A_76] : memref<250x80xi32, #tpu.memory_space<vmem>> -> memref<1x80xi32, #tpu.memory_space<vmem>>
        %dma_wait3A_78 = tpu.memref_squeeze %dma_wait3A_77 : memref<1x80xi32, #tpu.memory_space<vmem>> -> memref<80xi32, #tpu.memory_space<vmem>>
        %dma_wait3A_79 = arith.constant 0 : i32
        %dma_wait3A_80 = arith.constant 0 : i32
        %dma_wait3A_81 = tpu.memref_slice %arg21[%dma_wait3A_79, %dma_wait3A_80] : memref<10240x64xf32, #tpu.memory_space<vmem_shared>> -> memref<10240x64xf32, #tpu.memory_space<vmem_shared>>
        tpu.wait_indirect_dma semaphore(%run_scoped3A : memref<!tpu.dma_semaphore, #tpu.memory_space<semaphore_mem>>) src(%arg19 : memref<80x64xf32, #tpu.memory_space<vmem>>) dst(%dma_wait3A_81 : memref<10240x64xf32, #tpu.memory_space<vmem_shared>>)
        tpu.yield
      }) : () -> ()
    }
    %scan3A_37 = arith.constant 250 : i32
    %barrier3A_38 = arith.constant 0 : index
    tpu.barrier barrier_id(%barrier3A_38)
    %mul3A_39 = arith.constant 640 : i32
    %mul3A_40 = arith.muli %arg1, %mul3A_39 : i32
    %mul3A_41 = arith.constant 640 : i32
    %mul3A_42 = arith.muli %arg1, %mul3A_41 : i32
    "tpu.region"() ({
      %run_scoped3A = tpu.sem_alloc : memref<!tpu.dma_semaphore, #tpu.memory_space<semaphore_mem>>
      %dma_start3A = arith.constant 0 : i32
      %dma_start3A_59 = tpu.memref_slice %arg15[%arg0, %mul3A_42, %dma_start3A] : memref<2x10240x64xf32, #tpu.memory_space<hbm>> -> memref<1x640x64xf32, #tpu.memory_space<hbm>>
      %dma_start3A_60 = tpu.memref_squeeze %dma_start3A_59 : memref<1x640x64xf32, #tpu.memory_space<hbm>> -> memref<640x64xf32, #tpu.memory_space<hbm>>
      %dma_start3A_61 = arith.constant 0 : i32
      %dma_start3A_62 = tpu.memref_slice %arg21[%mul3A_40, %dma_start3A_61] : memref<10240x64xf32, #tpu.memory_space<vmem_shared>> -> memref<640x64xf32, #tpu.memory_space<vmem_shared>>
      tpu.enqueue_dma source(%dma_start3A_62 : memref<640x64xf32, #tpu.memory_space<vmem_shared>>) target(%dma_start3A_60 : memref<640x64xf32, #tpu.memory_space<hbm>>) target_semaphore(%run_scoped3A : memref<!tpu.dma_semaphore, #tpu.memory_space<semaphore_mem>>)
      %dma_wait3A = arith.constant 0 : i32
      %dma_wait3A_63 = tpu.memref_slice %arg15[%arg0, %mul3A_42, %dma_wait3A] : memref<2x10240x64xf32, #tpu.memory_space<hbm>> -> memref<1x640x64xf32, #tpu.memory_space<hbm>>
      %dma_wait3A_64 = tpu.memref_squeeze %dma_wait3A_63 : memref<1x640x64xf32, #tpu.memory_space<hbm>> -> memref<640x64xf32, #tpu.memory_space<hbm>>
      %dma_wait3A_65 = arith.constant 0 : i32
      %dma_wait3A_66 = tpu.memref_slice %arg21[%mul3A_40, %dma_wait3A_65] : memref<10240x64xf32, #tpu.memory_space<vmem_shared>> -> memref<640x64xf32, #tpu.memory_space<vmem_shared>>
      tpu.wait_dma2 semaphore(%run_scoped3A : memref<!tpu.dma_semaphore, #tpu.memory_space<semaphore_mem>>) src(%dma_wait3A_66 : memref<640x64xf32, #tpu.memory_space<vmem_shared>>) dst(%dma_wait3A_64 : memref<640x64xf32, #tpu.memory_space<hbm>>)
      tpu.yield
    }) : () -> ()
    %barrier3A_43 = arith.constant 0 : index
    tpu.barrier barrier_id(%barrier3A_43)
    %mul3A_44 = arith.constant 640 : i32
    %mul3A_45 = arith.muli %arg1, %mul3A_44 : i32
    "tpu.region"() ({
      %run_scoped3A = tpu.sem_alloc : memref<!tpu.dma_semaphore, #tpu.memory_space<semaphore_mem>>
      %dma_start3A = arith.constant 0 : i32
      %dma_start3A_59 = tpu.memref_slice %arg21[%mul3A_45, %dma_start3A] : memref<10240x64xf32, #tpu.memory_space<vmem_shared>> -> memref<640x64xf32, #tpu.memory_space<vmem_shared>>
      tpu.enqueue_dma source(%arg11 : memref<640x64xf32, #tpu.memory_space<hbm>>) target(%dma_start3A_59 : memref<640x64xf32, #tpu.memory_space<vmem_shared>>) target_semaphore(%run_scoped3A : memref<!tpu.dma_semaphore, #tpu.memory_space<semaphore_mem>>)
      %dma_wait3A = arith.constant 0 : i32
      %dma_wait3A_60 = tpu.memref_slice %arg21[%mul3A_45, %dma_wait3A] : memref<10240x64xf32, #tpu.memory_space<vmem_shared>> -> memref<640x64xf32, #tpu.memory_space<vmem_shared>>
      tpu.wait_dma2 semaphore(%run_scoped3A : memref<!tpu.dma_semaphore, #tpu.memory_space<semaphore_mem>>) src(%arg11 : memref<640x64xf32, #tpu.memory_space<hbm>>) dst(%dma_wait3A_60 : memref<640x64xf32, #tpu.memory_space<vmem_shared>>)
      tpu.yield
    }) : () -> ()
    %barrier3A_46 = arith.constant 0 : index
    tpu.barrier barrier_id(%barrier3A_46)
    %scan3A_47 = arith.constant 0 : i32
    %scan3A_48 = arith.constant 0 : i32
    %scan3A_49 = arith.constant 250 : i32
    %scan3A_50 = arith.addi %scan3A_48, %scan3A_49 : i32
    %scan3A_51 = arith.constant 1 : i32
    scf.for %scan3A_59 = %scan3A_48 to %scan3A_50 step %scan3A_51  : i32 {
      %dma_start3A = arith.constant 0 : i32
      %dma_start3A_60 = tpu.memref_slice %arg17[%scan3A_59, %dma_start3A] : memref<250x80xi32, #tpu.memory_space<vmem>> -> memref<1x80xi32, #tpu.memory_space<vmem>>
      %dma_start3A_61 = tpu.memref_squeeze %dma_start3A_60 : memref<1x80xi32, #tpu.memory_space<vmem>> -> memref<80xi32, #tpu.memory_space<vmem>>
      %dma_start3A_62 = arith.constant 0 : i32
      %dma_start3A_63 = arith.constant 0 : i32
      %dma_start3A_64 = tpu.memref_slice %arg9[%dma_start3A_62, %dma_start3A_63] : memref<10240x64xf32, #tpu.memory_space<hbm>> -> memref<10240x64xf32, #tpu.memory_space<hbm>>
      tpu.enqueue_indirect_dma source(%dma_start3A_64 : memref<10240x64xf32, #tpu.memory_space<hbm>>) target(%arg19 : memref<80x64xf32, #tpu.memory_space<vmem>>) offsets(%dma_start3A_61 : memref<80xi32, #tpu.memory_space<vmem>>) semaphore(%arg23 : memref<!tpu.dma_semaphore, #tpu.memory_space<semaphore_mem>>)
      %dma_wait3A = arith.constant 0 : i32
      %dma_wait3A_65 = tpu.memref_slice %arg17[%scan3A_59, %dma_wait3A] : memref<250x80xi32, #tpu.memory_space<vmem>> -> memref<1x80xi32, #tpu.memory_space<vmem>>
      %dma_wait3A_66 = tpu.memref_squeeze %dma_wait3A_65 : memref<1x80xi32, #tpu.memory_space<vmem>> -> memref<80xi32, #tpu.memory_space<vmem>>
      %dma_wait3A_67 = arith.constant 0 : i32
      %dma_wait3A_68 = arith.constant 0 : i32
      %dma_wait3A_69 = tpu.memref_slice %arg9[%dma_wait3A_67, %dma_wait3A_68] : memref<10240x64xf32, #tpu.memory_space<hbm>> -> memref<10240x64xf32, #tpu.memory_space<hbm>>
      tpu.wait_indirect_dma semaphore(%arg23 : memref<!tpu.dma_semaphore, #tpu.memory_space<semaphore_mem>>) src(%dma_wait3A_69 : memref<10240x64xf32, #tpu.memory_space<hbm>>) dst(%arg19 : memref<80x64xf32, #tpu.memory_space<vmem>>)
      "tpu.region"() ({
        %run_scoped3A = tpu.sem_alloc : memref<!tpu.dma_semaphore, #tpu.memory_space<semaphore_mem>>
        %dma_start3A_70 = arith.constant 0 : i32
        %dma_start3A_71 = tpu.memref_slice %arg18[%scan3A_59, %dma_start3A_70] : memref<250x80xi32, #tpu.memory_space<vmem>> -> memref<1x80xi32, #tpu.memory_space<vmem>>
        %dma_start3A_72 = tpu.memref_squeeze %dma_start3A_71 : memref<1x80xi32, #tpu.memory_space<vmem>> -> memref<80xi32, #tpu.memory_space<vmem>>
        %dma_start3A_73 = arith.constant 0 : i32
        %dma_start3A_74 = arith.constant 0 : i32
        %dma_start3A_75 = tpu.memref_slice %arg21[%dma_start3A_73, %dma_start3A_74] : memref<10240x64xf32, #tpu.memory_space<vmem_shared>> -> memref<10240x64xf32, #tpu.memory_space<vmem_shared>>
        tpu.enqueue_indirect_dma source(%arg19 : memref<80x64xf32, #tpu.memory_space<vmem>>) target(%dma_start3A_75 : memref<10240x64xf32, #tpu.memory_space<vmem_shared>>) offsets(%dma_start3A_72 : memref<80xi32, #tpu.memory_space<vmem>>) semaphore(%run_scoped3A : memref<!tpu.dma_semaphore, #tpu.memory_space<semaphore_mem>>) {add = true}
        %dma_wait3A_76 = arith.constant 0 : i32
        %dma_wait3A_77 = tpu.memref_slice %arg18[%scan3A_59, %dma_wait3A_76] : memref<250x80xi32, #tpu.memory_space<vmem>> -> memref<1x80xi32, #tpu.memory_space<vmem>>
        %dma_wait3A_78 = tpu.memref_squeeze %dma_wait3A_77 : memref<1x80xi32, #tpu.memory_space<vmem>> -> memref<80xi32, #tpu.memory_space<vmem>>
        %dma_wait3A_79 = arith.constant 0 : i32
        %dma_wait3A_80 = arith.constant 0 : i32
        %dma_wait3A_81 = tpu.memref_slice %arg21[%dma_wait3A_79, %dma_wait3A_80] : memref<10240x64xf32, #tpu.memory_space<vmem_shared>> -> memref<10240x64xf32, #tpu.memory_space<vmem_shared>>
        tpu.wait_indirect_dma semaphore(%run_scoped3A : memref<!tpu.dma_semaphore, #tpu.memory_space<semaphore_mem>>) src(%arg19 : memref<80x64xf32, #tpu.memory_space<vmem>>) dst(%dma_wait3A_81 : memref<10240x64xf32, #tpu.memory_space<vmem_shared>>)
        tpu.yield
      }) : () -> ()
    }
    %scan3A_52 = arith.constant 250 : i32
    %barrier3A_53 = arith.constant 0 : index
    tpu.barrier barrier_id(%barrier3A_53)
    %mul3A_54 = arith.constant 640 : i32
    %mul3A_55 = arith.muli %arg1, %mul3A_54 : i32
    %mul3A_56 = arith.constant 640 : i32
    %mul3A_57 = arith.muli %arg1, %mul3A_56 : i32
    "tpu.region"() ({
      %run_scoped3A = tpu.sem_alloc : memref<!tpu.dma_semaphore, #tpu.memory_space<semaphore_mem>>
      %dma_start3A = arith.constant 0 : i32
      %dma_start3A_59 = tpu.memref_slice %arg16[%arg0, %mul3A_57, %dma_start3A] : memref<2x10240x64xf32, #tpu.memory_space<hbm>> -> memref<1x640x64xf32, #tpu.memory_space<hbm>>
      %dma_start3A_60 = tpu.memref_squeeze %dma_start3A_59 : memref<1x640x64xf32, #tpu.memory_space<hbm>> -> memref<640x64xf32, #tpu.memory_space<hbm>>
      %dma_start3A_61 = arith.constant 0 : i32
      %dma_start3A_62 = tpu.memref_slice %arg21[%mul3A_55, %dma_start3A_61] : memref<10240x64xf32, #tpu.memory_space<vmem_shared>> -> memref<640x64xf32, #tpu.memory_space<vmem_shared>>
      tpu.enqueue_dma source(%dma_start3A_62 : memref<640x64xf32, #tpu.memory_space<vmem_shared>>) target(%dma_start3A_60 : memref<640x64xf32, #tpu.memory_space<hbm>>) target_semaphore(%run_scoped3A : memref<!tpu.dma_semaphore, #tpu.memory_space<semaphore_mem>>)
      %dma_wait3A = arith.constant 0 : i32
      %dma_wait3A_63 = tpu.memref_slice %arg16[%arg0, %mul3A_57, %dma_wait3A] : memref<2x10240x64xf32, #tpu.memory_space<hbm>> -> memref<1x640x64xf32, #tpu.memory_space<hbm>>
      %dma_wait3A_64 = tpu.memref_squeeze %dma_wait3A_63 : memref<1x640x64xf32, #tpu.memory_space<hbm>> -> memref<640x64xf32, #tpu.memory_space<hbm>>
      %dma_wait3A_65 = arith.constant 0 : i32
      %dma_wait3A_66 = tpu.memref_slice %arg21[%mul3A_55, %dma_wait3A_65] : memref<10240x64xf32, #tpu.memory_space<vmem_shared>> -> memref<640x64xf32, #tpu.memory_space<vmem_shared>>
      tpu.wait_dma2 semaphore(%run_scoped3A : memref<!tpu.dma_semaphore, #tpu.memory_space<semaphore_mem>>) src(%dma_wait3A_66 : memref<640x64xf32, #tpu.memory_space<vmem_shared>>) dst(%dma_wait3A_64 : memref<640x64xf32, #tpu.memory_space<hbm>>)
      tpu.yield
    }) : () -> ()
    %barrier3A_58 = arith.constant 0 : index
    tpu.barrier barrier_id(%barrier3A_58)
    return
  }
}

#map = affine_map<(d0, d1) -> (0, 0, 0)>
#map1 = affine_map<(d0, d1) -> (0, 0)>
module attributes {stable_mosaic.version = 14 : i64} {
  func.func @body(%arg0: i32, %arg1: i32, %arg2: memref<32x250x80xi32, #tpu.memory_space<hbm>>, %arg3: memref<32x250x80xi32, #tpu.memory_space<hbm>>, %arg4: memref<32x250x80xi32, #tpu.memory_space<hbm>>, %arg5: memref<32x250x80xi32, #tpu.memory_space<hbm>>, %arg6: memref<32x250x80xi32, #tpu.memory_space<hbm>>, %arg7: memref<32x250x80xi32, #tpu.memory_space<hbm>>, %arg8: memref<10240x64xf32, #tpu.memory_space<hbm>>, %arg9: memref<10240x64xf32, #tpu.memory_space<hbm>>, %arg10: memref<10240x64xf32, #tpu.memory_space<hbm>>, %arg11: memref<10240x64xf32, #tpu.memory_space<hbm>>, %arg12: memref<80x8xf32, #tpu.memory_space<hbm>>, %arg13: memref<640x64xf32, #tpu.memory_space<hbm>>, %arg14: memref<640x8xf32, #tpu.memory_space<hbm>>, %arg15: memref<2x10240x64xf32, #tpu.memory_space<hbm>>, %arg16: memref<2x10240x64xf32, #tpu.memory_space<hbm>>, %arg17: memref<2x10240x64xf32, #tpu.memory_space<hbm>>, %arg18: memref<2x10240x64xf32, #tpu.memory_space<hbm>>, %arg19: memref<2x10240x64xf32, #tpu.memory_space<hbm>>, %arg20: memref<2x10240x64xf32, #tpu.memory_space<hbm>>, %arg21: memref<2x10240x8xf32, #tpu.memory_space<hbm>>, %arg22: memref<2x10240x8xf32, #tpu.memory_space<hbm>>, %arg23: memref<2x10240x8xf32, #tpu.memory_space<hbm>>, %arg24: memref<250x80xi32, #tpu.memory_space<vmem>>, %arg25: memref<250x80xi32, #tpu.memory_space<vmem>>, %arg26: memref<80x64xf32, #tpu.memory_space<vmem>>, %arg27: memref<80x8xf32, #tpu.memory_space<vmem>>, %arg28: memref<10240x64xf32, #tpu.memory_space<vmem_shared>>, %arg29: memref<10240x8xf32, #tpu.memory_space<vmem_shared>>, %arg30: memref<!tpu.dma_semaphore, #tpu.memory_space<semaphore_mem>>) attributes {dimension_semantics = [#tpu.dimension_semantics<core_parallel>, #tpu.dimension_semantics<subcore_parallel>], iteration_bounds = array<i64: 2, 16>, scalar_prefetch = 0 : i64, scratch_operands = 7 : i64, tpu.core_type = #tpu.core_type<sc_vector_subcore>, window_params = [{transform_indices = #map}, {transform_indices = #map}, {transform_indices = #map}, {transform_indices = #map}, {transform_indices = #map}, {transform_indices = #map}, {transform_indices = #map1}, {transform_indices = #map1}, {transform_indices = #map1}, {transform_indices = #map1}, {transform_indices = #map1}, {transform_indices = #map1}, {transform_indices = #map1}, {transform_indices = #map}, {transform_indices = #map}, {transform_indices = #map}, {transform_indices = #map}, {transform_indices = #map}, {transform_indices = #map}, {transform_indices = #map}, {transform_indices = #map}, {transform_indices = #map}]} {
    %mul3A = arith.constant 16 : i32
    %mul3A_0 = arith.muli %arg0, %mul3A : i32
    %add3A = arith.addi %mul3A_0, %arg1 : i32
    "tpu.region"() ({
      %run_scoped3A = tpu.sem_alloc : memref<!tpu.dma_semaphore, #tpu.memory_space<semaphore_mem>>
      tpu.enqueue_dma source(%arg12 : memref<80x8xf32, #tpu.memory_space<hbm>>) target(%arg27 : memref<80x8xf32, #tpu.memory_space<vmem>>) target_semaphore(%run_scoped3A : memref<!tpu.dma_semaphore, #tpu.memory_space<semaphore_mem>>)
      tpu.wait_dma2 semaphore(%run_scoped3A : memref<!tpu.dma_semaphore, #tpu.memory_space<semaphore_mem>>) src(%arg12 : memref<80x8xf32, #tpu.memory_space<hbm>>) dst(%arg27 : memref<80x8xf32, #tpu.memory_space<vmem>>)
      tpu.yield
    }) : () -> ()
    "tpu.region"() ({
      %run_scoped3A = tpu.sem_alloc : memref<!tpu.dma_semaphore, #tpu.memory_space<semaphore_mem>>
      %dma_start3A = arith.constant 0 : i32
      %dma_start3A_107 = arith.constant 0 : i32
      %dma_start3A_108 = tpu.memref_slice %arg2[%add3A, %dma_start3A, %dma_start3A_107] : memref<32x250x80xi32, #tpu.memory_space<hbm>> -> memref<1x250x80xi32, #tpu.memory_space<hbm>>
      %dma_start3A_109 = tpu.memref_squeeze %dma_start3A_108 : memref<1x250x80xi32, #tpu.memory_space<hbm>> -> memref<250x80xi32, #tpu.memory_space<hbm>>
      %dma_start3A_110 = arith.constant 0 : i32
      %dma_start3A_111 = arith.constant 0 : i32
      %dma_start3A_112 = tpu.memref_slice %arg2[%add3A, %dma_start3A_110, %dma_start3A_111] : memref<32x250x80xi32, #tpu.memory_space<hbm>> -> memref<1x250x80xi32, #tpu.memory_space<hbm>>
      %dma_start3A_113 = tpu.memref_squeeze %dma_start3A_112 : memref<1x250x80xi32, #tpu.memory_space<hbm>> -> memref<250x80xi32, #tpu.memory_space<hbm>>
      tpu.enqueue_dma source(%dma_start3A_113 : memref<250x80xi32, #tpu.memory_space<hbm>>) target(%arg24 : memref<250x80xi32, #tpu.memory_space<vmem>>) target_semaphore(%run_scoped3A : memref<!tpu.dma_semaphore, #tpu.memory_space<semaphore_mem>>)
      %dma_wait3A = arith.constant 0 : i32
      %dma_wait3A_114 = arith.constant 0 : i32
      %dma_wait3A_115 = tpu.memref_slice %arg2[%add3A, %dma_wait3A, %dma_wait3A_114] : memref<32x250x80xi32, #tpu.memory_space<hbm>> -> memref<1x250x80xi32, #tpu.memory_space<hbm>>
      %dma_wait3A_116 = tpu.memref_squeeze %dma_wait3A_115 : memref<1x250x80xi32, #tpu.memory_space<hbm>> -> memref<250x80xi32, #tpu.memory_space<hbm>>
      %dma_wait3A_117 = arith.constant 0 : i32
      %dma_wait3A_118 = arith.constant 0 : i32
      %dma_wait3A_119 = tpu.memref_slice %arg2[%add3A, %dma_wait3A_117, %dma_wait3A_118] : memref<32x250x80xi32, #tpu.memory_space<hbm>> -> memref<1x250x80xi32, #tpu.memory_space<hbm>>
      %dma_wait3A_120 = tpu.memref_squeeze %dma_wait3A_119 : memref<1x250x80xi32, #tpu.memory_space<hbm>> -> memref<250x80xi32, #tpu.memory_space<hbm>>
      tpu.wait_dma2 semaphore(%run_scoped3A : memref<!tpu.dma_semaphore, #tpu.memory_space<semaphore_mem>>) src(%dma_wait3A_120 : memref<250x80xi32, #tpu.memory_space<hbm>>) dst(%arg24 : memref<250x80xi32, #tpu.memory_space<vmem>>)
      tpu.yield
    }) : () -> ()
    "tpu.region"() ({
      %run_scoped3A = tpu.sem_alloc : memref<!tpu.dma_semaphore, #tpu.memory_space<semaphore_mem>>
      %dma_start3A = arith.constant 0 : i32
      %dma_start3A_107 = arith.constant 0 : i32
      %dma_start3A_108 = tpu.memref_slice %arg3[%add3A, %dma_start3A, %dma_start3A_107] : memref<32x250x80xi32, #tpu.memory_space<hbm>> -> memref<1x250x80xi32, #tpu.memory_space<hbm>>
      %dma_start3A_109 = tpu.memref_squeeze %dma_start3A_108 : memref<1x250x80xi32, #tpu.memory_space<hbm>> -> memref<250x80xi32, #tpu.memory_space<hbm>>
      %dma_start3A_110 = arith.constant 0 : i32
      %dma_start3A_111 = arith.constant 0 : i32
      %dma_start3A_112 = tpu.memref_slice %arg3[%add3A, %dma_start3A_110, %dma_start3A_111] : memref<32x250x80xi32, #tpu.memory_space<hbm>> -> memref<1x250x80xi32, #tpu.memory_space<hbm>>
      %dma_start3A_113 = tpu.memref_squeeze %dma_start3A_112 : memref<1x250x80xi32, #tpu.memory_space<hbm>> -> memref<250x80xi32, #tpu.memory_space<hbm>>
      tpu.enqueue_dma source(%dma_start3A_113 : memref<250x80xi32, #tpu.memory_space<hbm>>) target(%arg25 : memref<250x80xi32, #tpu.memory_space<vmem>>) target_semaphore(%run_scoped3A : memref<!tpu.dma_semaphore, #tpu.memory_space<semaphore_mem>>)
      %dma_wait3A = arith.constant 0 : i32
      %dma_wait3A_114 = arith.constant 0 : i32
      %dma_wait3A_115 = tpu.memref_slice %arg3[%add3A, %dma_wait3A, %dma_wait3A_114] : memref<32x250x80xi32, #tpu.memory_space<hbm>> -> memref<1x250x80xi32, #tpu.memory_space<hbm>>
      %dma_wait3A_116 = tpu.memref_squeeze %dma_wait3A_115 : memref<1x250x80xi32, #tpu.memory_space<hbm>> -> memref<250x80xi32, #tpu.memory_space<hbm>>
      %dma_wait3A_117 = arith.constant 0 : i32
      %dma_wait3A_118 = arith.constant 0 : i32
      %dma_wait3A_119 = tpu.memref_slice %arg3[%add3A, %dma_wait3A_117, %dma_wait3A_118] : memref<32x250x80xi32, #tpu.memory_space<hbm>> -> memref<1x250x80xi32, #tpu.memory_space<hbm>>
      %dma_wait3A_120 = tpu.memref_squeeze %dma_wait3A_119 : memref<1x250x80xi32, #tpu.memory_space<hbm>> -> memref<250x80xi32, #tpu.memory_space<hbm>>
      tpu.wait_dma2 semaphore(%run_scoped3A : memref<!tpu.dma_semaphore, #tpu.memory_space<semaphore_mem>>) src(%dma_wait3A_120 : memref<250x80xi32, #tpu.memory_space<hbm>>) dst(%arg25 : memref<250x80xi32, #tpu.memory_space<vmem>>)
      tpu.yield
    }) : () -> ()
    %mul3A_1 = arith.constant 640 : i32
    %mul3A_2 = arith.muli %arg1, %mul3A_1 : i32
    "tpu.region"() ({
      %run_scoped3A = tpu.sem_alloc : memref<!tpu.dma_semaphore, #tpu.memory_space<semaphore_mem>>
      %dma_start3A = arith.constant 0 : i32
      %dma_start3A_107 = tpu.memref_slice %arg28[%mul3A_2, %dma_start3A] : memref<10240x64xf32, #tpu.memory_space<vmem_shared>> -> memref<640x64xf32, #tpu.memory_space<vmem_shared>>
      tpu.enqueue_dma source(%arg13 : memref<640x64xf32, #tpu.memory_space<hbm>>) target(%dma_start3A_107 : memref<640x64xf32, #tpu.memory_space<vmem_shared>>) target_semaphore(%run_scoped3A : memref<!tpu.dma_semaphore, #tpu.memory_space<semaphore_mem>>)
      %dma_wait3A = arith.constant 0 : i32
      %dma_wait3A_108 = tpu.memref_slice %arg28[%mul3A_2, %dma_wait3A] : memref<10240x64xf32, #tpu.memory_space<vmem_shared>> -> memref<640x64xf32, #tpu.memory_space<vmem_shared>>
      tpu.wait_dma2 semaphore(%run_scoped3A : memref<!tpu.dma_semaphore, #tpu.memory_space<semaphore_mem>>) src(%arg13 : memref<640x64xf32, #tpu.memory_space<hbm>>) dst(%dma_wait3A_108 : memref<640x64xf32, #tpu.memory_space<vmem_shared>>)
      tpu.yield
    }) : () -> ()
    %mul3A_3 = arith.constant 640 : i32
    %mul3A_4 = arith.muli %arg1, %mul3A_3 : i32
    "tpu.region"() ({
      %run_scoped3A = tpu.sem_alloc : memref<!tpu.dma_semaphore, #tpu.memory_space<semaphore_mem>>
      %dma_start3A = arith.constant 0 : i32
      %dma_start3A_107 = tpu.memref_slice %arg29[%mul3A_4, %dma_start3A] : memref<10240x8xf32, #tpu.memory_space<vmem_shared>> -> memref<640x8xf32, #tpu.memory_space<vmem_shared>>
      tpu.enqueue_dma source(%arg14 : memref<640x8xf32, #tpu.memory_space<hbm>>) target(%dma_start3A_107 : memref<640x8xf32, #tpu.memory_space<vmem_shared>>) target_semaphore(%run_scoped3A : memref<!tpu.dma_semaphore, #tpu.memory_space<semaphore_mem>>)
      %dma_wait3A = arith.constant 0 : i32
      %dma_wait3A_108 = tpu.memref_slice %arg29[%mul3A_4, %dma_wait3A] : memref<10240x8xf32, #tpu.memory_space<vmem_shared>> -> memref<640x8xf32, #tpu.memory_space<vmem_shared>>
      tpu.wait_dma2 semaphore(%run_scoped3A : memref<!tpu.dma_semaphore, #tpu.memory_space<semaphore_mem>>) src(%arg14 : memref<640x8xf32, #tpu.memory_space<hbm>>) dst(%dma_wait3A_108 : memref<640x8xf32, #tpu.memory_space<vmem_shared>>)
      tpu.yield
    }) : () -> ()
    %barrier3A = arith.constant 0 : index
    tpu.barrier barrier_id(%barrier3A)
    %scan3A = arith.constant 0 : i32
    %scan3A_5 = arith.constant 0 : i32
    %scan3A_6 = arith.constant 250 : i32
    %scan3A_7 = arith.addi %scan3A_5, %scan3A_6 : i32
    %scan3A_8 = arith.constant 1 : i32
    scf.for %scan3A_107 = %scan3A_5 to %scan3A_7 step %scan3A_8  : i32 {
      %dma_start3A = arith.constant 0 : i32
      %dma_start3A_108 = tpu.memref_slice %arg24[%scan3A_107, %dma_start3A] : memref<250x80xi32, #tpu.memory_space<vmem>> -> memref<1x80xi32, #tpu.memory_space<vmem>>
      %dma_start3A_109 = tpu.memref_squeeze %dma_start3A_108 : memref<1x80xi32, #tpu.memory_space<vmem>> -> memref<80xi32, #tpu.memory_space<vmem>>
      %dma_start3A_110 = arith.constant 0 : i32
      %dma_start3A_111 = arith.constant 0 : i32
      %dma_start3A_112 = tpu.memref_slice %arg8[%dma_start3A_110, %dma_start3A_111] : memref<10240x64xf32, #tpu.memory_space<hbm>> -> memref<10240x64xf32, #tpu.memory_space<hbm>>
      tpu.enqueue_indirect_dma source(%dma_start3A_112 : memref<10240x64xf32, #tpu.memory_space<hbm>>) target(%arg26 : memref<80x64xf32, #tpu.memory_space<vmem>>) offsets(%dma_start3A_109 : memref<80xi32, #tpu.memory_space<vmem>>) semaphore(%arg30 : memref<!tpu.dma_semaphore, #tpu.memory_space<semaphore_mem>>)
      %dma_wait3A = arith.constant 0 : i32
      %dma_wait3A_113 = tpu.memref_slice %arg24[%scan3A_107, %dma_wait3A] : memref<250x80xi32, #tpu.memory_space<vmem>> -> memref<1x80xi32, #tpu.memory_space<vmem>>
      %dma_wait3A_114 = tpu.memref_squeeze %dma_wait3A_113 : memref<1x80xi32, #tpu.memory_space<vmem>> -> memref<80xi32, #tpu.memory_space<vmem>>
      %dma_wait3A_115 = arith.constant 0 : i32
      %dma_wait3A_116 = arith.constant 0 : i32
      %dma_wait3A_117 = tpu.memref_slice %arg8[%dma_wait3A_115, %dma_wait3A_116] : memref<10240x64xf32, #tpu.memory_space<hbm>> -> memref<10240x64xf32, #tpu.memory_space<hbm>>
      tpu.wait_indirect_dma semaphore(%arg30 : memref<!tpu.dma_semaphore, #tpu.memory_space<semaphore_mem>>) src(%dma_wait3A_117 : memref<10240x64xf32, #tpu.memory_space<hbm>>) dst(%arg26 : memref<80x64xf32, #tpu.memory_space<vmem>>)
      "tpu.region"() ({
        %run_scoped3A = tpu.sem_alloc : memref<!tpu.dma_semaphore, #tpu.memory_space<semaphore_mem>>
        %dma_start3A_118 = arith.constant 0 : i32
        %dma_start3A_119 = tpu.memref_slice %arg25[%scan3A_107, %dma_start3A_118] : memref<250x80xi32, #tpu.memory_space<vmem>> -> memref<1x80xi32, #tpu.memory_space<vmem>>
        %dma_start3A_120 = tpu.memref_squeeze %dma_start3A_119 : memref<1x80xi32, #tpu.memory_space<vmem>> -> memref<80xi32, #tpu.memory_space<vmem>>
        %dma_start3A_121 = arith.constant 0 : i32
        %dma_start3A_122 = arith.constant 0 : i32
        %dma_start3A_123 = tpu.memref_slice %arg28[%dma_start3A_121, %dma_start3A_122] : memref<10240x64xf32, #tpu.memory_space<vmem_shared>> -> memref<10240x64xf32, #tpu.memory_space<vmem_shared>>
        tpu.enqueue_indirect_dma source(%arg26 : memref<80x64xf32, #tpu.memory_space<vmem>>) target(%dma_start3A_123 : memref<10240x64xf32, #tpu.memory_space<vmem_shared>>) offsets(%dma_start3A_120 : memref<80xi32, #tpu.memory_space<vmem>>) semaphore(%run_scoped3A : memref<!tpu.dma_semaphore, #tpu.memory_space<semaphore_mem>>) {add = true}
        %dma_wait3A_124 = arith.constant 0 : i32
        %dma_wait3A_125 = tpu.memref_slice %arg25[%scan3A_107, %dma_wait3A_124] : memref<250x80xi32, #tpu.memory_space<vmem>> -> memref<1x80xi32, #tpu.memory_space<vmem>>
        %dma_wait3A_126 = tpu.memref_squeeze %dma_wait3A_125 : memref<1x80xi32, #tpu.memory_space<vmem>> -> memref<80xi32, #tpu.memory_space<vmem>>
        %dma_wait3A_127 = arith.constant 0 : i32
        %dma_wait3A_128 = arith.constant 0 : i32
        %dma_wait3A_129 = tpu.memref_slice %arg28[%dma_wait3A_127, %dma_wait3A_128] : memref<10240x64xf32, #tpu.memory_space<vmem_shared>> -> memref<10240x64xf32, #tpu.memory_space<vmem_shared>>
        tpu.wait_indirect_dma semaphore(%run_scoped3A : memref<!tpu.dma_semaphore, #tpu.memory_space<semaphore_mem>>) src(%arg26 : memref<80x64xf32, #tpu.memory_space<vmem>>) dst(%dma_wait3A_129 : memref<10240x64xf32, #tpu.memory_space<vmem_shared>>)
        tpu.yield
      }) : () -> ()
      "tpu.region"() ({
        %run_scoped3A = tpu.sem_alloc : memref<!tpu.dma_semaphore, #tpu.memory_space<semaphore_mem>>
        %dma_start3A_118 = arith.constant 0 : i32
        %dma_start3A_119 = tpu.memref_slice %arg25[%scan3A_107, %dma_start3A_118] : memref<250x80xi32, #tpu.memory_space<vmem>> -> memref<1x80xi32, #tpu.memory_space<vmem>>
        %dma_start3A_120 = tpu.memref_squeeze %dma_start3A_119 : memref<1x80xi32, #tpu.memory_space<vmem>> -> memref<80xi32, #tpu.memory_space<vmem>>
        %dma_start3A_121 = arith.constant 0 : i32
        %dma_start3A_122 = arith.constant 0 : i32
        %dma_start3A_123 = tpu.memref_slice %arg29[%dma_start3A_121, %dma_start3A_122] : memref<10240x8xf32, #tpu.memory_space<vmem_shared>> -> memref<10240x8xf32, #tpu.memory_space<vmem_shared>>
        tpu.enqueue_indirect_dma source(%arg27 : memref<80x8xf32, #tpu.memory_space<vmem>>) target(%dma_start3A_123 : memref<10240x8xf32, #tpu.memory_space<vmem_shared>>) offsets(%dma_start3A_120 : memref<80xi32, #tpu.memory_space<vmem>>) semaphore(%run_scoped3A : memref<!tpu.dma_semaphore, #tpu.memory_space<semaphore_mem>>) {add = true}
        %dma_wait3A_124 = arith.constant 0 : i32
        %dma_wait3A_125 = tpu.memref_slice %arg25[%scan3A_107, %dma_wait3A_124] : memref<250x80xi32, #tpu.memory_space<vmem>> -> memref<1x80xi32, #tpu.memory_space<vmem>>
        %dma_wait3A_126 = tpu.memref_squeeze %dma_wait3A_125 : memref<1x80xi32, #tpu.memory_space<vmem>> -> memref<80xi32, #tpu.memory_space<vmem>>
        %dma_wait3A_127 = arith.constant 0 : i32
        %dma_wait3A_128 = arith.constant 0 : i32
        %dma_wait3A_129 = tpu.memref_slice %arg29[%dma_wait3A_127, %dma_wait3A_128] : memref<10240x8xf32, #tpu.memory_space<vmem_shared>> -> memref<10240x8xf32, #tpu.memory_space<vmem_shared>>
        tpu.wait_indirect_dma semaphore(%run_scoped3A : memref<!tpu.dma_semaphore, #tpu.memory_space<semaphore_mem>>) src(%arg27 : memref<80x8xf32, #tpu.memory_space<vmem>>) dst(%dma_wait3A_129 : memref<10240x8xf32, #tpu.memory_space<vmem_shared>>)
        tpu.yield
      }) : () -> ()
    }
    %scan3A_9 = arith.constant 250 : i32
    %barrier3A_10 = arith.constant 0 : index
    tpu.barrier barrier_id(%barrier3A_10)
    %mul3A_11 = arith.constant 640 : i32
    %mul3A_12 = arith.muli %arg1, %mul3A_11 : i32
    %mul3A_13 = arith.constant 640 : i32
    %mul3A_14 = arith.muli %arg1, %mul3A_13 : i32
    "tpu.region"() ({
      %run_scoped3A = tpu.sem_alloc : memref<!tpu.dma_semaphore, #tpu.memory_space<semaphore_mem>>
      %dma_start3A = arith.constant 0 : i32
      %dma_start3A_107 = tpu.memref_slice %arg15[%arg0, %mul3A_14, %dma_start3A] : memref<2x10240x64xf32, #tpu.memory_space<hbm>> -> memref<1x640x64xf32, #tpu.memory_space<hbm>>
      %dma_start3A_108 = tpu.memref_squeeze %dma_start3A_107 : memref<1x640x64xf32, #tpu.memory_space<hbm>> -> memref<640x64xf32, #tpu.memory_space<hbm>>
      %dma_start3A_109 = arith.constant 0 : i32
      %dma_start3A_110 = tpu.memref_slice %arg28[%mul3A_12, %dma_start3A_109] : memref<10240x64xf32, #tpu.memory_space<vmem_shared>> -> memref<640x64xf32, #tpu.memory_space<vmem_shared>>
      tpu.enqueue_dma source(%dma_start3A_110 : memref<640x64xf32, #tpu.memory_space<vmem_shared>>) target(%dma_start3A_108 : memref<640x64xf32, #tpu.memory_space<hbm>>) target_semaphore(%run_scoped3A : memref<!tpu.dma_semaphore, #tpu.memory_space<semaphore_mem>>)
      %dma_wait3A = arith.constant 0 : i32
      %dma_wait3A_111 = tpu.memref_slice %arg15[%arg0, %mul3A_14, %dma_wait3A] : memref<2x10240x64xf32, #tpu.memory_space<hbm>> -> memref<1x640x64xf32, #tpu.memory_space<hbm>>
      %dma_wait3A_112 = tpu.memref_squeeze %dma_wait3A_111 : memref<1x640x64xf32, #tpu.memory_space<hbm>> -> memref<640x64xf32, #tpu.memory_space<hbm>>
      %dma_wait3A_113 = arith.constant 0 : i32
      %dma_wait3A_114 = tpu.memref_slice %arg28[%mul3A_12, %dma_wait3A_113] : memref<10240x64xf32, #tpu.memory_space<vmem_shared>> -> memref<640x64xf32, #tpu.memory_space<vmem_shared>>
      tpu.wait_dma2 semaphore(%run_scoped3A : memref<!tpu.dma_semaphore, #tpu.memory_space<semaphore_mem>>) src(%dma_wait3A_114 : memref<640x64xf32, #tpu.memory_space<vmem_shared>>) dst(%dma_wait3A_112 : memref<640x64xf32, #tpu.memory_space<hbm>>)
      tpu.yield
    }) : () -> ()
    %mul3A_15 = arith.constant 640 : i32
    %mul3A_16 = arith.muli %arg1, %mul3A_15 : i32
    %mul3A_17 = arith.constant 640 : i32
    %mul3A_18 = arith.muli %arg1, %mul3A_17 : i32
    "tpu.region"() ({
      %run_scoped3A = tpu.sem_alloc : memref<!tpu.dma_semaphore, #tpu.memory_space<semaphore_mem>>
      %dma_start3A = arith.constant 0 : i32
      %dma_start3A_107 = tpu.memref_slice %arg21[%arg0, %mul3A_18, %dma_start3A] : memref<2x10240x8xf32, #tpu.memory_space<hbm>> -> memref<1x640x8xf32, #tpu.memory_space<hbm>>
      %dma_start3A_108 = tpu.memref_squeeze %dma_start3A_107 : memref<1x640x8xf32, #tpu.memory_space<hbm>> -> memref<640x8xf32, #tpu.memory_space<hbm>>
      %dma_start3A_109 = arith.constant 0 : i32
      %dma_start3A_110 = tpu.memref_slice %arg29[%mul3A_16, %dma_start3A_109] : memref<10240x8xf32, #tpu.memory_space<vmem_shared>> -> memref<640x8xf32, #tpu.memory_space<vmem_shared>>
      tpu.enqueue_dma source(%dma_start3A_110 : memref<640x8xf32, #tpu.memory_space<vmem_shared>>) target(%dma_start3A_108 : memref<640x8xf32, #tpu.memory_space<hbm>>) target_semaphore(%run_scoped3A : memref<!tpu.dma_semaphore, #tpu.memory_space<semaphore_mem>>)
      %dma_wait3A = arith.constant 0 : i32
      %dma_wait3A_111 = tpu.memref_slice %arg21[%arg0, %mul3A_18, %dma_wait3A] : memref<2x10240x8xf32, #tpu.memory_space<hbm>> -> memref<1x640x8xf32, #tpu.memory_space<hbm>>
      %dma_wait3A_112 = tpu.memref_squeeze %dma_wait3A_111 : memref<1x640x8xf32, #tpu.memory_space<hbm>> -> memref<640x8xf32, #tpu.memory_space<hbm>>
      %dma_wait3A_113 = arith.constant 0 : i32
      %dma_wait3A_114 = tpu.memref_slice %arg29[%mul3A_16, %dma_wait3A_113] : memref<10240x8xf32, #tpu.memory_space<vmem_shared>> -> memref<640x8xf32, #tpu.memory_space<vmem_shared>>
      tpu.wait_dma2 semaphore(%run_scoped3A : memref<!tpu.dma_semaphore, #tpu.memory_space<semaphore_mem>>) src(%dma_wait3A_114 : memref<640x8xf32, #tpu.memory_space<vmem_shared>>) dst(%dma_wait3A_112 : memref<640x8xf32, #tpu.memory_space<hbm>>)
      tpu.yield
    }) : () -> ()
    %barrier3A_19 = arith.constant 0 : index
    tpu.barrier barrier_id(%barrier3A_19)
    %mul3A_20 = arith.constant 640 : i32
    %mul3A_21 = arith.muli %arg1, %mul3A_20 : i32
    "tpu.region"() ({
      %run_scoped3A = tpu.sem_alloc : memref<!tpu.dma_semaphore, #tpu.memory_space<semaphore_mem>>
      %dma_start3A = arith.constant 0 : i32
      %dma_start3A_107 = tpu.memref_slice %arg28[%mul3A_21, %dma_start3A] : memref<10240x64xf32, #tpu.memory_space<vmem_shared>> -> memref<640x64xf32, #tpu.memory_space<vmem_shared>>
      tpu.enqueue_dma source(%arg13 : memref<640x64xf32, #tpu.memory_space<hbm>>) target(%dma_start3A_107 : memref<640x64xf32, #tpu.memory_space<vmem_shared>>) target_semaphore(%run_scoped3A : memref<!tpu.dma_semaphore, #tpu.memory_space<semaphore_mem>>)
      %dma_wait3A = arith.constant 0 : i32
      %dma_wait3A_108 = tpu.memref_slice %arg28[%mul3A_21, %dma_wait3A] : memref<10240x64xf32, #tpu.memory_space<vmem_shared>> -> memref<640x64xf32, #tpu.memory_space<vmem_shared>>
      tpu.wait_dma2 semaphore(%run_scoped3A : memref<!tpu.dma_semaphore, #tpu.memory_space<semaphore_mem>>) src(%arg13 : memref<640x64xf32, #tpu.memory_space<hbm>>) dst(%dma_wait3A_108 : memref<640x64xf32, #tpu.memory_space<vmem_shared>>)
      tpu.yield
    }) : () -> ()
    %barrier3A_22 = arith.constant 0 : index
    tpu.barrier barrier_id(%barrier3A_22)
    %scan3A_23 = arith.constant 0 : i32
    %scan3A_24 = arith.constant 0 : i32
    %scan3A_25 = arith.constant 250 : i32
    %scan3A_26 = arith.addi %scan3A_24, %scan3A_25 : i32
    %scan3A_27 = arith.constant 1 : i32
    scf.for %scan3A_107 = %scan3A_24 to %scan3A_26 step %scan3A_27  : i32 {
      %dma_start3A = arith.constant 0 : i32
      %dma_start3A_108 = tpu.memref_slice %arg24[%scan3A_107, %dma_start3A] : memref<250x80xi32, #tpu.memory_space<vmem>> -> memref<1x80xi32, #tpu.memory_space<vmem>>
      %dma_start3A_109 = tpu.memref_squeeze %dma_start3A_108 : memref<1x80xi32, #tpu.memory_space<vmem>> -> memref<80xi32, #tpu.memory_space<vmem>>
      %dma_start3A_110 = arith.constant 0 : i32
      %dma_start3A_111 = arith.constant 0 : i32
      %dma_start3A_112 = tpu.memref_slice %arg9[%dma_start3A_110, %dma_start3A_111] : memref<10240x64xf32, #tpu.memory_space<hbm>> -> memref<10240x64xf32, #tpu.memory_space<hbm>>
      tpu.enqueue_indirect_dma source(%dma_start3A_112 : memref<10240x64xf32, #tpu.memory_space<hbm>>) target(%arg26 : memref<80x64xf32, #tpu.memory_space<vmem>>) offsets(%dma_start3A_109 : memref<80xi32, #tpu.memory_space<vmem>>) semaphore(%arg30 : memref<!tpu.dma_semaphore, #tpu.memory_space<semaphore_mem>>)
      %dma_wait3A = arith.constant 0 : i32
      %dma_wait3A_113 = tpu.memref_slice %arg24[%scan3A_107, %dma_wait3A] : memref<250x80xi32, #tpu.memory_space<vmem>> -> memref<1x80xi32, #tpu.memory_space<vmem>>
      %dma_wait3A_114 = tpu.memref_squeeze %dma_wait3A_113 : memref<1x80xi32, #tpu.memory_space<vmem>> -> memref<80xi32, #tpu.memory_space<vmem>>
      %dma_wait3A_115 = arith.constant 0 : i32
      %dma_wait3A_116 = arith.constant 0 : i32
      %dma_wait3A_117 = tpu.memref_slice %arg9[%dma_wait3A_115, %dma_wait3A_116] : memref<10240x64xf32, #tpu.memory_space<hbm>> -> memref<10240x64xf32, #tpu.memory_space<hbm>>
      tpu.wait_indirect_dma semaphore(%arg30 : memref<!tpu.dma_semaphore, #tpu.memory_space<semaphore_mem>>) src(%dma_wait3A_117 : memref<10240x64xf32, #tpu.memory_space<hbm>>) dst(%arg26 : memref<80x64xf32, #tpu.memory_space<vmem>>)
      "tpu.region"() ({
        %run_scoped3A = tpu.sem_alloc : memref<!tpu.dma_semaphore, #tpu.memory_space<semaphore_mem>>
        %dma_start3A_118 = arith.constant 0 : i32
        %dma_start3A_119 = tpu.memref_slice %arg25[%scan3A_107, %dma_start3A_118] : memref<250x80xi32, #tpu.memory_space<vmem>> -> memref<1x80xi32, #tpu.memory_space<vmem>>
        %dma_start3A_120 = tpu.memref_squeeze %dma_start3A_119 : memref<1x80xi32, #tpu.memory_space<vmem>> -> memref<80xi32, #tpu.memory_space<vmem>>
        %dma_start3A_121 = arith.constant 0 : i32
        %dma_start3A_122 = arith.constant 0 : i32
        %dma_start3A_123 = tpu.memref_slice %arg28[%dma_start3A_121, %dma_start3A_122] : memref<10240x64xf32, #tpu.memory_space<vmem_shared>> -> memref<10240x64xf32, #tpu.memory_space<vmem_shared>>
        tpu.enqueue_indirect_dma source(%arg26 : memref<80x64xf32, #tpu.memory_space<vmem>>) target(%dma_start3A_123 : memref<10240x64xf32, #tpu.memory_space<vmem_shared>>) offsets(%dma_start3A_120 : memref<80xi32, #tpu.memory_space<vmem>>) semaphore(%run_scoped3A : memref<!tpu.dma_semaphore, #tpu.memory_space<semaphore_mem>>) {add = true}
        %dma_wait3A_124 = arith.constant 0 : i32
        %dma_wait3A_125 = tpu.memref_slice %arg25[%scan3A_107, %dma_wait3A_124] : memref<250x80xi32, #tpu.memory_space<vmem>> -> memref<1x80xi32, #tpu.memory_space<vmem>>
        %dma_wait3A_126 = tpu.memref_squeeze %dma_wait3A_125 : memref<1x80xi32, #tpu.memory_space<vmem>> -> memref<80xi32, #tpu.memory_space<vmem>>
        %dma_wait3A_127 = arith.constant 0 : i32
        %dma_wait3A_128 = arith.constant 0 : i32
        %dma_wait3A_129 = tpu.memref_slice %arg28[%dma_wait3A_127, %dma_wait3A_128] : memref<10240x64xf32, #tpu.memory_space<vmem_shared>> -> memref<10240x64xf32, #tpu.memory_space<vmem_shared>>
        tpu.wait_indirect_dma semaphore(%run_scoped3A : memref<!tpu.dma_semaphore, #tpu.memory_space<semaphore_mem>>) src(%arg26 : memref<80x64xf32, #tpu.memory_space<vmem>>) dst(%dma_wait3A_129 : memref<10240x64xf32, #tpu.memory_space<vmem_shared>>)
        tpu.yield
      }) : () -> ()
    }
    %scan3A_28 = arith.constant 250 : i32
    %barrier3A_29 = arith.constant 0 : index
    tpu.barrier barrier_id(%barrier3A_29)
    %mul3A_30 = arith.constant 640 : i32
    %mul3A_31 = arith.muli %arg1, %mul3A_30 : i32
    %mul3A_32 = arith.constant 640 : i32
    %mul3A_33 = arith.muli %arg1, %mul3A_32 : i32
    "tpu.region"() ({
      %run_scoped3A = tpu.sem_alloc : memref<!tpu.dma_semaphore, #tpu.memory_space<semaphore_mem>>
      %dma_start3A = arith.constant 0 : i32
      %dma_start3A_107 = tpu.memref_slice %arg16[%arg0, %mul3A_33, %dma_start3A] : memref<2x10240x64xf32, #tpu.memory_space<hbm>> -> memref<1x640x64xf32, #tpu.memory_space<hbm>>
      %dma_start3A_108 = tpu.memref_squeeze %dma_start3A_107 : memref<1x640x64xf32, #tpu.memory_space<hbm>> -> memref<640x64xf32, #tpu.memory_space<hbm>>
      %dma_start3A_109 = arith.constant 0 : i32
      %dma_start3A_110 = tpu.memref_slice %arg28[%mul3A_31, %dma_start3A_109] : memref<10240x64xf32, #tpu.memory_space<vmem_shared>> -> memref<640x64xf32, #tpu.memory_space<vmem_shared>>
      tpu.enqueue_dma source(%dma_start3A_110 : memref<640x64xf32, #tpu.memory_space<vmem_shared>>) target(%dma_start3A_108 : memref<640x64xf32, #tpu.memory_space<hbm>>) target_semaphore(%run_scoped3A : memref<!tpu.dma_semaphore, #tpu.memory_space<semaphore_mem>>)
      %dma_wait3A = arith.constant 0 : i32
      %dma_wait3A_111 = tpu.memref_slice %arg16[%arg0, %mul3A_33, %dma_wait3A] : memref<2x10240x64xf32, #tpu.memory_space<hbm>> -> memref<1x640x64xf32, #tpu.memory_space<hbm>>
      %dma_wait3A_112 = tpu.memref_squeeze %dma_wait3A_111 : memref<1x640x64xf32, #tpu.memory_space<hbm>> -> memref<640x64xf32, #tpu.memory_space<hbm>>
      %dma_wait3A_113 = arith.constant 0 : i32
      %dma_wait3A_114 = tpu.memref_slice %arg28[%mul3A_31, %dma_wait3A_113] : memref<10240x64xf32, #tpu.memory_space<vmem_shared>> -> memref<640x64xf32, #tpu.memory_space<vmem_shared>>
      tpu.wait_dma2 semaphore(%run_scoped3A : memref<!tpu.dma_semaphore, #tpu.memory_space<semaphore_mem>>) src(%dma_wait3A_114 : memref<640x64xf32, #tpu.memory_space<vmem_shared>>) dst(%dma_wait3A_112 : memref<640x64xf32, #tpu.memory_space<hbm>>)
      tpu.yield
    }) : () -> ()
    %barrier3A_34 = arith.constant 0 : index
    tpu.barrier barrier_id(%barrier3A_34)
    "tpu.region"() ({
      %run_scoped3A = tpu.sem_alloc : memref<!tpu.dma_semaphore, #tpu.memory_space<semaphore_mem>>
      %dma_start3A = arith.constant 0 : i32
      %dma_start3A_107 = arith.constant 0 : i32
      %dma_start3A_108 = tpu.memref_slice %arg4[%add3A, %dma_start3A, %dma_start3A_107] : memref<32x250x80xi32, #tpu.memory_space<hbm>> -> memref<1x250x80xi32, #tpu.memory_space<hbm>>
      %dma_start3A_109 = tpu.memref_squeeze %dma_start3A_108 : memref<1x250x80xi32, #tpu.memory_space<hbm>> -> memref<250x80xi32, #tpu.memory_space<hbm>>
      %dma_start3A_110 = arith.constant 0 : i32
      %dma_start3A_111 = arith.constant 0 : i32
      %dma_start3A_112 = tpu.memref_slice %arg4[%add3A, %dma_start3A_110, %dma_start3A_111] : memref<32x250x80xi32, #tpu.memory_space<hbm>> -> memref<1x250x80xi32, #tpu.memory_space<hbm>>
      %dma_start3A_113 = tpu.memref_squeeze %dma_start3A_112 : memref<1x250x80xi32, #tpu.memory_space<hbm>> -> memref<250x80xi32, #tpu.memory_space<hbm>>
      tpu.enqueue_dma source(%dma_start3A_113 : memref<250x80xi32, #tpu.memory_space<hbm>>) target(%arg24 : memref<250x80xi32, #tpu.memory_space<vmem>>) target_semaphore(%run_scoped3A : memref<!tpu.dma_semaphore, #tpu.memory_space<semaphore_mem>>)
      %dma_wait3A = arith.constant 0 : i32
      %dma_wait3A_114 = arith.constant 0 : i32
      %dma_wait3A_115 = tpu.memref_slice %arg4[%add3A, %dma_wait3A, %dma_wait3A_114] : memref<32x250x80xi32, #tpu.memory_space<hbm>> -> memref<1x250x80xi32, #tpu.memory_space<hbm>>
      %dma_wait3A_116 = tpu.memref_squeeze %dma_wait3A_115 : memref<1x250x80xi32, #tpu.memory_space<hbm>> -> memref<250x80xi32, #tpu.memory_space<hbm>>
      %dma_wait3A_117 = arith.constant 0 : i32
      %dma_wait3A_118 = arith.constant 0 : i32
      %dma_wait3A_119 = tpu.memref_slice %arg4[%add3A, %dma_wait3A_117, %dma_wait3A_118] : memref<32x250x80xi32, #tpu.memory_space<hbm>> -> memref<1x250x80xi32, #tpu.memory_space<hbm>>
      %dma_wait3A_120 = tpu.memref_squeeze %dma_wait3A_119 : memref<1x250x80xi32, #tpu.memory_space<hbm>> -> memref<250x80xi32, #tpu.memory_space<hbm>>
      tpu.wait_dma2 semaphore(%run_scoped3A : memref<!tpu.dma_semaphore, #tpu.memory_space<semaphore_mem>>) src(%dma_wait3A_120 : memref<250x80xi32, #tpu.memory_space<hbm>>) dst(%arg24 : memref<250x80xi32, #tpu.memory_space<vmem>>)
      tpu.yield
    }) : () -> ()
    "tpu.region"() ({
      %run_scoped3A = tpu.sem_alloc : memref<!tpu.dma_semaphore, #tpu.memory_space<semaphore_mem>>
      %dma_start3A = arith.constant 0 : i32
      %dma_start3A_107 = arith.constant 0 : i32
      %dma_start3A_108 = tpu.memref_slice %arg5[%add3A, %dma_start3A, %dma_start3A_107] : memref<32x250x80xi32, #tpu.memory_space<hbm>> -> memref<1x250x80xi32, #tpu.memory_space<hbm>>
      %dma_start3A_109 = tpu.memref_squeeze %dma_start3A_108 : memref<1x250x80xi32, #tpu.memory_space<hbm>> -> memref<250x80xi32, #tpu.memory_space<hbm>>
      %dma_start3A_110 = arith.constant 0 : i32
      %dma_start3A_111 = arith.constant 0 : i32
      %dma_start3A_112 = tpu.memref_slice %arg5[%add3A, %dma_start3A_110, %dma_start3A_111] : memref<32x250x80xi32, #tpu.memory_space<hbm>> -> memref<1x250x80xi32, #tpu.memory_space<hbm>>
      %dma_start3A_113 = tpu.memref_squeeze %dma_start3A_112 : memref<1x250x80xi32, #tpu.memory_space<hbm>> -> memref<250x80xi32, #tpu.memory_space<hbm>>
      tpu.enqueue_dma source(%dma_start3A_113 : memref<250x80xi32, #tpu.memory_space<hbm>>) target(%arg25 : memref<250x80xi32, #tpu.memory_space<vmem>>) target_semaphore(%run_scoped3A : memref<!tpu.dma_semaphore, #tpu.memory_space<semaphore_mem>>)
      %dma_wait3A = arith.constant 0 : i32
      %dma_wait3A_114 = arith.constant 0 : i32
      %dma_wait3A_115 = tpu.memref_slice %arg5[%add3A, %dma_wait3A, %dma_wait3A_114] : memref<32x250x80xi32, #tpu.memory_space<hbm>> -> memref<1x250x80xi32, #tpu.memory_space<hbm>>
      %dma_wait3A_116 = tpu.memref_squeeze %dma_wait3A_115 : memref<1x250x80xi32, #tpu.memory_space<hbm>> -> memref<250x80xi32, #tpu.memory_space<hbm>>
      %dma_wait3A_117 = arith.constant 0 : i32
      %dma_wait3A_118 = arith.constant 0 : i32
      %dma_wait3A_119 = tpu.memref_slice %arg5[%add3A, %dma_wait3A_117, %dma_wait3A_118] : memref<32x250x80xi32, #tpu.memory_space<hbm>> -> memref<1x250x80xi32, #tpu.memory_space<hbm>>
      %dma_wait3A_120 = tpu.memref_squeeze %dma_wait3A_119 : memref<1x250x80xi32, #tpu.memory_space<hbm>> -> memref<250x80xi32, #tpu.memory_space<hbm>>
      tpu.wait_dma2 semaphore(%run_scoped3A : memref<!tpu.dma_semaphore, #tpu.memory_space<semaphore_mem>>) src(%dma_wait3A_120 : memref<250x80xi32, #tpu.memory_space<hbm>>) dst(%arg25 : memref<250x80xi32, #tpu.memory_space<vmem>>)
      tpu.yield
    }) : () -> ()
    %mul3A_35 = arith.constant 640 : i32
    %mul3A_36 = arith.muli %arg1, %mul3A_35 : i32
    "tpu.region"() ({
      %run_scoped3A = tpu.sem_alloc : memref<!tpu.dma_semaphore, #tpu.memory_space<semaphore_mem>>
      %dma_start3A = arith.constant 0 : i32
      %dma_start3A_107 = tpu.memref_slice %arg28[%mul3A_36, %dma_start3A] : memref<10240x64xf32, #tpu.memory_space<vmem_shared>> -> memref<640x64xf32, #tpu.memory_space<vmem_shared>>
      tpu.enqueue_dma source(%arg13 : memref<640x64xf32, #tpu.memory_space<hbm>>) target(%dma_start3A_107 : memref<640x64xf32, #tpu.memory_space<vmem_shared>>) target_semaphore(%run_scoped3A : memref<!tpu.dma_semaphore, #tpu.memory_space<semaphore_mem>>)
      %dma_wait3A = arith.constant 0 : i32
      %dma_wait3A_108 = tpu.memref_slice %arg28[%mul3A_36, %dma_wait3A] : memref<10240x64xf32, #tpu.memory_space<vmem_shared>> -> memref<640x64xf32, #tpu.memory_space<vmem_shared>>
      tpu.wait_dma2 semaphore(%run_scoped3A : memref<!tpu.dma_semaphore, #tpu.memory_space<semaphore_mem>>) src(%arg13 : memref<640x64xf32, #tpu.memory_space<hbm>>) dst(%dma_wait3A_108 : memref<640x64xf32, #tpu.memory_space<vmem_shared>>)
      tpu.yield
    }) : () -> ()
    %mul3A_37 = arith.constant 640 : i32
    %mul3A_38 = arith.muli %arg1, %mul3A_37 : i32
    "tpu.region"() ({
      %run_scoped3A = tpu.sem_alloc : memref<!tpu.dma_semaphore, #tpu.memory_space<semaphore_mem>>
      %dma_start3A = arith.constant 0 : i32
      %dma_start3A_107 = tpu.memref_slice %arg29[%mul3A_38, %dma_start3A] : memref<10240x8xf32, #tpu.memory_space<vmem_shared>> -> memref<640x8xf32, #tpu.memory_space<vmem_shared>>
      tpu.enqueue_dma source(%arg14 : memref<640x8xf32, #tpu.memory_space<hbm>>) target(%dma_start3A_107 : memref<640x8xf32, #tpu.memory_space<vmem_shared>>) target_semaphore(%run_scoped3A : memref<!tpu.dma_semaphore, #tpu.memory_space<semaphore_mem>>)
      %dma_wait3A = arith.constant 0 : i32
      %dma_wait3A_108 = tpu.memref_slice %arg29[%mul3A_38, %dma_wait3A] : memref<10240x8xf32, #tpu.memory_space<vmem_shared>> -> memref<640x8xf32, #tpu.memory_space<vmem_shared>>
      tpu.wait_dma2 semaphore(%run_scoped3A : memref<!tpu.dma_semaphore, #tpu.memory_space<semaphore_mem>>) src(%arg14 : memref<640x8xf32, #tpu.memory_space<hbm>>) dst(%dma_wait3A_108 : memref<640x8xf32, #tpu.memory_space<vmem_shared>>)
      tpu.yield
    }) : () -> ()
    %barrier3A_39 = arith.constant 0 : index
    tpu.barrier barrier_id(%barrier3A_39)
    %scan3A_40 = arith.constant 0 : i32
    %scan3A_41 = arith.constant 0 : i32
    %scan3A_42 = arith.constant 250 : i32
    %scan3A_43 = arith.addi %scan3A_41, %scan3A_42 : i32
    %scan3A_44 = arith.constant 1 : i32
    scf.for %scan3A_107 = %scan3A_41 to %scan3A_43 step %scan3A_44  : i32 {
      %dma_start3A = arith.constant 0 : i32
      %dma_start3A_108 = tpu.memref_slice %arg24[%scan3A_107, %dma_start3A] : memref<250x80xi32, #tpu.memory_space<vmem>> -> memref<1x80xi32, #tpu.memory_space<vmem>>
      %dma_start3A_109 = tpu.memref_squeeze %dma_start3A_108 : memref<1x80xi32, #tpu.memory_space<vmem>> -> memref<80xi32, #tpu.memory_space<vmem>>
      %dma_start3A_110 = arith.constant 0 : i32
      %dma_start3A_111 = arith.constant 0 : i32
      %dma_start3A_112 = tpu.memref_slice %arg10[%dma_start3A_110, %dma_start3A_111] : memref<10240x64xf32, #tpu.memory_space<hbm>> -> memref<10240x64xf32, #tpu.memory_space<hbm>>
      tpu.enqueue_indirect_dma source(%dma_start3A_112 : memref<10240x64xf32, #tpu.memory_space<hbm>>) target(%arg26 : memref<80x64xf32, #tpu.memory_space<vmem>>) offsets(%dma_start3A_109 : memref<80xi32, #tpu.memory_space<vmem>>) semaphore(%arg30 : memref<!tpu.dma_semaphore, #tpu.memory_space<semaphore_mem>>)
      %dma_wait3A = arith.constant 0 : i32
      %dma_wait3A_113 = tpu.memref_slice %arg24[%scan3A_107, %dma_wait3A] : memref<250x80xi32, #tpu.memory_space<vmem>> -> memref<1x80xi32, #tpu.memory_space<vmem>>
      %dma_wait3A_114 = tpu.memref_squeeze %dma_wait3A_113 : memref<1x80xi32, #tpu.memory_space<vmem>> -> memref<80xi32, #tpu.memory_space<vmem>>
      %dma_wait3A_115 = arith.constant 0 : i32
      %dma_wait3A_116 = arith.constant 0 : i32
      %dma_wait3A_117 = tpu.memref_slice %arg10[%dma_wait3A_115, %dma_wait3A_116] : memref<10240x64xf32, #tpu.memory_space<hbm>> -> memref<10240x64xf32, #tpu.memory_space<hbm>>
      tpu.wait_indirect_dma semaphore(%arg30 : memref<!tpu.dma_semaphore, #tpu.memory_space<semaphore_mem>>) src(%dma_wait3A_117 : memref<10240x64xf32, #tpu.memory_space<hbm>>) dst(%arg26 : memref<80x64xf32, #tpu.memory_space<vmem>>)
      "tpu.region"() ({
        %run_scoped3A = tpu.sem_alloc : memref<!tpu.dma_semaphore, #tpu.memory_space<semaphore_mem>>
        %dma_start3A_118 = arith.constant 0 : i32
        %dma_start3A_119 = tpu.memref_slice %arg25[%scan3A_107, %dma_start3A_118] : memref<250x80xi32, #tpu.memory_space<vmem>> -> memref<1x80xi32, #tpu.memory_space<vmem>>
        %dma_start3A_120 = tpu.memref_squeeze %dma_start3A_119 : memref<1x80xi32, #tpu.memory_space<vmem>> -> memref<80xi32, #tpu.memory_space<vmem>>
        %dma_start3A_121 = arith.constant 0 : i32
        %dma_start3A_122 = arith.constant 0 : i32
        %dma_start3A_123 = tpu.memref_slice %arg28[%dma_start3A_121, %dma_start3A_122] : memref<10240x64xf32, #tpu.memory_space<vmem_shared>> -> memref<10240x64xf32, #tpu.memory_space<vmem_shared>>
        tpu.enqueue_indirect_dma source(%arg26 : memref<80x64xf32, #tpu.memory_space<vmem>>) target(%dma_start3A_123 : memref<10240x64xf32, #tpu.memory_space<vmem_shared>>) offsets(%dma_start3A_120 : memref<80xi32, #tpu.memory_space<vmem>>) semaphore(%run_scoped3A : memref<!tpu.dma_semaphore, #tpu.memory_space<semaphore_mem>>) {add = true}
        %dma_wait3A_124 = arith.constant 0 : i32
        %dma_wait3A_125 = tpu.memref_slice %arg25[%scan3A_107, %dma_wait3A_124] : memref<250x80xi32, #tpu.memory_space<vmem>> -> memref<1x80xi32, #tpu.memory_space<vmem>>
        %dma_wait3A_126 = tpu.memref_squeeze %dma_wait3A_125 : memref<1x80xi32, #tpu.memory_space<vmem>> -> memref<80xi32, #tpu.memory_space<vmem>>
        %dma_wait3A_127 = arith.constant 0 : i32
        %dma_wait3A_128 = arith.constant 0 : i32
        %dma_wait3A_129 = tpu.memref_slice %arg28[%dma_wait3A_127, %dma_wait3A_128] : memref<10240x64xf32, #tpu.memory_space<vmem_shared>> -> memref<10240x64xf32, #tpu.memory_space<vmem_shared>>
        tpu.wait_indirect_dma semaphore(%run_scoped3A : memref<!tpu.dma_semaphore, #tpu.memory_space<semaphore_mem>>) src(%arg26 : memref<80x64xf32, #tpu.memory_space<vmem>>) dst(%dma_wait3A_129 : memref<10240x64xf32, #tpu.memory_space<vmem_shared>>)
        tpu.yield
      }) : () -> ()
      "tpu.region"() ({
        %run_scoped3A = tpu.sem_alloc : memref<!tpu.dma_semaphore, #tpu.memory_space<semaphore_mem>>
        %dma_start3A_118 = arith.constant 0 : i32
        %dma_start3A_119 = tpu.memref_slice %arg25[%scan3A_107, %dma_start3A_118] : memref<250x80xi32, #tpu.memory_space<vmem>> -> memref<1x80xi32, #tpu.memory_space<vmem>>
        %dma_start3A_120 = tpu.memref_squeeze %dma_start3A_119 : memref<1x80xi32, #tpu.memory_space<vmem>> -> memref<80xi32, #tpu.memory_space<vmem>>
        %dma_start3A_121 = arith.constant 0 : i32
        %dma_start3A_122 = arith.constant 0 : i32
        %dma_start3A_123 = tpu.memref_slice %arg29[%dma_start3A_121, %dma_start3A_122] : memref<10240x8xf32, #tpu.memory_space<vmem_shared>> -> memref<10240x8xf32, #tpu.memory_space<vmem_shared>>
        tpu.enqueue_indirect_dma source(%arg27 : memref<80x8xf32, #tpu.memory_space<vmem>>) target(%dma_start3A_123 : memref<10240x8xf32, #tpu.memory_space<vmem_shared>>) offsets(%dma_start3A_120 : memref<80xi32, #tpu.memory_space<vmem>>) semaphore(%run_scoped3A : memref<!tpu.dma_semaphore, #tpu.memory_space<semaphore_mem>>) {add = true}
        %dma_wait3A_124 = arith.constant 0 : i32
        %dma_wait3A_125 = tpu.memref_slice %arg25[%scan3A_107, %dma_wait3A_124] : memref<250x80xi32, #tpu.memory_space<vmem>> -> memref<1x80xi32, #tpu.memory_space<vmem>>
        %dma_wait3A_126 = tpu.memref_squeeze %dma_wait3A_125 : memref<1x80xi32, #tpu.memory_space<vmem>> -> memref<80xi32, #tpu.memory_space<vmem>>
        %dma_wait3A_127 = arith.constant 0 : i32
        %dma_wait3A_128 = arith.constant 0 : i32
        %dma_wait3A_129 = tpu.memref_slice %arg29[%dma_wait3A_127, %dma_wait3A_128] : memref<10240x8xf32, #tpu.memory_space<vmem_shared>> -> memref<10240x8xf32, #tpu.memory_space<vmem_shared>>
        tpu.wait_indirect_dma semaphore(%run_scoped3A : memref<!tpu.dma_semaphore, #tpu.memory_space<semaphore_mem>>) src(%arg27 : memref<80x8xf32, #tpu.memory_space<vmem>>) dst(%dma_wait3A_129 : memref<10240x8xf32, #tpu.memory_space<vmem_shared>>)
        tpu.yield
      }) : () -> ()
    }
    %scan3A_45 = arith.constant 250 : i32
    %barrier3A_46 = arith.constant 0 : index
    tpu.barrier barrier_id(%barrier3A_46)
    %mul3A_47 = arith.constant 640 : i32
    %mul3A_48 = arith.muli %arg1, %mul3A_47 : i32
    %mul3A_49 = arith.constant 640 : i32
    %mul3A_50 = arith.muli %arg1, %mul3A_49 : i32
    "tpu.region"() ({
      %run_scoped3A = tpu.sem_alloc : memref<!tpu.dma_semaphore, #tpu.memory_space<semaphore_mem>>
      %dma_start3A = arith.constant 0 : i32
      %dma_start3A_107 = tpu.memref_slice %arg17[%arg0, %mul3A_50, %dma_start3A] : memref<2x10240x64xf32, #tpu.memory_space<hbm>> -> memref<1x640x64xf32, #tpu.memory_space<hbm>>
      %dma_start3A_108 = tpu.memref_squeeze %dma_start3A_107 : memref<1x640x64xf32, #tpu.memory_space<hbm>> -> memref<640x64xf32, #tpu.memory_space<hbm>>
      %dma_start3A_109 = arith.constant 0 : i32
      %dma_start3A_110 = tpu.memref_slice %arg28[%mul3A_48, %dma_start3A_109] : memref<10240x64xf32, #tpu.memory_space<vmem_shared>> -> memref<640x64xf32, #tpu.memory_space<vmem_shared>>
      tpu.enqueue_dma source(%dma_start3A_110 : memref<640x64xf32, #tpu.memory_space<vmem_shared>>) target(%dma_start3A_108 : memref<640x64xf32, #tpu.memory_space<hbm>>) target_semaphore(%run_scoped3A : memref<!tpu.dma_semaphore, #tpu.memory_space<semaphore_mem>>)
      %dma_wait3A = arith.constant 0 : i32
      %dma_wait3A_111 = tpu.memref_slice %arg17[%arg0, %mul3A_50, %dma_wait3A] : memref<2x10240x64xf32, #tpu.memory_space<hbm>> -> memref<1x640x64xf32, #tpu.memory_space<hbm>>
      %dma_wait3A_112 = tpu.memref_squeeze %dma_wait3A_111 : memref<1x640x64xf32, #tpu.memory_space<hbm>> -> memref<640x64xf32, #tpu.memory_space<hbm>>
      %dma_wait3A_113 = arith.constant 0 : i32
      %dma_wait3A_114 = tpu.memref_slice %arg28[%mul3A_48, %dma_wait3A_113] : memref<10240x64xf32, #tpu.memory_space<vmem_shared>> -> memref<640x64xf32, #tpu.memory_space<vmem_shared>>
      tpu.wait_dma2 semaphore(%run_scoped3A : memref<!tpu.dma_semaphore, #tpu.memory_space<semaphore_mem>>) src(%dma_wait3A_114 : memref<640x64xf32, #tpu.memory_space<vmem_shared>>) dst(%dma_wait3A_112 : memref<640x64xf32, #tpu.memory_space<hbm>>)
      tpu.yield
    }) : () -> ()
    %mul3A_51 = arith.constant 640 : i32
    %mul3A_52 = arith.muli %arg1, %mul3A_51 : i32
    %mul3A_53 = arith.constant 640 : i32
    %mul3A_54 = arith.muli %arg1, %mul3A_53 : i32
    "tpu.region"() ({
      %run_scoped3A = tpu.sem_alloc : memref<!tpu.dma_semaphore, #tpu.memory_space<semaphore_mem>>
      %dma_start3A = arith.constant 0 : i32
      %dma_start3A_107 = tpu.memref_slice %arg22[%arg0, %mul3A_54, %dma_start3A] : memref<2x10240x8xf32, #tpu.memory_space<hbm>> -> memref<1x640x8xf32, #tpu.memory_space<hbm>>
      %dma_start3A_108 = tpu.memref_squeeze %dma_start3A_107 : memref<1x640x8xf32, #tpu.memory_space<hbm>> -> memref<640x8xf32, #tpu.memory_space<hbm>>
      %dma_start3A_109 = arith.constant 0 : i32
      %dma_start3A_110 = tpu.memref_slice %arg29[%mul3A_52, %dma_start3A_109] : memref<10240x8xf32, #tpu.memory_space<vmem_shared>> -> memref<640x8xf32, #tpu.memory_space<vmem_shared>>
      tpu.enqueue_dma source(%dma_start3A_110 : memref<640x8xf32, #tpu.memory_space<vmem_shared>>) target(%dma_start3A_108 : memref<640x8xf32, #tpu.memory_space<hbm>>) target_semaphore(%run_scoped3A : memref<!tpu.dma_semaphore, #tpu.memory_space<semaphore_mem>>)
      %dma_wait3A = arith.constant 0 : i32
      %dma_wait3A_111 = tpu.memref_slice %arg22[%arg0, %mul3A_54, %dma_wait3A] : memref<2x10240x8xf32, #tpu.memory_space<hbm>> -> memref<1x640x8xf32, #tpu.memory_space<hbm>>
      %dma_wait3A_112 = tpu.memref_squeeze %dma_wait3A_111 : memref<1x640x8xf32, #tpu.memory_space<hbm>> -> memref<640x8xf32, #tpu.memory_space<hbm>>
      %dma_wait3A_113 = arith.constant 0 : i32
      %dma_wait3A_114 = tpu.memref_slice %arg29[%mul3A_52, %dma_wait3A_113] : memref<10240x8xf32, #tpu.memory_space<vmem_shared>> -> memref<640x8xf32, #tpu.memory_space<vmem_shared>>
      tpu.wait_dma2 semaphore(%run_scoped3A : memref<!tpu.dma_semaphore, #tpu.memory_space<semaphore_mem>>) src(%dma_wait3A_114 : memref<640x8xf32, #tpu.memory_space<vmem_shared>>) dst(%dma_wait3A_112 : memref<640x8xf32, #tpu.memory_space<hbm>>)
      tpu.yield
    }) : () -> ()
    %barrier3A_55 = arith.constant 0 : index
    tpu.barrier barrier_id(%barrier3A_55)
    %mul3A_56 = arith.constant 640 : i32
    %mul3A_57 = arith.muli %arg1, %mul3A_56 : i32
    "tpu.region"() ({
      %run_scoped3A = tpu.sem_alloc : memref<!tpu.dma_semaphore, #tpu.memory_space<semaphore_mem>>
      %dma_start3A = arith.constant 0 : i32
      %dma_start3A_107 = tpu.memref_slice %arg28[%mul3A_57, %dma_start3A] : memref<10240x64xf32, #tpu.memory_space<vmem_shared>> -> memref<640x64xf32, #tpu.memory_space<vmem_shared>>
      tpu.enqueue_dma source(%arg13 : memref<640x64xf32, #tpu.memory_space<hbm>>) target(%dma_start3A_107 : memref<640x64xf32, #tpu.memory_space<vmem_shared>>) target_semaphore(%run_scoped3A : memref<!tpu.dma_semaphore, #tpu.memory_space<semaphore_mem>>)
      %dma_wait3A = arith.constant 0 : i32
      %dma_wait3A_108 = tpu.memref_slice %arg28[%mul3A_57, %dma_wait3A] : memref<10240x64xf32, #tpu.memory_space<vmem_shared>> -> memref<640x64xf32, #tpu.memory_space<vmem_shared>>
      tpu.wait_dma2 semaphore(%run_scoped3A : memref<!tpu.dma_semaphore, #tpu.memory_space<semaphore_mem>>) src(%arg13 : memref<640x64xf32, #tpu.memory_space<hbm>>) dst(%dma_wait3A_108 : memref<640x64xf32, #tpu.memory_space<vmem_shared>>)
      tpu.yield
    }) : () -> ()
    %barrier3A_58 = arith.constant 0 : index
    tpu.barrier barrier_id(%barrier3A_58)
    %scan3A_59 = arith.constant 0 : i32
    %scan3A_60 = arith.constant 0 : i32
    %scan3A_61 = arith.constant 250 : i32
    %scan3A_62 = arith.addi %scan3A_60, %scan3A_61 : i32
    %scan3A_63 = arith.constant 1 : i32
    scf.for %scan3A_107 = %scan3A_60 to %scan3A_62 step %scan3A_63  : i32 {
      %dma_start3A = arith.constant 0 : i32
      %dma_start3A_108 = tpu.memref_slice %arg24[%scan3A_107, %dma_start3A] : memref<250x80xi32, #tpu.memory_space<vmem>> -> memref<1x80xi32, #tpu.memory_space<vmem>>
      %dma_start3A_109 = tpu.memref_squeeze %dma_start3A_108 : memref<1x80xi32, #tpu.memory_space<vmem>> -> memref<80xi32, #tpu.memory_space<vmem>>
      %dma_start3A_110 = arith.constant 0 : i32
      %dma_start3A_111 = arith.constant 0 : i32
      %dma_start3A_112 = tpu.memref_slice %arg11[%dma_start3A_110, %dma_start3A_111] : memref<10240x64xf32, #tpu.memory_space<hbm>> -> memref<10240x64xf32, #tpu.memory_space<hbm>>
      tpu.enqueue_indirect_dma source(%dma_start3A_112 : memref<10240x64xf32, #tpu.memory_space<hbm>>) target(%arg26 : memref<80x64xf32, #tpu.memory_space<vmem>>) offsets(%dma_start3A_109 : memref<80xi32, #tpu.memory_space<vmem>>) semaphore(%arg30 : memref<!tpu.dma_semaphore, #tpu.memory_space<semaphore_mem>>)
      %dma_wait3A = arith.constant 0 : i32
      %dma_wait3A_113 = tpu.memref_slice %arg24[%scan3A_107, %dma_wait3A] : memref<250x80xi32, #tpu.memory_space<vmem>> -> memref<1x80xi32, #tpu.memory_space<vmem>>
      %dma_wait3A_114 = tpu.memref_squeeze %dma_wait3A_113 : memref<1x80xi32, #tpu.memory_space<vmem>> -> memref<80xi32, #tpu.memory_space<vmem>>
      %dma_wait3A_115 = arith.constant 0 : i32
      %dma_wait3A_116 = arith.constant 0 : i32
      %dma_wait3A_117 = tpu.memref_slice %arg11[%dma_wait3A_115, %dma_wait3A_116] : memref<10240x64xf32, #tpu.memory_space<hbm>> -> memref<10240x64xf32, #tpu.memory_space<hbm>>
      tpu.wait_indirect_dma semaphore(%arg30 : memref<!tpu.dma_semaphore, #tpu.memory_space<semaphore_mem>>) src(%dma_wait3A_117 : memref<10240x64xf32, #tpu.memory_space<hbm>>) dst(%arg26 : memref<80x64xf32, #tpu.memory_space<vmem>>)
      "tpu.region"() ({
        %run_scoped3A = tpu.sem_alloc : memref<!tpu.dma_semaphore, #tpu.memory_space<semaphore_mem>>
        %dma_start3A_118 = arith.constant 0 : i32
        %dma_start3A_119 = tpu.memref_slice %arg25[%scan3A_107, %dma_start3A_118] : memref<250x80xi32, #tpu.memory_space<vmem>> -> memref<1x80xi32, #tpu.memory_space<vmem>>
        %dma_start3A_120 = tpu.memref_squeeze %dma_start3A_119 : memref<1x80xi32, #tpu.memory_space<vmem>> -> memref<80xi32, #tpu.memory_space<vmem>>
        %dma_start3A_121 = arith.constant 0 : i32
        %dma_start3A_122 = arith.constant 0 : i32
        %dma_start3A_123 = tpu.memref_slice %arg28[%dma_start3A_121, %dma_start3A_122] : memref<10240x64xf32, #tpu.memory_space<vmem_shared>> -> memref<10240x64xf32, #tpu.memory_space<vmem_shared>>
        tpu.enqueue_indirect_dma source(%arg26 : memref<80x64xf32, #tpu.memory_space<vmem>>) target(%dma_start3A_123 : memref<10240x64xf32, #tpu.memory_space<vmem_shared>>) offsets(%dma_start3A_120 : memref<80xi32, #tpu.memory_space<vmem>>) semaphore(%run_scoped3A : memref<!tpu.dma_semaphore, #tpu.memory_space<semaphore_mem>>) {add = true}
        %dma_wait3A_124 = arith.constant 0 : i32
        %dma_wait3A_125 = tpu.memref_slice %arg25[%scan3A_107, %dma_wait3A_124] : memref<250x80xi32, #tpu.memory_space<vmem>> -> memref<1x80xi32, #tpu.memory_space<vmem>>
        %dma_wait3A_126 = tpu.memref_squeeze %dma_wait3A_125 : memref<1x80xi32, #tpu.memory_space<vmem>> -> memref<80xi32, #tpu.memory_space<vmem>>
        %dma_wait3A_127 = arith.constant 0 : i32
        %dma_wait3A_128 = arith.constant 0 : i32
        %dma_wait3A_129 = tpu.memref_slice %arg28[%dma_wait3A_127, %dma_wait3A_128] : memref<10240x64xf32, #tpu.memory_space<vmem_shared>> -> memref<10240x64xf32, #tpu.memory_space<vmem_shared>>
        tpu.wait_indirect_dma semaphore(%run_scoped3A : memref<!tpu.dma_semaphore, #tpu.memory_space<semaphore_mem>>) src(%arg26 : memref<80x64xf32, #tpu.memory_space<vmem>>) dst(%dma_wait3A_129 : memref<10240x64xf32, #tpu.memory_space<vmem_shared>>)
        tpu.yield
      }) : () -> ()
    }
    %scan3A_64 = arith.constant 250 : i32
    %barrier3A_65 = arith.constant 0 : index
    tpu.barrier barrier_id(%barrier3A_65)
    %mul3A_66 = arith.constant 640 : i32
    %mul3A_67 = arith.muli %arg1, %mul3A_66 : i32
    %mul3A_68 = arith.constant 640 : i32
    %mul3A_69 = arith.muli %arg1, %mul3A_68 : i32
    "tpu.region"() ({
      %run_scoped3A = tpu.sem_alloc : memref<!tpu.dma_semaphore, #tpu.memory_space<semaphore_mem>>
      %dma_start3A = arith.constant 0 : i32
      %dma_start3A_107 = tpu.memref_slice %arg18[%arg0, %mul3A_69, %dma_start3A] : memref<2x10240x64xf32, #tpu.memory_space<hbm>> -> memref<1x640x64xf32, #tpu.memory_space<hbm>>
      %dma_start3A_108 = tpu.memref_squeeze %dma_start3A_107 : memref<1x640x64xf32, #tpu.memory_space<hbm>> -> memref<640x64xf32, #tpu.memory_space<hbm>>
      %dma_start3A_109 = arith.constant 0 : i32
      %dma_start3A_110 = tpu.memref_slice %arg28[%mul3A_67, %dma_start3A_109] : memref<10240x64xf32, #tpu.memory_space<vmem_shared>> -> memref<640x64xf32, #tpu.memory_space<vmem_shared>>
      tpu.enqueue_dma source(%dma_start3A_110 : memref<640x64xf32, #tpu.memory_space<vmem_shared>>) target(%dma_start3A_108 : memref<640x64xf32, #tpu.memory_space<hbm>>) target_semaphore(%run_scoped3A : memref<!tpu.dma_semaphore, #tpu.memory_space<semaphore_mem>>)
      %dma_wait3A = arith.constant 0 : i32
      %dma_wait3A_111 = tpu.memref_slice %arg18[%arg0, %mul3A_69, %dma_wait3A] : memref<2x10240x64xf32, #tpu.memory_space<hbm>> -> memref<1x640x64xf32, #tpu.memory_space<hbm>>
      %dma_wait3A_112 = tpu.memref_squeeze %dma_wait3A_111 : memref<1x640x64xf32, #tpu.memory_space<hbm>> -> memref<640x64xf32, #tpu.memory_space<hbm>>
      %dma_wait3A_113 = arith.constant 0 : i32
      %dma_wait3A_114 = tpu.memref_slice %arg28[%mul3A_67, %dma_wait3A_113] : memref<10240x64xf32, #tpu.memory_space<vmem_shared>> -> memref<640x64xf32, #tpu.memory_space<vmem_shared>>
      tpu.wait_dma2 semaphore(%run_scoped3A : memref<!tpu.dma_semaphore, #tpu.memory_space<semaphore_mem>>) src(%dma_wait3A_114 : memref<640x64xf32, #tpu.memory_space<vmem_shared>>) dst(%dma_wait3A_112 : memref<640x64xf32, #tpu.memory_space<hbm>>)
      tpu.yield
    }) : () -> ()
    %barrier3A_70 = arith.constant 0 : index
    tpu.barrier barrier_id(%barrier3A_70)
    "tpu.region"() ({
      %run_scoped3A = tpu.sem_alloc : memref<!tpu.dma_semaphore, #tpu.memory_space<semaphore_mem>>
      %dma_start3A = arith.constant 0 : i32
      %dma_start3A_107 = arith.constant 0 : i32
      %dma_start3A_108 = tpu.memref_slice %arg6[%add3A, %dma_start3A, %dma_start3A_107] : memref<32x250x80xi32, #tpu.memory_space<hbm>> -> memref<1x250x80xi32, #tpu.memory_space<hbm>>
      %dma_start3A_109 = tpu.memref_squeeze %dma_start3A_108 : memref<1x250x80xi32, #tpu.memory_space<hbm>> -> memref<250x80xi32, #tpu.memory_space<hbm>>
      %dma_start3A_110 = arith.constant 0 : i32
      %dma_start3A_111 = arith.constant 0 : i32
      %dma_start3A_112 = tpu.memref_slice %arg6[%add3A, %dma_start3A_110, %dma_start3A_111] : memref<32x250x80xi32, #tpu.memory_space<hbm>> -> memref<1x250x80xi32, #tpu.memory_space<hbm>>
      %dma_start3A_113 = tpu.memref_squeeze %dma_start3A_112 : memref<1x250x80xi32, #tpu.memory_space<hbm>> -> memref<250x80xi32, #tpu.memory_space<hbm>>
      tpu.enqueue_dma source(%dma_start3A_113 : memref<250x80xi32, #tpu.memory_space<hbm>>) target(%arg24 : memref<250x80xi32, #tpu.memory_space<vmem>>) target_semaphore(%run_scoped3A : memref<!tpu.dma_semaphore, #tpu.memory_space<semaphore_mem>>)
      %dma_wait3A = arith.constant 0 : i32
      %dma_wait3A_114 = arith.constant 0 : i32
      %dma_wait3A_115 = tpu.memref_slice %arg6[%add3A, %dma_wait3A, %dma_wait3A_114] : memref<32x250x80xi32, #tpu.memory_space<hbm>> -> memref<1x250x80xi32, #tpu.memory_space<hbm>>
      %dma_wait3A_116 = tpu.memref_squeeze %dma_wait3A_115 : memref<1x250x80xi32, #tpu.memory_space<hbm>> -> memref<250x80xi32, #tpu.memory_space<hbm>>
      %dma_wait3A_117 = arith.constant 0 : i32
      %dma_wait3A_118 = arith.constant 0 : i32
      %dma_wait3A_119 = tpu.memref_slice %arg6[%add3A, %dma_wait3A_117, %dma_wait3A_118] : memref<32x250x80xi32, #tpu.memory_space<hbm>> -> memref<1x250x80xi32, #tpu.memory_space<hbm>>
      %dma_wait3A_120 = tpu.memref_squeeze %dma_wait3A_119 : memref<1x250x80xi32, #tpu.memory_space<hbm>> -> memref<250x80xi32, #tpu.memory_space<hbm>>
      tpu.wait_dma2 semaphore(%run_scoped3A : memref<!tpu.dma_semaphore, #tpu.memory_space<semaphore_mem>>) src(%dma_wait3A_120 : memref<250x80xi32, #tpu.memory_space<hbm>>) dst(%arg24 : memref<250x80xi32, #tpu.memory_space<vmem>>)
      tpu.yield
    }) : () -> ()
    "tpu.region"() ({
      %run_scoped3A = tpu.sem_alloc : memref<!tpu.dma_semaphore, #tpu.memory_space<semaphore_mem>>
      %dma_start3A = arith.constant 0 : i32
      %dma_start3A_107 = arith.constant 0 : i32
      %dma_start3A_108 = tpu.memref_slice %arg7[%add3A, %dma_start3A, %dma_start3A_107] : memref<32x250x80xi32, #tpu.memory_space<hbm>> -> memref<1x250x80xi32, #tpu.memory_space<hbm>>
      %dma_start3A_109 = tpu.memref_squeeze %dma_start3A_108 : memref<1x250x80xi32, #tpu.memory_space<hbm>> -> memref<250x80xi32, #tpu.memory_space<hbm>>
      %dma_start3A_110 = arith.constant 0 : i32
      %dma_start3A_111 = arith.constant 0 : i32
      %dma_start3A_112 = tpu.memref_slice %arg7[%add3A, %dma_start3A_110, %dma_start3A_111] : memref<32x250x80xi32, #tpu.memory_space<hbm>> -> memref<1x250x80xi32, #tpu.memory_space<hbm>>
      %dma_start3A_113 = tpu.memref_squeeze %dma_start3A_112 : memref<1x250x80xi32, #tpu.memory_space<hbm>> -> memref<250x80xi32, #tpu.memory_space<hbm>>
      tpu.enqueue_dma source(%dma_start3A_113 : memref<250x80xi32, #tpu.memory_space<hbm>>) target(%arg25 : memref<250x80xi32, #tpu.memory_space<vmem>>) target_semaphore(%run_scoped3A : memref<!tpu.dma_semaphore, #tpu.memory_space<semaphore_mem>>)
      %dma_wait3A = arith.constant 0 : i32
      %dma_wait3A_114 = arith.constant 0 : i32
      %dma_wait3A_115 = tpu.memref_slice %arg7[%add3A, %dma_wait3A, %dma_wait3A_114] : memref<32x250x80xi32, #tpu.memory_space<hbm>> -> memref<1x250x80xi32, #tpu.memory_space<hbm>>
      %dma_wait3A_116 = tpu.memref_squeeze %dma_wait3A_115 : memref<1x250x80xi32, #tpu.memory_space<hbm>> -> memref<250x80xi32, #tpu.memory_space<hbm>>
      %dma_wait3A_117 = arith.constant 0 : i32
      %dma_wait3A_118 = arith.constant 0 : i32
      %dma_wait3A_119 = tpu.memref_slice %arg7[%add3A, %dma_wait3A_117, %dma_wait3A_118] : memref<32x250x80xi32, #tpu.memory_space<hbm>> -> memref<1x250x80xi32, #tpu.memory_space<hbm>>
      %dma_wait3A_120 = tpu.memref_squeeze %dma_wait3A_119 : memref<1x250x80xi32, #tpu.memory_space<hbm>> -> memref<250x80xi32, #tpu.memory_space<hbm>>
      tpu.wait_dma2 semaphore(%run_scoped3A : memref<!tpu.dma_semaphore, #tpu.memory_space<semaphore_mem>>) src(%dma_wait3A_120 : memref<250x80xi32, #tpu.memory_space<hbm>>) dst(%arg25 : memref<250x80xi32, #tpu.memory_space<vmem>>)
      tpu.yield
    }) : () -> ()
    %mul3A_71 = arith.constant 640 : i32
    %mul3A_72 = arith.muli %arg1, %mul3A_71 : i32
    "tpu.region"() ({
      %run_scoped3A = tpu.sem_alloc : memref<!tpu.dma_semaphore, #tpu.memory_space<semaphore_mem>>
      %dma_start3A = arith.constant 0 : i32
      %dma_start3A_107 = tpu.memref_slice %arg28[%mul3A_72, %dma_start3A] : memref<10240x64xf32, #tpu.memory_space<vmem_shared>> -> memref<640x64xf32, #tpu.memory_space<vmem_shared>>
      tpu.enqueue_dma source(%arg13 : memref<640x64xf32, #tpu.memory_space<hbm>>) target(%dma_start3A_107 : memref<640x64xf32, #tpu.memory_space<vmem_shared>>) target_semaphore(%run_scoped3A : memref<!tpu.dma_semaphore, #tpu.memory_space<semaphore_mem>>)
      %dma_wait3A = arith.constant 0 : i32
      %dma_wait3A_108 = tpu.memref_slice %arg28[%mul3A_72, %dma_wait3A] : memref<10240x64xf32, #tpu.memory_space<vmem_shared>> -> memref<640x64xf32, #tpu.memory_space<vmem_shared>>
      tpu.wait_dma2 semaphore(%run_scoped3A : memref<!tpu.dma_semaphore, #tpu.memory_space<semaphore_mem>>) src(%arg13 : memref<640x64xf32, #tpu.memory_space<hbm>>) dst(%dma_wait3A_108 : memref<640x64xf32, #tpu.memory_space<vmem_shared>>)
      tpu.yield
    }) : () -> ()
    %mul3A_73 = arith.constant 640 : i32
    %mul3A_74 = arith.muli %arg1, %mul3A_73 : i32
    "tpu.region"() ({
      %run_scoped3A = tpu.sem_alloc : memref<!tpu.dma_semaphore, #tpu.memory_space<semaphore_mem>>
      %dma_start3A = arith.constant 0 : i32
      %dma_start3A_107 = tpu.memref_slice %arg29[%mul3A_74, %dma_start3A] : memref<10240x8xf32, #tpu.memory_space<vmem_shared>> -> memref<640x8xf32, #tpu.memory_space<vmem_shared>>
      tpu.enqueue_dma source(%arg14 : memref<640x8xf32, #tpu.memory_space<hbm>>) target(%dma_start3A_107 : memref<640x8xf32, #tpu.memory_space<vmem_shared>>) target_semaphore(%run_scoped3A : memref<!tpu.dma_semaphore, #tpu.memory_space<semaphore_mem>>)
      %dma_wait3A = arith.constant 0 : i32
      %dma_wait3A_108 = tpu.memref_slice %arg29[%mul3A_74, %dma_wait3A] : memref<10240x8xf32, #tpu.memory_space<vmem_shared>> -> memref<640x8xf32, #tpu.memory_space<vmem_shared>>
      tpu.wait_dma2 semaphore(%run_scoped3A : memref<!tpu.dma_semaphore, #tpu.memory_space<semaphore_mem>>) src(%arg14 : memref<640x8xf32, #tpu.memory_space<hbm>>) dst(%dma_wait3A_108 : memref<640x8xf32, #tpu.memory_space<vmem_shared>>)
      tpu.yield
    }) : () -> ()
    %barrier3A_75 = arith.constant 0 : index
    tpu.barrier barrier_id(%barrier3A_75)
    %scan3A_76 = arith.constant 0 : i32
    %scan3A_77 = arith.constant 0 : i32
    %scan3A_78 = arith.constant 250 : i32
    %scan3A_79 = arith.addi %scan3A_77, %scan3A_78 : i32
    %scan3A_80 = arith.constant 1 : i32
    scf.for %scan3A_107 = %scan3A_77 to %scan3A_79 step %scan3A_80  : i32 {
      %dma_start3A = arith.constant 0 : i32
      %dma_start3A_108 = tpu.memref_slice %arg24[%scan3A_107, %dma_start3A] : memref<250x80xi32, #tpu.memory_space<vmem>> -> memref<1x80xi32, #tpu.memory_space<vmem>>
      %dma_start3A_109 = tpu.memref_squeeze %dma_start3A_108 : memref<1x80xi32, #tpu.memory_space<vmem>> -> memref<80xi32, #tpu.memory_space<vmem>>
      %dma_start3A_110 = arith.constant 0 : i32
      %dma_start3A_111 = arith.constant 0 : i32
      %dma_start3A_112 = tpu.memref_slice %arg8[%dma_start3A_110, %dma_start3A_111] : memref<10240x64xf32, #tpu.memory_space<hbm>> -> memref<10240x64xf32, #tpu.memory_space<hbm>>
      tpu.enqueue_indirect_dma source(%dma_start3A_112 : memref<10240x64xf32, #tpu.memory_space<hbm>>) target(%arg26 : memref<80x64xf32, #tpu.memory_space<vmem>>) offsets(%dma_start3A_109 : memref<80xi32, #tpu.memory_space<vmem>>) semaphore(%arg30 : memref<!tpu.dma_semaphore, #tpu.memory_space<semaphore_mem>>)
      %dma_wait3A = arith.constant 0 : i32
      %dma_wait3A_113 = tpu.memref_slice %arg24[%scan3A_107, %dma_wait3A] : memref<250x80xi32, #tpu.memory_space<vmem>> -> memref<1x80xi32, #tpu.memory_space<vmem>>
      %dma_wait3A_114 = tpu.memref_squeeze %dma_wait3A_113 : memref<1x80xi32, #tpu.memory_space<vmem>> -> memref<80xi32, #tpu.memory_space<vmem>>
      %dma_wait3A_115 = arith.constant 0 : i32
      %dma_wait3A_116 = arith.constant 0 : i32
      %dma_wait3A_117 = tpu.memref_slice %arg8[%dma_wait3A_115, %dma_wait3A_116] : memref<10240x64xf32, #tpu.memory_space<hbm>> -> memref<10240x64xf32, #tpu.memory_space<hbm>>
      tpu.wait_indirect_dma semaphore(%arg30 : memref<!tpu.dma_semaphore, #tpu.memory_space<semaphore_mem>>) src(%dma_wait3A_117 : memref<10240x64xf32, #tpu.memory_space<hbm>>) dst(%arg26 : memref<80x64xf32, #tpu.memory_space<vmem>>)
      "tpu.region"() ({
        %run_scoped3A = tpu.sem_alloc : memref<!tpu.dma_semaphore, #tpu.memory_space<semaphore_mem>>
        %dma_start3A_118 = arith.constant 0 : i32
        %dma_start3A_119 = tpu.memref_slice %arg25[%scan3A_107, %dma_start3A_118] : memref<250x80xi32, #tpu.memory_space<vmem>> -> memref<1x80xi32, #tpu.memory_space<vmem>>
        %dma_start3A_120 = tpu.memref_squeeze %dma_start3A_119 : memref<1x80xi32, #tpu.memory_space<vmem>> -> memref<80xi32, #tpu.memory_space<vmem>>
        %dma_start3A_121 = arith.constant 0 : i32
        %dma_start3A_122 = arith.constant 0 : i32
        %dma_start3A_123 = tpu.memref_slice %arg28[%dma_start3A_121, %dma_start3A_122] : memref<10240x64xf32, #tpu.memory_space<vmem_shared>> -> memref<10240x64xf32, #tpu.memory_space<vmem_shared>>
        tpu.enqueue_indirect_dma source(%arg26 : memref<80x64xf32, #tpu.memory_space<vmem>>) target(%dma_start3A_123 : memref<10240x64xf32, #tpu.memory_space<vmem_shared>>) offsets(%dma_start3A_120 : memref<80xi32, #tpu.memory_space<vmem>>) semaphore(%run_scoped3A : memref<!tpu.dma_semaphore, #tpu.memory_space<semaphore_mem>>) {add = true}
        %dma_wait3A_124 = arith.constant 0 : i32
        %dma_wait3A_125 = tpu.memref_slice %arg25[%scan3A_107, %dma_wait3A_124] : memref<250x80xi32, #tpu.memory_space<vmem>> -> memref<1x80xi32, #tpu.memory_space<vmem>>
        %dma_wait3A_126 = tpu.memref_squeeze %dma_wait3A_125 : memref<1x80xi32, #tpu.memory_space<vmem>> -> memref<80xi32, #tpu.memory_space<vmem>>
        %dma_wait3A_127 = arith.constant 0 : i32
        %dma_wait3A_128 = arith.constant 0 : i32
        %dma_wait3A_129 = tpu.memref_slice %arg28[%dma_wait3A_127, %dma_wait3A_128] : memref<10240x64xf32, #tpu.memory_space<vmem_shared>> -> memref<10240x64xf32, #tpu.memory_space<vmem_shared>>
        tpu.wait_indirect_dma semaphore(%run_scoped3A : memref<!tpu.dma_semaphore, #tpu.memory_space<semaphore_mem>>) src(%arg26 : memref<80x64xf32, #tpu.memory_space<vmem>>) dst(%dma_wait3A_129 : memref<10240x64xf32, #tpu.memory_space<vmem_shared>>)
        tpu.yield
      }) : () -> ()
      "tpu.region"() ({
        %run_scoped3A = tpu.sem_alloc : memref<!tpu.dma_semaphore, #tpu.memory_space<semaphore_mem>>
        %dma_start3A_118 = arith.constant 0 : i32
        %dma_start3A_119 = tpu.memref_slice %arg25[%scan3A_107, %dma_start3A_118] : memref<250x80xi32, #tpu.memory_space<vmem>> -> memref<1x80xi32, #tpu.memory_space<vmem>>
        %dma_start3A_120 = tpu.memref_squeeze %dma_start3A_119 : memref<1x80xi32, #tpu.memory_space<vmem>> -> memref<80xi32, #tpu.memory_space<vmem>>
        %dma_start3A_121 = arith.constant 0 : i32
        %dma_start3A_122 = arith.constant 0 : i32
        %dma_start3A_123 = tpu.memref_slice %arg29[%dma_start3A_121, %dma_start3A_122] : memref<10240x8xf32, #tpu.memory_space<vmem_shared>> -> memref<10240x8xf32, #tpu.memory_space<vmem_shared>>
        tpu.enqueue_indirect_dma source(%arg27 : memref<80x8xf32, #tpu.memory_space<vmem>>) target(%dma_start3A_123 : memref<10240x8xf32, #tpu.memory_space<vmem_shared>>) offsets(%dma_start3A_120 : memref<80xi32, #tpu.memory_space<vmem>>) semaphore(%run_scoped3A : memref<!tpu.dma_semaphore, #tpu.memory_space<semaphore_mem>>) {add = true}
        %dma_wait3A_124 = arith.constant 0 : i32
        %dma_wait3A_125 = tpu.memref_slice %arg25[%scan3A_107, %dma_wait3A_124] : memref<250x80xi32, #tpu.memory_space<vmem>> -> memref<1x80xi32, #tpu.memory_space<vmem>>
        %dma_wait3A_126 = tpu.memref_squeeze %dma_wait3A_125 : memref<1x80xi32, #tpu.memory_space<vmem>> -> memref<80xi32, #tpu.memory_space<vmem>>
        %dma_wait3A_127 = arith.constant 0 : i32
        %dma_wait3A_128 = arith.constant 0 : i32
        %dma_wait3A_129 = tpu.memref_slice %arg29[%dma_wait3A_127, %dma_wait3A_128] : memref<10240x8xf32, #tpu.memory_space<vmem_shared>> -> memref<10240x8xf32, #tpu.memory_space<vmem_shared>>
        tpu.wait_indirect_dma semaphore(%run_scoped3A : memref<!tpu.dma_semaphore, #tpu.memory_space<semaphore_mem>>) src(%arg27 : memref<80x8xf32, #tpu.memory_space<vmem>>) dst(%dma_wait3A_129 : memref<10240x8xf32, #tpu.memory_space<vmem_shared>>)
        tpu.yield
      }) : () -> ()
    }
    %scan3A_81 = arith.constant 250 : i32
    %barrier3A_82 = arith.constant 0 : index
    tpu.barrier barrier_id(%barrier3A_82)
    %mul3A_83 = arith.constant 640 : i32
    %mul3A_84 = arith.muli %arg1, %mul3A_83 : i32
    %mul3A_85 = arith.constant 640 : i32
    %mul3A_86 = arith.muli %arg1, %mul3A_85 : i32
    "tpu.region"() ({
      %run_scoped3A = tpu.sem_alloc : memref<!tpu.dma_semaphore, #tpu.memory_space<semaphore_mem>>
      %dma_start3A = arith.constant 0 : i32
      %dma_start3A_107 = tpu.memref_slice %arg19[%arg0, %mul3A_86, %dma_start3A] : memref<2x10240x64xf32, #tpu.memory_space<hbm>> -> memref<1x640x64xf32, #tpu.memory_space<hbm>>
      %dma_start3A_108 = tpu.memref_squeeze %dma_start3A_107 : memref<1x640x64xf32, #tpu.memory_space<hbm>> -> memref<640x64xf32, #tpu.memory_space<hbm>>
      %dma_start3A_109 = arith.constant 0 : i32
      %dma_start3A_110 = tpu.memref_slice %arg28[%mul3A_84, %dma_start3A_109] : memref<10240x64xf32, #tpu.memory_space<vmem_shared>> -> memref<640x64xf32, #tpu.memory_space<vmem_shared>>
      tpu.enqueue_dma source(%dma_start3A_110 : memref<640x64xf32, #tpu.memory_space<vmem_shared>>) target(%dma_start3A_108 : memref<640x64xf32, #tpu.memory_space<hbm>>) target_semaphore(%run_scoped3A : memref<!tpu.dma_semaphore, #tpu.memory_space<semaphore_mem>>)
      %dma_wait3A = arith.constant 0 : i32
      %dma_wait3A_111 = tpu.memref_slice %arg19[%arg0, %mul3A_86, %dma_wait3A] : memref<2x10240x64xf32, #tpu.memory_space<hbm>> -> memref<1x640x64xf32, #tpu.memory_space<hbm>>
      %dma_wait3A_112 = tpu.memref_squeeze %dma_wait3A_111 : memref<1x640x64xf32, #tpu.memory_space<hbm>> -> memref<640x64xf32, #tpu.memory_space<hbm>>
      %dma_wait3A_113 = arith.constant 0 : i32
      %dma_wait3A_114 = tpu.memref_slice %arg28[%mul3A_84, %dma_wait3A_113] : memref<10240x64xf32, #tpu.memory_space<vmem_shared>> -> memref<640x64xf32, #tpu.memory_space<vmem_shared>>
      tpu.wait_dma2 semaphore(%run_scoped3A : memref<!tpu.dma_semaphore, #tpu.memory_space<semaphore_mem>>) src(%dma_wait3A_114 : memref<640x64xf32, #tpu.memory_space<vmem_shared>>) dst(%dma_wait3A_112 : memref<640x64xf32, #tpu.memory_space<hbm>>)
      tpu.yield
    }) : () -> ()
    %mul3A_87 = arith.constant 640 : i32
    %mul3A_88 = arith.muli %arg1, %mul3A_87 : i32
    %mul3A_89 = arith.constant 640 : i32
    %mul3A_90 = arith.muli %arg1, %mul3A_89 : i32
    "tpu.region"() ({
      %run_scoped3A = tpu.sem_alloc : memref<!tpu.dma_semaphore, #tpu.memory_space<semaphore_mem>>
      %dma_start3A = arith.constant 0 : i32
      %dma_start3A_107 = tpu.memref_slice %arg23[%arg0, %mul3A_90, %dma_start3A] : memref<2x10240x8xf32, #tpu.memory_space<hbm>> -> memref<1x640x8xf32, #tpu.memory_space<hbm>>
      %dma_start3A_108 = tpu.memref_squeeze %dma_start3A_107 : memref<1x640x8xf32, #tpu.memory_space<hbm>> -> memref<640x8xf32, #tpu.memory_space<hbm>>
      %dma_start3A_109 = arith.constant 0 : i32
      %dma_start3A_110 = tpu.memref_slice %arg29[%mul3A_88, %dma_start3A_109] : memref<10240x8xf32, #tpu.memory_space<vmem_shared>> -> memref<640x8xf32, #tpu.memory_space<vmem_shared>>
      tpu.enqueue_dma source(%dma_start3A_110 : memref<640x8xf32, #tpu.memory_space<vmem_shared>>) target(%dma_start3A_108 : memref<640x8xf32, #tpu.memory_space<hbm>>) target_semaphore(%run_scoped3A : memref<!tpu.dma_semaphore, #tpu.memory_space<semaphore_mem>>)
      %dma_wait3A = arith.constant 0 : i32
      %dma_wait3A_111 = tpu.memref_slice %arg23[%arg0, %mul3A_90, %dma_wait3A] : memref<2x10240x8xf32, #tpu.memory_space<hbm>> -> memref<1x640x8xf32, #tpu.memory_space<hbm>>
      %dma_wait3A_112 = tpu.memref_squeeze %dma_wait3A_111 : memref<1x640x8xf32, #tpu.memory_space<hbm>> -> memref<640x8xf32, #tpu.memory_space<hbm>>
      %dma_wait3A_113 = arith.constant 0 : i32
      %dma_wait3A_114 = tpu.memref_slice %arg29[%mul3A_88, %dma_wait3A_113] : memref<10240x8xf32, #tpu.memory_space<vmem_shared>> -> memref<640x8xf32, #tpu.memory_space<vmem_shared>>
      tpu.wait_dma2 semaphore(%run_scoped3A : memref<!tpu.dma_semaphore, #tpu.memory_space<semaphore_mem>>) src(%dma_wait3A_114 : memref<640x8xf32, #tpu.memory_space<vmem_shared>>) dst(%dma_wait3A_112 : memref<640x8xf32, #tpu.memory_space<hbm>>)
      tpu.yield
    }) : () -> ()
    %barrier3A_91 = arith.constant 0 : index
    tpu.barrier barrier_id(%barrier3A_91)
    %mul3A_92 = arith.constant 640 : i32
    %mul3A_93 = arith.muli %arg1, %mul3A_92 : i32
    "tpu.region"() ({
      %run_scoped3A = tpu.sem_alloc : memref<!tpu.dma_semaphore, #tpu.memory_space<semaphore_mem>>
      %dma_start3A = arith.constant 0 : i32
      %dma_start3A_107 = tpu.memref_slice %arg28[%mul3A_93, %dma_start3A] : memref<10240x64xf32, #tpu.memory_space<vmem_shared>> -> memref<640x64xf32, #tpu.memory_space<vmem_shared>>
      tpu.enqueue_dma source(%arg13 : memref<640x64xf32, #tpu.memory_space<hbm>>) target(%dma_start3A_107 : memref<640x64xf32, #tpu.memory_space<vmem_shared>>) target_semaphore(%run_scoped3A : memref<!tpu.dma_semaphore, #tpu.memory_space<semaphore_mem>>)
      %dma_wait3A = arith.constant 0 : i32
      %dma_wait3A_108 = tpu.memref_slice %arg28[%mul3A_93, %dma_wait3A] : memref<10240x64xf32, #tpu.memory_space<vmem_shared>> -> memref<640x64xf32, #tpu.memory_space<vmem_shared>>
      tpu.wait_dma2 semaphore(%run_scoped3A : memref<!tpu.dma_semaphore, #tpu.memory_space<semaphore_mem>>) src(%arg13 : memref<640x64xf32, #tpu.memory_space<hbm>>) dst(%dma_wait3A_108 : memref<640x64xf32, #tpu.memory_space<vmem_shared>>)
      tpu.yield
    }) : () -> ()
    %barrier3A_94 = arith.constant 0 : index
    tpu.barrier barrier_id(%barrier3A_94)
    %scan3A_95 = arith.constant 0 : i32
    %scan3A_96 = arith.constant 0 : i32
    %scan3A_97 = arith.constant 250 : i32
    %scan3A_98 = arith.addi %scan3A_96, %scan3A_97 : i32
    %scan3A_99 = arith.constant 1 : i32
    scf.for %scan3A_107 = %scan3A_96 to %scan3A_98 step %scan3A_99  : i32 {
      %dma_start3A = arith.constant 0 : i32
      %dma_start3A_108 = tpu.memref_slice %arg24[%scan3A_107, %dma_start3A] : memref<250x80xi32, #tpu.memory_space<vmem>> -> memref<1x80xi32, #tpu.memory_space<vmem>>
      %dma_start3A_109 = tpu.memref_squeeze %dma_start3A_108 : memref<1x80xi32, #tpu.memory_space<vmem>> -> memref<80xi32, #tpu.memory_space<vmem>>
      %dma_start3A_110 = arith.constant 0 : i32
      %dma_start3A_111 = arith.constant 0 : i32
      %dma_start3A_112 = tpu.memref_slice %arg9[%dma_start3A_110, %dma_start3A_111] : memref<10240x64xf32, #tpu.memory_space<hbm>> -> memref<10240x64xf32, #tpu.memory_space<hbm>>
      tpu.enqueue_indirect_dma source(%dma_start3A_112 : memref<10240x64xf32, #tpu.memory_space<hbm>>) target(%arg26 : memref<80x64xf32, #tpu.memory_space<vmem>>) offsets(%dma_start3A_109 : memref<80xi32, #tpu.memory_space<vmem>>) semaphore(%arg30 : memref<!tpu.dma_semaphore, #tpu.memory_space<semaphore_mem>>)
      %dma_wait3A = arith.constant 0 : i32
      %dma_wait3A_113 = tpu.memref_slice %arg24[%scan3A_107, %dma_wait3A] : memref<250x80xi32, #tpu.memory_space<vmem>> -> memref<1x80xi32, #tpu.memory_space<vmem>>
      %dma_wait3A_114 = tpu.memref_squeeze %dma_wait3A_113 : memref<1x80xi32, #tpu.memory_space<vmem>> -> memref<80xi32, #tpu.memory_space<vmem>>
      %dma_wait3A_115 = arith.constant 0 : i32
      %dma_wait3A_116 = arith.constant 0 : i32
      %dma_wait3A_117 = tpu.memref_slice %arg9[%dma_wait3A_115, %dma_wait3A_116] : memref<10240x64xf32, #tpu.memory_space<hbm>> -> memref<10240x64xf32, #tpu.memory_space<hbm>>
      tpu.wait_indirect_dma semaphore(%arg30 : memref<!tpu.dma_semaphore, #tpu.memory_space<semaphore_mem>>) src(%dma_wait3A_117 : memref<10240x64xf32, #tpu.memory_space<hbm>>) dst(%arg26 : memref<80x64xf32, #tpu.memory_space<vmem>>)
      "tpu.region"() ({
        %run_scoped3A = tpu.sem_alloc : memref<!tpu.dma_semaphore, #tpu.memory_space<semaphore_mem>>
        %dma_start3A_118 = arith.constant 0 : i32
        %dma_start3A_119 = tpu.memref_slice %arg25[%scan3A_107, %dma_start3A_118] : memref<250x80xi32, #tpu.memory_space<vmem>> -> memref<1x80xi32, #tpu.memory_space<vmem>>
        %dma_start3A_120 = tpu.memref_squeeze %dma_start3A_119 : memref<1x80xi32, #tpu.memory_space<vmem>> -> memref<80xi32, #tpu.memory_space<vmem>>
        %dma_start3A_121 = arith.constant 0 : i32
        %dma_start3A_122 = arith.constant 0 : i32
        %dma_start3A_123 = tpu.memref_slice %arg28[%dma_start3A_121, %dma_start3A_122] : memref<10240x64xf32, #tpu.memory_space<vmem_shared>> -> memref<10240x64xf32, #tpu.memory_space<vmem_shared>>
        tpu.enqueue_indirect_dma source(%arg26 : memref<80x64xf32, #tpu.memory_space<vmem>>) target(%dma_start3A_123 : memref<10240x64xf32, #tpu.memory_space<vmem_shared>>) offsets(%dma_start3A_120 : memref<80xi32, #tpu.memory_space<vmem>>) semaphore(%run_scoped3A : memref<!tpu.dma_semaphore, #tpu.memory_space<semaphore_mem>>) {add = true}
        %dma_wait3A_124 = arith.constant 0 : i32
        %dma_wait3A_125 = tpu.memref_slice %arg25[%scan3A_107, %dma_wait3A_124] : memref<250x80xi32, #tpu.memory_space<vmem>> -> memref<1x80xi32, #tpu.memory_space<vmem>>
        %dma_wait3A_126 = tpu.memref_squeeze %dma_wait3A_125 : memref<1x80xi32, #tpu.memory_space<vmem>> -> memref<80xi32, #tpu.memory_space<vmem>>
        %dma_wait3A_127 = arith.constant 0 : i32
        %dma_wait3A_128 = arith.constant 0 : i32
        %dma_wait3A_129 = tpu.memref_slice %arg28[%dma_wait3A_127, %dma_wait3A_128] : memref<10240x64xf32, #tpu.memory_space<vmem_shared>> -> memref<10240x64xf32, #tpu.memory_space<vmem_shared>>
        tpu.wait_indirect_dma semaphore(%run_scoped3A : memref<!tpu.dma_semaphore, #tpu.memory_space<semaphore_mem>>) src(%arg26 : memref<80x64xf32, #tpu.memory_space<vmem>>) dst(%dma_wait3A_129 : memref<10240x64xf32, #tpu.memory_space<vmem_shared>>)
        tpu.yield
      }) : () -> ()
    }
    %scan3A_100 = arith.constant 250 : i32
    %barrier3A_101 = arith.constant 0 : index
    tpu.barrier barrier_id(%barrier3A_101)
    %mul3A_102 = arith.constant 640 : i32
    %mul3A_103 = arith.muli %arg1, %mul3A_102 : i32
    %mul3A_104 = arith.constant 640 : i32
    %mul3A_105 = arith.muli %arg1, %mul3A_104 : i32
    "tpu.region"() ({
      %run_scoped3A = tpu.sem_alloc : memref<!tpu.dma_semaphore, #tpu.memory_space<semaphore_mem>>
      %dma_start3A = arith.constant 0 : i32
      %dma_start3A_107 = tpu.memref_slice %arg20[%arg0, %mul3A_105, %dma_start3A] : memref<2x10240x64xf32, #tpu.memory_space<hbm>> -> memref<1x640x64xf32, #tpu.memory_space<hbm>>
      %dma_start3A_108 = tpu.memref_squeeze %dma_start3A_107 : memref<1x640x64xf32, #tpu.memory_space<hbm>> -> memref<640x64xf32, #tpu.memory_space<hbm>>
      %dma_start3A_109 = arith.constant 0 : i32
      %dma_start3A_110 = tpu.memref_slice %arg28[%mul3A_103, %dma_start3A_109] : memref<10240x64xf32, #tpu.memory_space<vmem_shared>> -> memref<640x64xf32, #tpu.memory_space<vmem_shared>>
      tpu.enqueue_dma source(%dma_start3A_110 : memref<640x64xf32, #tpu.memory_space<vmem_shared>>) target(%dma_start3A_108 : memref<640x64xf32, #tpu.memory_space<hbm>>) target_semaphore(%run_scoped3A : memref<!tpu.dma_semaphore, #tpu.memory_space<semaphore_mem>>)
      %dma_wait3A = arith.constant 0 : i32
      %dma_wait3A_111 = tpu.memref_slice %arg20[%arg0, %mul3A_105, %dma_wait3A] : memref<2x10240x64xf32, #tpu.memory_space<hbm>> -> memref<1x640x64xf32, #tpu.memory_space<hbm>>
      %dma_wait3A_112 = tpu.memref_squeeze %dma_wait3A_111 : memref<1x640x64xf32, #tpu.memory_space<hbm>> -> memref<640x64xf32, #tpu.memory_space<hbm>>
      %dma_wait3A_113 = arith.constant 0 : i32
      %dma_wait3A_114 = tpu.memref_slice %arg28[%mul3A_103, %dma_wait3A_113] : memref<10240x64xf32, #tpu.memory_space<vmem_shared>> -> memref<640x64xf32, #tpu.memory_space<vmem_shared>>
      tpu.wait_dma2 semaphore(%run_scoped3A : memref<!tpu.dma_semaphore, #tpu.memory_space<semaphore_mem>>) src(%dma_wait3A_114 : memref<640x64xf32, #tpu.memory_space<vmem_shared>>) dst(%dma_wait3A_112 : memref<640x64xf32, #tpu.memory_space<hbm>>)
      tpu.yield
    }) : () -> ()
    %barrier3A_106 = arith.constant 0 : index
    tpu.barrier barrier_id(%barrier3A_106)
    return
  }
}

module attributes {stable_mosaic.version = 14 : i64} {
  func.func @_tc0_body(%arg0: i32, %arg1: memref<2x640x64xf32, #tpu.memory_space<vmem>>, %arg2: memref<2x640x64xf32, #tpu.memory_space<vmem>>, %arg3: memref<2x640x8xf32, #tpu.memory_space<vmem>>, %arg4: memref<2x640x64xf32, #tpu.memory_space<vmem>>, %arg5: memref<2x640x64xf32, #tpu.memory_space<vmem>>, %arg6: memref<2x640x8xf32, #tpu.memory_space<vmem>>, %arg7: memref<2x640x64xf32, #tpu.memory_space<vmem>>, %arg8: memref<2x640x64xf32, #tpu.memory_space<vmem>>, %arg9: memref<2x640x8xf32, #tpu.memory_space<vmem>>, %arg10: memref<640x128xf32, #tpu.memory_space<vmem>>, %arg11: memref<640x128xf32, #tpu.memory_space<vmem>>, %arg12: memref<128x128xf32, #tpu.memory_space<vmem>>, %arg13: memref<128x128xf32, #tpu.memory_space<vmem>>, %arg14: memref<128x128xf32, #tpu.memory_space<vmem>>, %arg15: memref<128x128xf32, #tpu.memory_space<vmem>>, %arg16: memref<128x128xf32, #tpu.memory_space<vmem>>, %arg17: memref<128x128xf32, #tpu.memory_space<vmem>>, %arg18: memref<1x128xf32, #tpu.memory_space<vmem>>, %arg19: memref<1x128xf32, #tpu.memory_space<vmem>>, %arg20: memref<1x128xf32, #tpu.memory_space<vmem>>, %arg21: memref<640x64xf32, #tpu.memory_space<vmem>>, %arg22: memref<640x64xf32, #tpu.memory_space<vmem>>, %arg23: memref<640x64xf32, #tpu.memory_space<vmem>>, %arg24: memref<640x64xf32, #tpu.memory_space<vmem>>) attributes {dimension_semantics = [#tpu.dimension_semantics<arbitrary>], iteration_bounds = array<i64: 16>, scalar_prefetch = 0 : i64, scratch_operands = 0 : i64, tpu.core_type = #tpu.core_type<tc>, window_params = [{transform_indices = @transform_0, window_bounds = array<i64: 2, 640, 64>}, {transform_indices = @transform_1, window_bounds = array<i64: 2, 640, 64>}, {transform_indices = @transform_2, window_bounds = array<i64: 2, 640, 8>}, {transform_indices = @transform_3, window_bounds = array<i64: 2, 640, 64>}, {transform_indices = @transform_4, window_bounds = array<i64: 2, 640, 64>}, {transform_indices = @transform_5, window_bounds = array<i64: 2, 640, 8>}, {transform_indices = @transform_6, window_bounds = array<i64: 2, 640, 64>}, {transform_indices = @transform_7, window_bounds = array<i64: 2, 640, 64>}, {transform_indices = @transform_8, window_bounds = array<i64: 2, 640, 8>}, {transform_indices = @transform_9, window_bounds = array<i64: 640, 128>}, {transform_indices = @transform_10, window_bounds = array<i64: 640, 128>}, {pipeline_mode = #tpu.pipeline_mode<synchronous>, transform_indices = @transform_11, window_bounds = array<i64: 128, 128>}, {pipeline_mode = #tpu.pipeline_mode<synchronous>, transform_indices = @transform_12, window_bounds = array<i64: 128, 128>}, {pipeline_mode = #tpu.pipeline_mode<synchronous>, transform_indices = @transform_13, window_bounds = array<i64: 128, 128>}, {pipeline_mode = #tpu.pipeline_mode<synchronous>, transform_indices = @transform_14, window_bounds = array<i64: 128, 128>}, {pipeline_mode = #tpu.pipeline_mode<synchronous>, transform_indices = @transform_15, window_bounds = array<i64: 128, 128>}, {pipeline_mode = #tpu.pipeline_mode<synchronous>, transform_indices = @transform_16, window_bounds = array<i64: 128, 128>}, {pipeline_mode = #tpu.pipeline_mode<synchronous>, transform_indices = @transform_17, window_bounds = array<i64: 1, 128>}, {pipeline_mode = #tpu.pipeline_mode<synchronous>, transform_indices = @transform_18, window_bounds = array<i64: 1, 128>}, {pipeline_mode = #tpu.pipeline_mode<synchronous>, transform_indices = @transform_19, window_bounds = array<i64: 1, 128>}, {transform_indices = @transform_20, window_bounds = array<i64: 640, 64>}, {transform_indices = @transform_21, window_bounds = array<i64: 640, 64>}, {transform_indices = @transform_22, window_bounds = array<i64: 640, 64>}, {transform_indices = @transform_23, window_bounds = array<i64: 640, 64>}]} {
    %get3A = arith.constant 0 : index
    %get3A_0 = arith.constant 0 : index
    %get3A_1 = arith.constant 0 : index
    %get3A_2 = vector.load %arg3[%get3A, %get3A_0, %get3A_1] : memref<2x640x8xf32, #tpu.memory_space<vmem>>, vector<1x640x1xf32>
    %get3A_3 = vector.shape_cast %get3A_2 : vector<1x640x1xf32> to vector<640x1xf32>
    %get3A_4 = arith.constant 1 : index
    %get3A_5 = arith.constant 0 : index
    %get3A_6 = arith.constant 0 : index
    %get3A_7 = vector.load %arg3[%get3A_4, %get3A_5, %get3A_6] : memref<2x640x8xf32, #tpu.memory_space<vmem>>, vector<1x640x1xf32>
    %get3A_8 = vector.shape_cast %get3A_7 : vector<1x640x1xf32> to vector<640x1xf32>
    %add3A = arith.addf %get3A_3, %get3A_8 : vector<640x1xf32>
    %max3A = arith.constant 1.000000e+00 : f32
    %max3A_9 = vector.broadcast %max3A : f32 to vector<640x1xf32>
    %max3A_10 = arith.maximumf %add3A, %max3A_9 : vector<640x1xf32>
    %get3A_11 = arith.constant 0 : index
    %get3A_12 = arith.constant 0 : index
    %get3A_13 = arith.constant 0 : index
    %get3A_14 = vector.load %arg1[%get3A_11, %get3A_12, %get3A_13] : memref<2x640x64xf32, #tpu.memory_space<vmem>>, vector<1x640x64xf32>
    %get3A_15 = vector.shape_cast %get3A_14 : vector<1x640x64xf32> to vector<640x64xf32>
    %get3A_16 = arith.constant 1 : index
    %get3A_17 = arith.constant 0 : index
    %get3A_18 = arith.constant 0 : index
    %get3A_19 = vector.load %arg1[%get3A_16, %get3A_17, %get3A_18] : memref<2x640x64xf32, #tpu.memory_space<vmem>>, vector<1x640x64xf32>
    %get3A_20 = vector.shape_cast %get3A_19 : vector<1x640x64xf32> to vector<640x64xf32>
    %add3A_21 = arith.addf %get3A_15, %get3A_20 : vector<640x64xf32>
    %get3A_22 = arith.constant 0 : index
    %get3A_23 = arith.constant 0 : index
    %get3A_24 = arith.constant 0 : index
    %get3A_25 = vector.load %arg2[%get3A_22, %get3A_23, %get3A_24] : memref<2x640x64xf32, #tpu.memory_space<vmem>>, vector<1x640x64xf32>
    %get3A_26 = vector.shape_cast %get3A_25 : vector<1x640x64xf32> to vector<640x64xf32>
    %get3A_27 = arith.constant 1 : index
    %get3A_28 = arith.constant 0 : index
    %get3A_29 = arith.constant 0 : index
    %get3A_30 = vector.load %arg2[%get3A_27, %get3A_28, %get3A_29] : memref<2x640x64xf32, #tpu.memory_space<vmem>>, vector<1x640x64xf32>
    %get3A_31 = vector.shape_cast %get3A_30 : vector<1x640x64xf32> to vector<640x64xf32>
    %add3A_32 = arith.addf %get3A_26, %get3A_31 : vector<640x64xf32>
    %concatenate3A = tpu.concatenate %add3A_21, %add3A_32 in 1 : vector<640x64xf32>, vector<640x64xf32> -> vector<640x128xf32>
    %div3A = vector.broadcast %max3A_10 : vector<640x1xf32> to vector<640x128xf32>
    %div3A_33 = arith.divf %concatenate3A, %div3A : vector<640x128xf32>
    %get3A_34 = arith.constant 0 : index
    %get3A_35 = arith.constant 0 : index
    %get3A_36 = vector.load %arg12[%get3A_34, %get3A_35] : memref<128x128xf32, #tpu.memory_space<vmem>>, vector<128x128xf32>
    %dot_general3A = arith.constant dense<0.000000e+00> : vector<640x128xf32>
    %dot_general3A_37 = tpu.matmul %div3A_33, %get3A_36, %dot_general3A {dimension_numbers = #tpu.dot_dimension_numbers<[1], [0], [0], [1], [0, 0, 1, 1], [], []>, transpose_lhs_hint = false} : vector<640x128xf32>, vector<128x128xf32>, vector<640x128xf32> -> vector<640x128xf32>
    %get3A_38 = arith.constant 0 : index
    %get3A_39 = arith.constant 0 : index
    %get3A_40 = arith.constant 0 : index
    %get3A_41 = vector.load %arg6[%get3A_38, %get3A_39, %get3A_40] : memref<2x640x8xf32, #tpu.memory_space<vmem>>, vector<1x640x1xf32>
    %get3A_42 = vector.shape_cast %get3A_41 : vector<1x640x1xf32> to vector<640x1xf32>
    %get3A_43 = arith.constant 1 : index
    %get3A_44 = arith.constant 0 : index
    %get3A_45 = arith.constant 0 : index
    %get3A_46 = vector.load %arg6[%get3A_43, %get3A_44, %get3A_45] : memref<2x640x8xf32, #tpu.memory_space<vmem>>, vector<1x640x1xf32>
    %get3A_47 = vector.shape_cast %get3A_46 : vector<1x640x1xf32> to vector<640x1xf32>
    %add3A_48 = arith.addf %get3A_42, %get3A_47 : vector<640x1xf32>
    %max3A_49 = arith.constant 1.000000e+00 : f32
    %max3A_50 = vector.broadcast %max3A_49 : f32 to vector<640x1xf32>
    %max3A_51 = arith.maximumf %add3A_48, %max3A_50 : vector<640x1xf32>
    %get3A_52 = arith.constant 0 : index
    %get3A_53 = arith.constant 0 : index
    %get3A_54 = arith.constant 0 : index
    %get3A_55 = vector.load %arg4[%get3A_52, %get3A_53, %get3A_54] : memref<2x640x64xf32, #tpu.memory_space<vmem>>, vector<1x640x64xf32>
    %get3A_56 = vector.shape_cast %get3A_55 : vector<1x640x64xf32> to vector<640x64xf32>
    %get3A_57 = arith.constant 1 : index
    %get3A_58 = arith.constant 0 : index
    %get3A_59 = arith.constant 0 : index
    %get3A_60 = vector.load %arg4[%get3A_57, %get3A_58, %get3A_59] : memref<2x640x64xf32, #tpu.memory_space<vmem>>, vector<1x640x64xf32>
    %get3A_61 = vector.shape_cast %get3A_60 : vector<1x640x64xf32> to vector<640x64xf32>
    %add3A_62 = arith.addf %get3A_56, %get3A_61 : vector<640x64xf32>
    %get3A_63 = arith.constant 0 : index
    %get3A_64 = arith.constant 0 : index
    %get3A_65 = arith.constant 0 : index
    %get3A_66 = vector.load %arg5[%get3A_63, %get3A_64, %get3A_65] : memref<2x640x64xf32, #tpu.memory_space<vmem>>, vector<1x640x64xf32>
    %get3A_67 = vector.shape_cast %get3A_66 : vector<1x640x64xf32> to vector<640x64xf32>
    %get3A_68 = arith.constant 1 : index
    %get3A_69 = arith.constant 0 : index
    %get3A_70 = arith.constant 0 : index
    %get3A_71 = vector.load %arg5[%get3A_68, %get3A_69, %get3A_70] : memref<2x640x64xf32, #tpu.memory_space<vmem>>, vector<1x640x64xf32>
    %get3A_72 = vector.shape_cast %get3A_71 : vector<1x640x64xf32> to vector<640x64xf32>
    %add3A_73 = arith.addf %get3A_67, %get3A_72 : vector<640x64xf32>
    %concatenate3A_74 = tpu.concatenate %add3A_62, %add3A_73 in 1 : vector<640x64xf32>, vector<640x64xf32> -> vector<640x128xf32>
    %div3A_75 = vector.broadcast %max3A_51 : vector<640x1xf32> to vector<640x128xf32>
    %div3A_76 = arith.divf %concatenate3A_74, %div3A_75 : vector<640x128xf32>
    %get3A_77 = arith.constant 0 : index
    %get3A_78 = arith.constant 0 : index
    %get3A_79 = vector.load %arg13[%get3A_77, %get3A_78] : memref<128x128xf32, #tpu.memory_space<vmem>>, vector<128x128xf32>
    %dot_general3A_80 = arith.constant dense<0.000000e+00> : vector<640x128xf32>
    %dot_general3A_81 = tpu.matmul %div3A_76, %get3A_79, %dot_general3A_80 {dimension_numbers = #tpu.dot_dimension_numbers<[1], [0], [0], [1], [0, 0, 1, 1], [], []>, transpose_lhs_hint = false} : vector<640x128xf32>, vector<128x128xf32>, vector<640x128xf32> -> vector<640x128xf32>
    %add3A_82 = arith.addf %dot_general3A_37, %dot_general3A_81 : vector<640x128xf32>
    %get3A_83 = arith.constant 0 : index
    %get3A_84 = arith.constant 0 : index
    %get3A_85 = vector.load %arg10[%get3A_83, %get3A_84] : memref<640x128xf32, #tpu.memory_space<vmem>>, vector<640x128xf32>
    %get3A_86 = arith.constant 0 : index
    %get3A_87 = arith.constant 0 : index
    %get3A_88 = vector.load %arg15[%get3A_86, %get3A_87] : memref<128x128xf32, #tpu.memory_space<vmem>>, vector<128x128xf32>
    %get3A_89 = arith.constant 0 : index
    %get3A_90 = arith.constant 0 : index
    %get3A_91 = vector.load %arg16[%get3A_89, %get3A_90] : memref<128x128xf32, #tpu.memory_space<vmem>>, vector<128x128xf32>
    %add3A_92 = arith.addf %get3A_88, %get3A_91 : vector<128x128xf32>
    %dot_general3A_93 = arith.constant dense<0.000000e+00> : vector<640x128xf32>
    %dot_general3A_94 = tpu.matmul %get3A_85, %add3A_92, %dot_general3A_93 {dimension_numbers = #tpu.dot_dimension_numbers<[1], [0], [0], [1], [0, 0, 1, 1], [], []>, transpose_lhs_hint = false} : vector<640x128xf32>, vector<128x128xf32>, vector<640x128xf32> -> vector<640x128xf32>
    %add3A_95 = arith.addf %add3A_82, %dot_general3A_94 : vector<640x128xf32>
    %get3A_96 = arith.constant 0 : index
    %get3A_97 = arith.constant 0 : index
    %get3A_98 = vector.load %arg18[%get3A_96, %get3A_97] : memref<1x128xf32, #tpu.memory_space<vmem>>, vector<1x128xf32>
    %add3A_99 = vector.broadcast %get3A_98 : vector<1x128xf32> to vector<640x128xf32>
    %add3A_100 = arith.addf %add3A_95, %add3A_99 : vector<640x128xf32>
    %get3A_101 = arith.constant 0 : index
    %get3A_102 = arith.constant 0 : index
    %get3A_103 = vector.load %arg19[%get3A_101, %get3A_102] : memref<1x128xf32, #tpu.memory_space<vmem>>, vector<1x128xf32>
    %add3A_104 = vector.broadcast %get3A_103 : vector<1x128xf32> to vector<640x128xf32>
    %add3A_105 = arith.addf %add3A_100, %add3A_104 : vector<640x128xf32>
    %max3A_106 = arith.constant 0.000000e+00 : f32
    %max3A_107 = vector.broadcast %max3A_106 : f32 to vector<640x128xf32>
    %max3A_108 = arith.maximumf %add3A_105, %max3A_107 : vector<640x128xf32>
    %slice3A = vector.extract_strided_slice %max3A_108 {offsets = [0, 0], sizes = [640, 64], strides = [1, 1]} : vector<640x128xf32> to vector<640x64xf32>
    %swap3A = arith.constant 0 : index
    %swap3A_109 = arith.constant 0 : index
    %swap3A_110 = vector.load %arg21[%swap3A, %swap3A_109] : memref<640x64xf32, #tpu.memory_space<vmem>>, vector<640x64xf32>
    tpu.vector_store %arg21[%swap3A, %swap3A_109], %slice3A {strides = array<i32>} : memref<640x64xf32, #tpu.memory_space<vmem>>, vector<640x64xf32>,
    %slice3A_111 = vector.extract_strided_slice %max3A_108 {offsets = [0, 64], sizes = [640, 64], strides = [1, 1]} : vector<640x128xf32> to vector<640x64xf32>
    %swap3A_112 = arith.constant 0 : index
    %swap3A_113 = arith.constant 0 : index
    %swap3A_114 = vector.load %arg22[%swap3A_112, %swap3A_113] : memref<640x64xf32, #tpu.memory_space<vmem>>, vector<640x64xf32>
    tpu.vector_store %arg22[%swap3A_112, %swap3A_113], %slice3A_111 {strides = array<i32>} : memref<640x64xf32, #tpu.memory_space<vmem>>, vector<640x64xf32>,
    %get3A_115 = arith.constant 0 : index
    %get3A_116 = arith.constant 0 : index
    %get3A_117 = arith.constant 0 : index
    %get3A_118 = vector.load %arg9[%get3A_115, %get3A_116, %get3A_117] : memref<2x640x8xf32, #tpu.memory_space<vmem>>, vector<1x640x1xf32>
    %get3A_119 = vector.shape_cast %get3A_118 : vector<1x640x1xf32> to vector<640x1xf32>
    %get3A_120 = arith.constant 1 : index
    %get3A_121 = arith.constant 0 : index
    %get3A_122 = arith.constant 0 : index
    %get3A_123 = vector.load %arg9[%get3A_120, %get3A_121, %get3A_122] : memref<2x640x8xf32, #tpu.memory_space<vmem>>, vector<1x640x1xf32>
    %get3A_124 = vector.shape_cast %get3A_123 : vector<1x640x1xf32> to vector<640x1xf32>
    %add3A_125 = arith.addf %get3A_119, %get3A_124 : vector<640x1xf32>
    %max3A_126 = arith.constant 1.000000e+00 : f32
    %max3A_127 = vector.broadcast %max3A_126 : f32 to vector<640x1xf32>
    %max3A_128 = arith.maximumf %add3A_125, %max3A_127 : vector<640x1xf32>
    %get3A_129 = arith.constant 0 : index
    %get3A_130 = arith.constant 0 : index
    %get3A_131 = arith.constant 0 : index
    %get3A_132 = vector.load %arg7[%get3A_129, %get3A_130, %get3A_131] : memref<2x640x64xf32, #tpu.memory_space<vmem>>, vector<1x640x64xf32>
    %get3A_133 = vector.shape_cast %get3A_132 : vector<1x640x64xf32> to vector<640x64xf32>
    %get3A_134 = arith.constant 1 : index
    %get3A_135 = arith.constant 0 : index
    %get3A_136 = arith.constant 0 : index
    %get3A_137 = vector.load %arg7[%get3A_134, %get3A_135, %get3A_136] : memref<2x640x64xf32, #tpu.memory_space<vmem>>, vector<1x640x64xf32>
    %get3A_138 = vector.shape_cast %get3A_137 : vector<1x640x64xf32> to vector<640x64xf32>
    %add3A_139 = arith.addf %get3A_133, %get3A_138 : vector<640x64xf32>
    %get3A_140 = arith.constant 0 : index
    %get3A_141 = arith.constant 0 : index
    %get3A_142 = arith.constant 0 : index
    %get3A_143 = vector.load %arg8[%get3A_140, %get3A_141, %get3A_142] : memref<2x640x64xf32, #tpu.memory_space<vmem>>, vector<1x640x64xf32>
    %get3A_144 = vector.shape_cast %get3A_143 : vector<1x640x64xf32> to vector<640x64xf32>
    %get3A_145 = arith.constant 1 : index
    %get3A_146 = arith.constant 0 : index
    %get3A_147 = arith.constant 0 : index
    %get3A_148 = vector.load %arg8[%get3A_145, %get3A_146, %get3A_147] : memref<2x640x64xf32, #tpu.memory_space<vmem>>, vector<1x640x64xf32>
    %get3A_149 = vector.shape_cast %get3A_148 : vector<1x640x64xf32> to vector<640x64xf32>
    %add3A_150 = arith.addf %get3A_144, %get3A_149 : vector<640x64xf32>
    %concatenate3A_151 = tpu.concatenate %add3A_139, %add3A_150 in 1 : vector<640x64xf32>, vector<640x64xf32> -> vector<640x128xf32>
    %div3A_152 = vector.broadcast %max3A_128 : vector<640x1xf32> to vector<640x128xf32>
    %div3A_153 = arith.divf %concatenate3A_151, %div3A_152 : vector<640x128xf32>
    %get3A_154 = arith.constant 0 : index
    %get3A_155 = arith.constant 0 : index
    %get3A_156 = vector.load %arg14[%get3A_154, %get3A_155] : memref<128x128xf32, #tpu.memory_space<vmem>>, vector<128x128xf32>
    %dot_general3A_157 = arith.constant dense<0.000000e+00> : vector<640x128xf32>
    %dot_general3A_158 = tpu.matmul %div3A_153, %get3A_156, %dot_general3A_157 {dimension_numbers = #tpu.dot_dimension_numbers<[1], [0], [0], [1], [0, 0, 1, 1], [], []>, transpose_lhs_hint = false} : vector<640x128xf32>, vector<128x128xf32>, vector<640x128xf32> -> vector<640x128xf32>
    %get3A_159 = arith.constant 0 : index
    %get3A_160 = arith.constant 0 : index
    %get3A_161 = vector.load %arg11[%get3A_159, %get3A_160] : memref<640x128xf32, #tpu.memory_space<vmem>>, vector<640x128xf32>
    %get3A_162 = arith.constant 0 : index
    %get3A_163 = arith.constant 0 : index
    %get3A_164 = vector.load %arg17[%get3A_162, %get3A_163] : memref<128x128xf32, #tpu.memory_space<vmem>>, vector<128x128xf32>
    %dot_general3A_165 = arith.constant dense<0.000000e+00> : vector<640x128xf32>
    %dot_general3A_166 = tpu.matmul %get3A_161, %get3A_164, %dot_general3A_165 {dimension_numbers = #tpu.dot_dimension_numbers<[1], [0], [0], [1], [0, 0, 1, 1], [], []>, transpose_lhs_hint = false} : vector<640x128xf32>, vector<128x128xf32>, vector<640x128xf32> -> vector<640x128xf32>
    %add3A_167 = arith.addf %dot_general3A_158, %dot_general3A_166 : vector<640x128xf32>
    %get3A_168 = arith.constant 0 : index
    %get3A_169 = arith.constant 0 : index
    %get3A_170 = vector.load %arg20[%get3A_168, %get3A_169] : memref<1x128xf32, #tpu.memory_space<vmem>>, vector<1x128xf32>
    %add3A_171 = vector.broadcast %get3A_170 : vector<1x128xf32> to vector<640x128xf32>
    %add3A_172 = arith.addf %add3A_167, %add3A_171 : vector<640x128xf32>
    %max3A_173 = arith.constant 0.000000e+00 : f32
    %max3A_174 = vector.broadcast %max3A_173 : f32 to vector<640x128xf32>
    %max3A_175 = arith.maximumf %add3A_172, %max3A_174 : vector<640x128xf32>
    %slice3A_176 = vector.extract_strided_slice %max3A_175 {offsets = [0, 0], sizes = [640, 64], strides = [1, 1]} : vector<640x128xf32> to vector<640x64xf32>
    %swap3A_177 = arith.constant 0 : index
    %swap3A_178 = arith.constant 0 : index
    %swap3A_179 = vector.load %arg23[%swap3A_177, %swap3A_178] : memref<640x64xf32, #tpu.memory_space<vmem>>, vector<640x64xf32>
    tpu.vector_store %arg23[%swap3A_177, %swap3A_178], %slice3A_176 {strides = array<i32>} : memref<640x64xf32, #tpu.memory_space<vmem>>, vector<640x64xf32>,
    %slice3A_180 = vector.extract_strided_slice %max3A_175 {offsets = [0, 64], sizes = [640, 64], strides = [1, 1]} : vector<640x128xf32> to vector<640x64xf32>
    %swap3A_181 = arith.constant 0 : index
    %swap3A_182 = arith.constant 0 : index
    %swap3A_183 = vector.load %arg24[%swap3A_181, %swap3A_182] : memref<640x64xf32, #tpu.memory_space<vmem>>, vector<640x64xf32>
    tpu.vector_store %arg24[%swap3A_181, %swap3A_182], %slice3A_180 {strides = array<i32>} : memref<640x64xf32, #tpu.memory_space<vmem>>, vector<640x64xf32>,
    return
  }
  func.func @transform_0(%arg0: i32) -> (i32, i32, i32) {
    %c0_i32 = arith.constant 0 : i32
    %c0_i32_0 = arith.constant 0 : i32
    %c0_i32_1 = arith.constant 0 : i32
    return %c0_i32, %arg0, %c0_i32_0 : i32, i32, i32
  }
  func.func @transform_1(%arg0: i32) -> (i32, i32, i32) {
    %c0_i32 = arith.constant 0 : i32
    %c0_i32_0 = arith.constant 0 : i32
    %c0_i32_1 = arith.constant 0 : i32
    return %c0_i32, %arg0, %c0_i32_0 : i32, i32, i32
  }
  func.func @transform_2(%arg0: i32) -> (i32, i32, i32) {
    %c0_i32 = arith.constant 0 : i32
    %c0_i32_0 = arith.constant 0 : i32
    %c0_i32_1 = arith.constant 0 : i32
    return %c0_i32, %arg0, %c0_i32_0 : i32, i32, i32
  }
  func.func @transform_3(%arg0: i32) -> (i32, i32, i32) {
    %c0_i32 = arith.constant 0 : i32
    %c0_i32_0 = arith.constant 0 : i32
    %c0_i32_1 = arith.constant 0 : i32
    return %c0_i32, %arg0, %c0_i32_0 : i32, i32, i32
  }
  func.func @transform_4(%arg0: i32) -> (i32, i32, i32) {
    %c0_i32 = arith.constant 0 : i32
    %c0_i32_0 = arith.constant 0 : i32
    %c0_i32_1 = arith.constant 0 : i32
    return %c0_i32, %arg0, %c0_i32_0 : i32, i32, i32
  }
  func.func @transform_5(%arg0: i32) -> (i32, i32, i32) {
    %c0_i32 = arith.constant 0 : i32
    %c0_i32_0 = arith.constant 0 : i32
    %c0_i32_1 = arith.constant 0 : i32
    return %c0_i32, %arg0, %c0_i32_0 : i32, i32, i32
  }
  func.func @transform_6(%arg0: i32) -> (i32, i32, i32) {
    %c0_i32 = arith.constant 0 : i32
    %c0_i32_0 = arith.constant 0 : i32
    %c0_i32_1 = arith.constant 0 : i32
    return %c0_i32, %arg0, %c0_i32_0 : i32, i32, i32
  }
  func.func @transform_7(%arg0: i32) -> (i32, i32, i32) {
    %c0_i32 = arith.constant 0 : i32
    %c0_i32_0 = arith.constant 0 : i32
    %c0_i32_1 = arith.constant 0 : i32
    return %c0_i32, %arg0, %c0_i32_0 : i32, i32, i32
  }
  func.func @transform_8(%arg0: i32) -> (i32, i32, i32) {
    %c0_i32 = arith.constant 0 : i32
    %c0_i32_0 = arith.constant 0 : i32
    %c0_i32_1 = arith.constant 0 : i32
    return %c0_i32, %arg0, %c0_i32_0 : i32, i32, i32
  }
  func.func @transform_9(%arg0: i32) -> (i32, i32) {
    %c0_i32 = arith.constant 0 : i32
    %c0_i32_0 = arith.constant 0 : i32
    return %arg0, %c0_i32 : i32, i32
  }
  func.func @transform_10(%arg0: i32) -> (i32, i32) {
    %c0_i32 = arith.constant 0 : i32
    %c0_i32_0 = arith.constant 0 : i32
    return %arg0, %c0_i32 : i32, i32
  }
  func.func @transform_11(%arg0: i32) -> (i32, i32) {
    %c0_i32 = arith.constant 0 : i32
    %c0_i32_0 = arith.constant 0 : i32
    %c0_i32_1 = arith.constant 0 : i32
    return %c0_i32, %c0_i32_0 : i32, i32
  }
  func.func @transform_12(%arg0: i32) -> (i32, i32) {
    %c0_i32 = arith.constant 0 : i32
    %c0_i32_0 = arith.constant 0 : i32
    %c0_i32_1 = arith.constant 0 : i32
    return %c0_i32, %c0_i32_0 : i32, i32
  }
  func.func @transform_13(%arg0: i32) -> (i32, i32) {
    %c0_i32 = arith.constant 0 : i32
    %c0_i32_0 = arith.constant 0 : i32
    %c0_i32_1 = arith.constant 0 : i32
    return %c0_i32, %c0_i32_0 : i32, i32
  }
  func.func @transform_14(%arg0: i32) -> (i32, i32) {
    %c0_i32 = arith.constant 0 : i32
    %c0_i32_0 = arith.constant 0 : i32
    %c0_i32_1 = arith.constant 0 : i32
    return %c0_i32, %c0_i32_0 : i32, i32
  }
  func.func @transform_15(%arg0: i32) -> (i32, i32) {
    %c0_i32 = arith.constant 0 : i32
    %c0_i32_0 = arith.constant 0 : i32
    %c0_i32_1 = arith.constant 0 : i32
    return %c0_i32, %c0_i32_0 : i32, i32
  }
  func.func @transform_16(%arg0: i32) -> (i32, i32) {
    %c0_i32 = arith.constant 0 : i32
    %c0_i32_0 = arith.constant 0 : i32
    %c0_i32_1 = arith.constant 0 : i32
    return %c0_i32, %c0_i32_0 : i32, i32
  }
  func.func @transform_17(%arg0: i32) -> (i32, i32) {
    %c0_i32 = arith.constant 0 : i32
    %c0_i32_0 = arith.constant 0 : i32
    %c0_i32_1 = arith.constant 0 : i32
    return %c0_i32, %c0_i32_0 : i32, i32
  }
  func.func @transform_18(%arg0: i32) -> (i32, i32) {
    %c0_i32 = arith.constant 0 : i32
    %c0_i32_0 = arith.constant 0 : i32
    %c0_i32_1 = arith.constant 0 : i32
    return %c0_i32, %c0_i32_0 : i32, i32
  }
  func.func @transform_19(%arg0: i32) -> (i32, i32) {
    %c0_i32 = arith.constant 0 : i32
    %c0_i32_0 = arith.constant 0 : i32
    %c0_i32_1 = arith.constant 0 : i32
    return %c0_i32, %c0_i32_0 : i32, i32
  }
  func.func @transform_20(%arg0: i32) -> (i32, i32) {
    %c0_i32 = arith.constant 0 : i32
    %c0_i32_0 = arith.constant 0 : i32
    return %arg0, %c0_i32 : i32, i32
  }
  func.func @transform_21(%arg0: i32) -> (i32, i32) {
    %c0_i32 = arith.constant 0 : i32
    %c0_i32_0 = arith.constant 0 : i32
    return %arg0, %c0_i32 : i32, i32
  }
  func.func @transform_22(%arg0: i32) -> (i32, i32) {
    %c0_i32 = arith.constant 0 : i32
    %c0_i32_0 = arith.constant 0 : i32
    return %arg0, %c0_i32 : i32, i32
  }
  func.func @transform_23(%arg0: i32) -> (i32, i32) {
    %c0_i32 = arith.constant 0 : i32
    %c0_i32_0 = arith.constant 0 : i32
    return %arg0, %c0_i32 : i32, i32
  }
}

module attributes {stable_mosaic.version = 14 : i64} {
  func.func @_tc1_body(%arg0: i32, %arg1: memref<2x640x64xf32, #tpu.memory_space<vmem>>, %arg2: memref<2x640x64xf32, #tpu.memory_space<vmem>>, %arg3: memref<2x640x8xf32, #tpu.memory_space<vmem>>, %arg4: memref<2x640x64xf32, #tpu.memory_space<vmem>>, %arg5: memref<2x640x64xf32, #tpu.memory_space<vmem>>, %arg6: memref<2x640x8xf32, #tpu.memory_space<vmem>>, %arg7: memref<640x64xf32, #tpu.memory_space<vmem>>, %arg8: memref<640x64xf32, #tpu.memory_space<vmem>>, %arg9: memref<128x128xf32, #tpu.memory_space<vmem>>, %arg10: memref<128x128xf32, #tpu.memory_space<vmem>>, %arg11: memref<128x128xf32, #tpu.memory_space<vmem>>, %arg12: memref<128x128xf32, #tpu.memory_space<vmem>>, %arg13: memref<1x128xf32, #tpu.memory_space<vmem>>, %arg14: memref<1x128xf32, #tpu.memory_space<vmem>>, %arg15: memref<128x64xf32, #tpu.memory_space<vmem>>, %arg16: memref<1x64xf32, #tpu.memory_space<vmem>>, %arg17: memref<640x64xf32, #tpu.memory_space<vmem>>) attributes {dimension_semantics = [#tpu.dimension_semantics<arbitrary>], iteration_bounds = array<i64: 16>, scalar_prefetch = 0 : i64, scratch_operands = 0 : i64, tpu.core_type = #tpu.core_type<tc>, window_params = [{transform_indices = @transform_0, window_bounds = array<i64: 2, 640, 64>}, {transform_indices = @transform_1, window_bounds = array<i64: 2, 640, 64>}, {transform_indices = @transform_2, window_bounds = array<i64: 2, 640, 8>}, {transform_indices = @transform_3, window_bounds = array<i64: 2, 640, 64>}, {transform_indices = @transform_4, window_bounds = array<i64: 2, 640, 64>}, {transform_indices = @transform_5, window_bounds = array<i64: 2, 640, 8>}, {transform_indices = @transform_6, window_bounds = array<i64: 640, 64>}, {transform_indices = @transform_7, window_bounds = array<i64: 640, 64>}, {pipeline_mode = #tpu.pipeline_mode<synchronous>, transform_indices = @transform_8, window_bounds = array<i64: 128, 128>}, {pipeline_mode = #tpu.pipeline_mode<synchronous>, transform_indices = @transform_9, window_bounds = array<i64: 128, 128>}, {pipeline_mode = #tpu.pipeline_mode<synchronous>, transform_indices = @transform_10, window_bounds = array<i64: 128, 128>}, {pipeline_mode = #tpu.pipeline_mode<synchronous>, transform_indices = @transform_11, window_bounds = array<i64: 128, 128>}, {pipeline_mode = #tpu.pipeline_mode<synchronous>, transform_indices = @transform_12, window_bounds = array<i64: 1, 128>}, {pipeline_mode = #tpu.pipeline_mode<synchronous>, transform_indices = @transform_13, window_bounds = array<i64: 1, 128>}, {pipeline_mode = #tpu.pipeline_mode<synchronous>, transform_indices = @transform_14, window_bounds = array<i64: 128, 64>}, {pipeline_mode = #tpu.pipeline_mode<synchronous>, transform_indices = @transform_15, window_bounds = array<i64: 1, 64>}, {transform_indices = @transform_16, window_bounds = array<i64: 640, 64>}]} {
    %get3A = arith.constant 0 : index
    %get3A_0 = arith.constant 0 : index
    %get3A_1 = vector.load %arg7[%get3A, %get3A_0] : memref<640x64xf32, #tpu.memory_space<vmem>>, vector<640x64xf32>
    %get3A_2 = arith.constant 0 : index
    %get3A_3 = arith.constant 0 : index
    %get3A_4 = vector.load %arg8[%get3A_2, %get3A_3] : memref<640x64xf32, #tpu.memory_space<vmem>>, vector<640x64xf32>
    %concatenate3A = tpu.concatenate %get3A_1, %get3A_4 in 1 : vector<640x64xf32>, vector<640x64xf32> -> vector<640x128xf32>
    %get3A_5 = arith.constant 0 : index
    %get3A_6 = arith.constant 0 : index
    %get3A_7 = arith.constant 0 : index
    %get3A_8 = vector.load %arg3[%get3A_5, %get3A_6, %get3A_7] : memref<2x640x8xf32, #tpu.memory_space<vmem>>, vector<1x640x1xf32>
    %get3A_9 = vector.shape_cast %get3A_8 : vector<1x640x1xf32> to vector<640x1xf32>
    %get3A_10 = arith.constant 1 : index
    %get3A_11 = arith.constant 0 : index
    %get3A_12 = arith.constant 0 : index
    %get3A_13 = vector.load %arg3[%get3A_10, %get3A_11, %get3A_12] : memref<2x640x8xf32, #tpu.memory_space<vmem>>, vector<1x640x1xf32>
    %get3A_14 = vector.shape_cast %get3A_13 : vector<1x640x1xf32> to vector<640x1xf32>
    %add3A = arith.addf %get3A_9, %get3A_14 : vector<640x1xf32>
    %max3A = arith.constant 1.000000e+00 : f32
    %max3A_15 = vector.broadcast %max3A : f32 to vector<640x1xf32>
    %max3A_16 = arith.maximumf %add3A, %max3A_15 : vector<640x1xf32>
    %get3A_17 = arith.constant 0 : index
    %get3A_18 = arith.constant 0 : index
    %get3A_19 = arith.constant 0 : index
    %get3A_20 = vector.load %arg1[%get3A_17, %get3A_18, %get3A_19] : memref<2x640x64xf32, #tpu.memory_space<vmem>>, vector<1x640x64xf32>
    %get3A_21 = vector.shape_cast %get3A_20 : vector<1x640x64xf32> to vector<640x64xf32>
    %get3A_22 = arith.constant 1 : index
    %get3A_23 = arith.constant 0 : index
    %get3A_24 = arith.constant 0 : index
    %get3A_25 = vector.load %arg1[%get3A_22, %get3A_23, %get3A_24] : memref<2x640x64xf32, #tpu.memory_space<vmem>>, vector<1x640x64xf32>
    %get3A_26 = vector.shape_cast %get3A_25 : vector<1x640x64xf32> to vector<640x64xf32>
    %add3A_27 = arith.addf %get3A_21, %get3A_26 : vector<640x64xf32>
    %get3A_28 = arith.constant 0 : index
    %get3A_29 = arith.constant 0 : index
    %get3A_30 = arith.constant 0 : index
    %get3A_31 = vector.load %arg2[%get3A_28, %get3A_29, %get3A_30] : memref<2x640x64xf32, #tpu.memory_space<vmem>>, vector<1x640x64xf32>
    %get3A_32 = vector.shape_cast %get3A_31 : vector<1x640x64xf32> to vector<640x64xf32>
    %get3A_33 = arith.constant 1 : index
    %get3A_34 = arith.constant 0 : index
    %get3A_35 = arith.constant 0 : index
    %get3A_36 = vector.load %arg2[%get3A_33, %get3A_34, %get3A_35] : memref<2x640x64xf32, #tpu.memory_space<vmem>>, vector<1x640x64xf32>
    %get3A_37 = vector.shape_cast %get3A_36 : vector<1x640x64xf32> to vector<640x64xf32>
    %add3A_38 = arith.addf %get3A_32, %get3A_37 : vector<640x64xf32>
    %concatenate3A_39 = tpu.concatenate %add3A_27, %add3A_38 in 1 : vector<640x64xf32>, vector<640x64xf32> -> vector<640x128xf32>
    %div3A = vector.broadcast %max3A_16 : vector<640x1xf32> to vector<640x128xf32>
    %div3A_40 = arith.divf %concatenate3A_39, %div3A : vector<640x128xf32>
    %get3A_41 = arith.constant 0 : index
    %get3A_42 = arith.constant 0 : index
    %get3A_43 = vector.load %arg9[%get3A_41, %get3A_42] : memref<128x128xf32, #tpu.memory_space<vmem>>, vector<128x128xf32>
    %dot_general3A = arith.constant dense<0.000000e+00> : vector<640x128xf32>
    %dot_general3A_44 = tpu.matmul %div3A_40, %get3A_43, %dot_general3A {dimension_numbers = #tpu.dot_dimension_numbers<[1], [0], [0], [1], [0, 0, 1, 1], [], []>, transpose_lhs_hint = false} : vector<640x128xf32>, vector<128x128xf32>, vector<640x128xf32> -> vector<640x128xf32>
    %get3A_45 = arith.constant 0 : index
    %get3A_46 = arith.constant 0 : index
    %get3A_47 = arith.constant 0 : index
    %get3A_48 = vector.load %arg6[%get3A_45, %get3A_46, %get3A_47] : memref<2x640x8xf32, #tpu.memory_space<vmem>>, vector<1x640x1xf32>
    %get3A_49 = vector.shape_cast %get3A_48 : vector<1x640x1xf32> to vector<640x1xf32>
    %get3A_50 = arith.constant 1 : index
    %get3A_51 = arith.constant 0 : index
    %get3A_52 = arith.constant 0 : index
    %get3A_53 = vector.load %arg6[%get3A_50, %get3A_51, %get3A_52] : memref<2x640x8xf32, #tpu.memory_space<vmem>>, vector<1x640x1xf32>
    %get3A_54 = vector.shape_cast %get3A_53 : vector<1x640x1xf32> to vector<640x1xf32>
    %add3A_55 = arith.addf %get3A_49, %get3A_54 : vector<640x1xf32>
    %max3A_56 = arith.constant 1.000000e+00 : f32
    %max3A_57 = vector.broadcast %max3A_56 : f32 to vector<640x1xf32>
    %max3A_58 = arith.maximumf %add3A_55, %max3A_57 : vector<640x1xf32>
    %get3A_59 = arith.constant 0 : index
    %get3A_60 = arith.constant 0 : index
    %get3A_61 = arith.constant 0 : index
    %get3A_62 = vector.load %arg4[%get3A_59, %get3A_60, %get3A_61] : memref<2x640x64xf32, #tpu.memory_space<vmem>>, vector<1x640x64xf32>
    %get3A_63 = vector.shape_cast %get3A_62 : vector<1x640x64xf32> to vector<640x64xf32>
    %get3A_64 = arith.constant 1 : index
    %get3A_65 = arith.constant 0 : index
    %get3A_66 = arith.constant 0 : index
    %get3A_67 = vector.load %arg4[%get3A_64, %get3A_65, %get3A_66] : memref<2x640x64xf32, #tpu.memory_space<vmem>>, vector<1x640x64xf32>
    %get3A_68 = vector.shape_cast %get3A_67 : vector<1x640x64xf32> to vector<640x64xf32>
    %add3A_69 = arith.addf %get3A_63, %get3A_68 : vector<640x64xf32>
    %get3A_70 = arith.constant 0 : index
    %get3A_71 = arith.constant 0 : index
    %get3A_72 = arith.constant 0 : index
    %get3A_73 = vector.load %arg5[%get3A_70, %get3A_71, %get3A_72] : memref<2x640x64xf32, #tpu.memory_space<vmem>>, vector<1x640x64xf32>
    %get3A_74 = vector.shape_cast %get3A_73 : vector<1x640x64xf32> to vector<640x64xf32>
    %get3A_75 = arith.constant 1 : index
    %get3A_76 = arith.constant 0 : index
    %get3A_77 = arith.constant 0 : index
    %get3A_78 = vector.load %arg5[%get3A_75, %get3A_76, %get3A_77] : memref<2x640x64xf32, #tpu.memory_space<vmem>>, vector<1x640x64xf32>
    %get3A_79 = vector.shape_cast %get3A_78 : vector<1x640x64xf32> to vector<640x64xf32>
    %add3A_80 = arith.addf %get3A_74, %get3A_79 : vector<640x64xf32>
    %concatenate3A_81 = tpu.concatenate %add3A_69, %add3A_80 in 1 : vector<640x64xf32>, vector<640x64xf32> -> vector<640x128xf32>
    %div3A_82 = vector.broadcast %max3A_58 : vector<640x1xf32> to vector<640x128xf32>
    %div3A_83 = arith.divf %concatenate3A_81, %div3A_82 : vector<640x128xf32>
    %get3A_84 = arith.constant 0 : index
    %get3A_85 = arith.constant 0 : index
    %get3A_86 = vector.load %arg10[%get3A_84, %get3A_85] : memref<128x128xf32, #tpu.memory_space<vmem>>, vector<128x128xf32>
    %dot_general3A_87 = arith.constant dense<0.000000e+00> : vector<640x128xf32>
    %dot_general3A_88 = tpu.matmul %div3A_83, %get3A_86, %dot_general3A_87 {dimension_numbers = #tpu.dot_dimension_numbers<[1], [0], [0], [1], [0, 0, 1, 1], [], []>, transpose_lhs_hint = false} : vector<640x128xf32>, vector<128x128xf32>, vector<640x128xf32> -> vector<640x128xf32>
    %add3A_89 = arith.addf %dot_general3A_44, %dot_general3A_88 : vector<640x128xf32>
    %get3A_90 = arith.constant 0 : index
    %get3A_91 = arith.constant 0 : index
    %get3A_92 = vector.load %arg11[%get3A_90, %get3A_91] : memref<128x128xf32, #tpu.memory_space<vmem>>, vector<128x128xf32>
    %get3A_93 = arith.constant 0 : index
    %get3A_94 = arith.constant 0 : index
    %get3A_95 = vector.load %arg12[%get3A_93, %get3A_94] : memref<128x128xf32, #tpu.memory_space<vmem>>, vector<128x128xf32>
    %add3A_96 = arith.addf %get3A_92, %get3A_95 : vector<128x128xf32>
    %dot_general3A_97 = arith.constant dense<0.000000e+00> : vector<640x128xf32>
    %dot_general3A_98 = tpu.matmul %concatenate3A, %add3A_96, %dot_general3A_97 {dimension_numbers = #tpu.dot_dimension_numbers<[1], [0], [0], [1], [0, 0, 1, 1], [], []>, transpose_lhs_hint = false} : vector<640x128xf32>, vector<128x128xf32>, vector<640x128xf32> -> vector<640x128xf32>
    %add3A_99 = arith.addf %add3A_89, %dot_general3A_98 : vector<640x128xf32>
    %get3A_100 = arith.constant 0 : index
    %get3A_101 = arith.constant 0 : index
    %get3A_102 = vector.load %arg13[%get3A_100, %get3A_101] : memref<1x128xf32, #tpu.memory_space<vmem>>, vector<1x128xf32>
    %add3A_103 = vector.broadcast %get3A_102 : vector<1x128xf32> to vector<640x128xf32>
    %add3A_104 = arith.addf %add3A_99, %add3A_103 : vector<640x128xf32>
    %get3A_105 = arith.constant 0 : index
    %get3A_106 = arith.constant 0 : index
    %get3A_107 = vector.load %arg14[%get3A_105, %get3A_106] : memref<1x128xf32, #tpu.memory_space<vmem>>, vector<1x128xf32>
    %add3A_108 = vector.broadcast %get3A_107 : vector<1x128xf32> to vector<640x128xf32>
    %add3A_109 = arith.addf %add3A_104, %add3A_108 : vector<640x128xf32>
    %max3A_110 = arith.constant 0.000000e+00 : f32
    %max3A_111 = vector.broadcast %max3A_110 : f32 to vector<640x128xf32>
    %max3A_112 = arith.maximumf %add3A_109, %max3A_111 : vector<640x128xf32>
    %get3A_113 = arith.constant 0 : index
    %get3A_114 = arith.constant 0 : index
    %get3A_115 = vector.load %arg15[%get3A_113, %get3A_114] : memref<128x64xf32, #tpu.memory_space<vmem>>, vector<128x64xf32>
    %dot_general3A_116 = arith.constant dense<0.000000e+00> : vector<640x64xf32>
    %dot_general3A_117 = tpu.matmul %max3A_112, %get3A_115, %dot_general3A_116 {dimension_numbers = #tpu.dot_dimension_numbers<[1], [0], [0], [1], [0, 0, 1, 1], [], []>, transpose_lhs_hint = false} : vector<640x128xf32>, vector<128x64xf32>, vector<640x64xf32> -> vector<640x64xf32>
    %get3A_118 = arith.constant 0 : index
    %get3A_119 = arith.constant 0 : index
    %get3A_120 = vector.load %arg16[%get3A_118, %get3A_119] : memref<1x64xf32, #tpu.memory_space<vmem>>, vector<1x64xf32>
    %add3A_121 = vector.broadcast %get3A_120 : vector<1x64xf32> to vector<640x64xf32>
    %add3A_122 = arith.addf %dot_general3A_117, %add3A_121 : vector<640x64xf32>
    %swap3A = arith.constant 0 : index
    %swap3A_123 = arith.constant 0 : index
    %swap3A_124 = vector.load %arg17[%swap3A, %swap3A_123] : memref<640x64xf32, #tpu.memory_space<vmem>>, vector<640x64xf32>
    tpu.vector_store %arg17[%swap3A, %swap3A_123], %add3A_122 {strides = array<i32>} : memref<640x64xf32, #tpu.memory_space<vmem>>, vector<640x64xf32>,
    return
  }
  func.func @transform_0(%arg0: i32) -> (i32, i32, i32) {
    %c0_i32 = arith.constant 0 : i32
    %c0_i32_0 = arith.constant 0 : i32
    %c0_i32_1 = arith.constant 0 : i32
    return %c0_i32, %arg0, %c0_i32_0 : i32, i32, i32
  }
  func.func @transform_1(%arg0: i32) -> (i32, i32, i32) {
    %c0_i32 = arith.constant 0 : i32
    %c0_i32_0 = arith.constant 0 : i32
    %c0_i32_1 = arith.constant 0 : i32
    return %c0_i32, %arg0, %c0_i32_0 : i32, i32, i32
  }
  func.func @transform_2(%arg0: i32) -> (i32, i32, i32) {
    %c0_i32 = arith.constant 0 : i32
    %c0_i32_0 = arith.constant 0 : i32
    %c0_i32_1 = arith.constant 0 : i32
    return %c0_i32, %arg0, %c0_i32_0 : i32, i32, i32
  }
  func.func @transform_3(%arg0: i32) -> (i32, i32, i32) {
    %c0_i32 = arith.constant 0 : i32
    %c0_i32_0 = arith.constant 0 : i32
    %c0_i32_1 = arith.constant 0 : i32
    return %c0_i32, %arg0, %c0_i32_0 : i32, i32, i32
  }
  func.func @transform_4(%arg0: i32) -> (i32, i32, i32) {
    %c0_i32 = arith.constant 0 : i32
    %c0_i32_0 = arith.constant 0 : i32
    %c0_i32_1 = arith.constant 0 : i32
    return %c0_i32, %arg0, %c0_i32_0 : i32, i32, i32
  }
  func.func @transform_5(%arg0: i32) -> (i32, i32, i32) {
    %c0_i32 = arith.constant 0 : i32
    %c0_i32_0 = arith.constant 0 : i32
    %c0_i32_1 = arith.constant 0 : i32
    return %c0_i32, %arg0, %c0_i32_0 : i32, i32, i32
  }
  func.func @transform_6(%arg0: i32) -> (i32, i32) {
    %c0_i32 = arith.constant 0 : i32
    %c0_i32_0 = arith.constant 0 : i32
    return %arg0, %c0_i32 : i32, i32
  }
  func.func @transform_7(%arg0: i32) -> (i32, i32) {
    %c0_i32 = arith.constant 0 : i32
    %c0_i32_0 = arith.constant 0 : i32
    return %arg0, %c0_i32 : i32, i32
  }
  func.func @transform_8(%arg0: i32) -> (i32, i32) {
    %c0_i32 = arith.constant 0 : i32
    %c0_i32_0 = arith.constant 0 : i32
    %c0_i32_1 = arith.constant 0 : i32
    return %c0_i32, %c0_i32_0 : i32, i32
  }
  func.func @transform_9(%arg0: i32) -> (i32, i32) {
    %c0_i32 = arith.constant 0 : i32
    %c0_i32_0 = arith.constant 0 : i32
    %c0_i32_1 = arith.constant 0 : i32
    return %c0_i32, %c0_i32_0 : i32, i32
  }
  func.func @transform_10(%arg0: i32) -> (i32, i32) {
    %c0_i32 = arith.constant 0 : i32
    %c0_i32_0 = arith.constant 0 : i32
    %c0_i32_1 = arith.constant 0 : i32
    return %c0_i32, %c0_i32_0 : i32, i32
  }
  func.func @transform_11(%arg0: i32) -> (i32, i32) {
    %c0_i32 = arith.constant 0 : i32
    %c0_i32_0 = arith.constant 0 : i32
    %c0_i32_1 = arith.constant 0 : i32
    return %c0_i32, %c0_i32_0 : i32, i32
  }
  func.func @transform_12(%arg0: i32) -> (i32, i32) {
    %c0_i32 = arith.constant 0 : i32
    %c0_i32_0 = arith.constant 0 : i32
    %c0_i32_1 = arith.constant 0 : i32
    return %c0_i32, %c0_i32_0 : i32, i32
  }
  func.func @transform_13(%arg0: i32) -> (i32, i32) {
    %c0_i32 = arith.constant 0 : i32
    %c0_i32_0 = arith.constant 0 : i32
    %c0_i32_1 = arith.constant 0 : i32
    return %c0_i32, %c0_i32_0 : i32, i32
  }
  func.func @transform_14(%arg0: i32) -> (i32, i32) {
    %c0_i32 = arith.constant 0 : i32
    %c0_i32_0 = arith.constant 0 : i32
    %c0_i32_1 = arith.constant 0 : i32
    return %c0_i32, %c0_i32_0 : i32, i32
  }
  func.func @transform_15(%arg0: i32) -> (i32, i32) {
    %c0_i32 = arith.constant 0 : i32
    %c0_i32_0 = arith.constant 0 : i32
    %c0_i32_1 = arith.constant 0 : i32
    return %c0_i32, %c0_i32_0 : i32, i32
  }
  func.func @transform_16(%arg0: i32) -> (i32, i32) {
    %c0_i32 = arith.constant 0 : i32
    %c0_i32_0 = arith.constant 0 : i32
    return %arg0, %c0_i32 : i32, i32
  }
}

</mosaic_0001>

<sc_bundles>
// kernel: kernel.6.cloned.1.call-start
scs
__scs_entry_jumppad:
0x0: {  	(pc) =	sbr.rel $0x88, $3  }
0x1: {  	(tag) =	ssettag $0x0;
	lr =	simm.s32 $0x1  }
0x2: {  	[smem:$0x3F8B] =	sst lr;
	_ =	strace $0xD0000000  }
0x3: {  	_ = 	snop  }
0x4: {  	_ = 	snop  }
0x5: {  	_ = 	snop  }
0x6: {  	_ = 	snop  }
0x7: {  	_ = 	snop  }
__scs_overlays_trampoline_lowered:
0x8: {  	[smem:$0x3F9A] =	sst s0  }
0x9: {  	[smem:$0x3F9B] =	sst s1  }
0xa: {  	[smem:$0x3F9C] =	sst s2  }
0xb: {  	[smem:$0x3F9D] =	sst s3  }
0xc: {  	[smem:$0x3F9E] =	sst s4  }
0xd: {  	[smem:$0x3F9F] =	sst s5  }
0xe: {  	[smem:$0x3FA0] =	sst s6  }
0xf: {  	[smem:$0x3FA1] =	sst s7  }
0x10: {  	[smem:$0x3FA2] =	sst s8  }
0x11: {  	[smem:$0x3FA3] =	sst s9;
	s0 =	simm.s32 @!p0 $0x0  }
0x12: {  	s1 =	sld [smem:$0x3F89];
	s0 =	simm.s32 @p0 $0x1  }
0x13: {  	[smem:$0x3FA4] =	sst s0;
	s0 =	simm.s32 @!p1 $0x0  }
0x14: {  	s2 =	sld [smem:$0x3F88];
	s0 =	simm.s32 @p1 $0x1  }
0x15: {  	[smem:$0x3FA5] =	sst s0;
	s0 =	simm.s32 @!p2 $0x0  }
0x16: {  	s3 =	sld [smem:$0x3FDB];
	s0 =	simm.s32 @p2 $0x1  }
0x17: {  	s4 =	simm.s32 $0x1BF5;
	[smem:$0x3FA7] =	sst s0  }
0x18: {  	s0 =	sld [smem:$0x3F8A];
	_ =	swait.ge [sflag:s4], $0x0  }
0x19: {  	s7 =	sld [smem:$0x3F8B]  }
0x1a: {  	s8 =	sadd.s32 $0xFFFFE003, lr  }
0x1b: {  	s9 =	sadd.s32 $0xFFFFFEF7, lr;
	s5 =	simm.s32 $0xFFFFFFFF;
	p2 =	slt.u32 s8, $0xFFFFF086  }
0x1c: {  	p1 =	slt.u32 s9, $0xF7A;
	s5 =	simm.s32 @!p2 $0x0  }
0x1d: {  	s5 =	simm.s32 @p1 $0x1;
	p0 =	seq.s32 s7, s2  }
0x1e: {  	s7 =	smul.u32 @!p0 $0xF7A, s2;
	p2 =	seq.s32 @!p0 s5, $0x0  }
0x1f: {  	s9 =	smul.u32 $0xF7A, s1;
	s8 =	simm.s32 @!p0 $0x1BF5;
	p2 =	por !p2, p0  }
0x20: {  	[sflag:s8] =	ssyncset.s32 @!p0 $0xFFFFF086;
	s6 =	sadd.s32 @!p0 s3, s7;
	s7 =	simm.s32 @!p0 $0x108  }
0x21: {  	s3 =	sadd.s32 s3, s9;
	s6 =	sadd.s32 @!p0 $0x88, s6;
	s7 =	simm.s32 @p2 $0x1082  }
0x22: {  	[simem:s7], [sflag:s8] =	dma.local @!p0 [hbm:s6], $0xF7A  }
0x23: {  	s9 =	sor.u32 $0xD0000000, s2;
	s6 =	simm.s32 $0x108;
	_ =	swait.ge @!p0 [sflag:s8], $0x0  }
0x24: {  	s3 =	sadd.s32 $0x88, s3;
	s6 =	simm.s32 @!p1 $0x1082;
	[sflag:s4] =	ssyncset.s32 $0xFFFFF086  }
0x25: {  	[simem:s6], [sflag:s4] =	dma.local [hbm:s3], $0xF7A  }
0x26: {  	[smem:$0x3F8B] =	sst s1;
	(tag) =	ssettag s2;
	_ =	strace s9  }
0x27: {  	s1 =	sld [smem:$0x3F9B]  }
0x28: {  	s2 =	sld [smem:$0x3F9C]  }
0x29: {  	s4 =	sld [smem:$0x3F9E]  }
0x2a: {  	p0 =	seq.s32 s5, $0x0;
	s5 =	sld [smem:$0x3F9F]  }
0x2b: {  	s6 =	sld [smem:$0x3FA0]  }
0x2c: {  	s7 =	sld [smem:$0x3FA1]  }
0x2d: {  	s3 =	simm.s32 $0x108;
	s8 =	sld [smem:$0x3FA2]  }
0x2e: {  	s3 =	simm.s32 @!p0 $0x1082;
	s9 =	sld [smem:$0x3FA3]  }
0x2f: {  	lr =	sadd.s32 s0, s3;
	s0 =	sld [smem:$0x3F9A]  }
0x30: {  	s3 =	sld [smem:$0x3F9D]  }
0x31: {  	[smem:$0x3FA6] =	sst s10  }
0x32: {  	s10 =	sld [smem:$0x3FA4];
	_ =	sdelay $0x3  }
0x33: {  	p0 =	seq.s32 s10, $0x1;
	s10 =	sld [smem:$0x3FA6];
	_ =	sdelay $0x3  }
0x34: {  	[smem:$0x3FA6] =	sst s10  }
0x35: {  	s10 =	sld [smem:$0x3FA5];
	_ =	sdelay $0x3  }
0x36: {  	p1 =	seq.s32 s10, $0x1;
	s10 =	sld [smem:$0x3FA6];
	_ =	sdelay $0x3  }
0x37: {  	[smem:$0x3FA6] =	sst s10  }
0x38: {  	s10 =	sld [smem:$0x3FA7]  }
0x39: {  	_ = 	snop;
	(pc) =	sbr.ind lr, $3  }
0x3a: {  	_ = 	snop  }
0x3b: {  	_ = 	snop  }
0x3c: {  	p2 =	seq.s32 s10, $0x1;
	s10 =	sld [smem:$0x3FA6]  }
0x3d: {  	_ =	shalt  }
0x3e: {  	_ =	shalt  }
0x3f: {  	_ =	shalt  }
0x40: {  	_ =	shalt  }
0x41: {  	_ =	shalt  }
0x42: {  	_ =	shalt  }
0x43: {  	_ =	shalt  }
0x44: {  	_ =	shalt  }
0x45: {  	_ =	shalt  }
0x46: {  	_ =	shalt  }
0x47: {  	_ =	shalt  }
0x48: {  	_ =	shalt  }
0x49: {  	_ =	shalt  }
0x4a: {  	_ =	shalt  }
0x4b: {  	_ =	shalt  }
0x4c: {  	_ =	shalt  }
0x4d: {  	_ =	shalt  }
0x4e: {  	_ =	shalt  }
0x4f: {  	_ =	shalt  }
0x50: {  	_ =	shalt  }
0x51: {  	_ =	shalt  }
0x52: {  	_ =	shalt  }
0x53: {  	_ =	shalt  }
0x54: {  	_ =	shalt  }
0x55: {  	_ =	shalt  }
0x56: {  	_ =	shalt  }
0x57: {  	_ =	shalt  }
0x58: {  	_ =	shalt  }
0x59: {  	_ =	shalt  }
0x5a: {  	_ =	shalt  }
0x5b: {  	_ =	shalt  }
0x5c: {  	_ =	shalt  }
0x5d: {  	_ =	shalt  }
0x5e: {  	_ =	shalt  }
0x5f: {  	_ =	shalt  }
0x60: {  	_ =	shalt  }
0x61: {  	_ =	shalt  }
0x62: {  	_ =	shalt  }
0x63: {  	_ =	shalt  }
0x64: {  	_ =	shalt  }
0x65: {  	_ =	shalt  }
0x66: {  	_ =	shalt  }
0x67: {  	_ =	shalt  }
0x68: {  	_ =	shalt  }
0x69: {  	_ =	shalt  }
0x6a: {  	_ =	shalt  }
0x6b: {  	_ =	shalt  }
0x6c: {  	_ =	shalt  }
0x6d: {  	_ =	shalt  }
0x6e: {  	_ =	shalt  }
0x6f: {  	_ =	shalt  }
0x70: {  	_ =	shalt  }
0x71: {  	_ =	shalt  }
0x72: {  	_ =	shalt  }
0x73: {  	_ =	shalt  }
0x74: {  	_ =	shalt  }
0x75: {  	_ =	shalt  }
0x76: {  	_ =	shalt  }
0x77: {  	_ =	shalt  }
0x78: {  	_ =	shalt  }
0x79: {  	_ =	shalt  }
0x7a: {  	_ =	shalt  }
0x7b: {  	_ =	shalt  }
0x7c: {  	_ =	shalt  }
0x7d: {  	_ =	shalt  }
0x7e: {  	_ =	shalt  }
0x7f: {  	_ =	shalt  }
0x80: {  	_ =	shalt  }
0x81: {  	_ =	shalt  }
0x82: {  	_ =	shalt  }
0x83: {  	_ =	shalt  }
0x84: {  	_ =	shalt  }
0x85: {  	_ =	shalt  }
0x86: {  	_ =	shalt  }
0x87: {  	_ =	shalt  }
.Lfunc_end0:
.L_simem_size_0:
called_computation_lowered:
.L_overlay_start_0:
0x88: {  	s2 =	sld [smem:$0x3FD9]  }
0x89: {  	s3 =	sld [smem:$0x3FFE];
	_ =	sdelay $0x1  }
0x8a: {  	s1 =	srdreg.scid  }
0x8b: {  	s0 =	sand.u32 $0x1, s1  }
0x8c: {  	s17 =	sshll.u32 s0, $0xA;
	s2 =	sadd.s32 s3, s2  }
0x8d: {  	s2 =	sadd.s32 s2, s17  }
0x8e: {  	[smem:$0x3FB2] =	sst s2  }
0x8f: {  	_ = 	snop  }
0x90: {  	s2 =	sld [smem:$0x3FD0];
	(tm) =	ssettm $0x1  }
0x91: {  	s18 =	sld [smem:$0x3FFB];
	_ =	sdelay $0x3  }
0x92: {  	_ =	strace s18  }
0x93: {  	s3 =	sld [smem:$0x3FFC];
	_ =	sdelay $0x3  }
0x94: {  	_ =	strace s3  }
0x95: {  	s3 =	sld [smem:$0x3FFD];
	_ =	sdelay $0x3  }
0x96: {  	_ =	strace s3  }
0x97: {  	_ =	strace $0x8FFFFFFF  }
0x98: {  	s19 =	sld [smem:$0x3FDB];
	_ =	sdelay $0x1  }
0x99: {  	s4 =	simm.s32 $_scs_section_size  }
0x9a: {  	s5 =	simm.s32 $_size__tile_overlayer_lowered;
	s6 =	simm.s32 $_tile_overlayer_lowered  }
0x9b: {  	s22 =	simm.s32 $0x1BFF;
	s21 =	sshll.u32 s6, $0x1;
	s3 =	sadd.s32 s4, s19  }
0x9c: {  	s7 =	simm.s32 $0x0;
	s20 =	sshll.u32 s5, $0x1;
	s5 =	sadd.s32 s21, s3  }
0x9d: {  	[timem:s7], [sflag:s22] =	dma.local [hbm:s5], s20  }
0x9e: {  	_ =	swait.ge [sflag:s22], s20  }
0x9f: {  	s4 =	ssub.s32 $0x0, s20;
	[sflag:s22] =	ssyncset.done $0x0  }
0xa0: {  	[sflag:s22] =	ssyncadd.s32 s4;
	_ =	sdelay $0x1  }
0xa1: {  	s23 =	simm.s32 $0x1B8B  }
0xa2: {  	_ =	swait.ge [sflag:s23], $0x1  }
0xa3: {  	[sflag:s23] =	ssyncset.done $0x0  }
0xa4: {  	s25 =	simm.s32 $0x1B8E;
	s24 =	sld [smem:$0x3FFE];
	[sflag:s23] =	ssyncadd.s32 $0xFFFFFFFF  }
0xa5: {  	s26 =	simm.s32 $execute0_lowered;
	[smem:$0x3FD2] =	sst s25  }
0xa6: {  	s5 =	sshll.u32 s26, $0x1;
	_ =	strace $0x80000046;
	[dreg:$0x1] =	wrdreg $0xFFFFFFFF  }
0xa7: {  	s28 =	simm.s32 $_size_execute0_lowered;
	s3 =	sadd.s32 s3, s5;
	[dreg:$0x0] =	wrdreg $0x0  }
0xa8: {  	s5 =	sshll.u32 s28, $0x1;
	[dreg:$0x2] =	wrdreg s3  }
0xa9: {  	[dreg:$0x3] =	wrdreg s5  }
0xaa: {  	[dreg:$0x4] =	wrdreg $0xC0  }
0xab: {  	_ =	task [dreg:s7], $0x5FFFF  }
0xac: {  	[dreg:$0x1] =	wrdreg $0xFFFFFFFF  }
0xad: {  	[dreg:$0x0] =	wrdreg $0x60  }
0xae: {  	[dreg:$0x2] =	wrdreg s24  }
0xaf: {  	[dreg:$0x3] =	wrdreg s2  }
0xb0: {  	[dreg:$0x4] =	wrdreg $0xB2C00  }
0xb1: {  	[dreg:$0x5] =	wrdreg $0x152C00  }
0xb2: {  	[dreg:$0x6] =	wrdreg $0x9  }
0xb3: {  	_ =	task.clear_ibuf [dreg:s7], $0x7FFFF;
	_ =	strace $0x90000046  }
0xb4: {  	s29 =	simm.s32 $0x9;
	_ =	strace $0x80000048  }
0xb5: {  	_ =	swait.ge [sflag:s29], $0x1  }
0xb6: {  	[sflag:s29] =	ssyncadd.s32 $0xFFFFFFFF  }
0xb7: {  	_ =	strace $0x90000048  }
0xb8: {  	_ =	sfence  }
0xb9: {  	s30 =	sld [smem:$0x0];
	_ =	sdelay $0x2  }
0xba: {  	s31 =	sshll.u32 s1, $0xD;
	s1 =	sshrl.u32 s1, $0x2  }
0xbb: {  	s3 =	sand.u32 $0x4000, s31;
	s1 =	sadd.s32 s1, s30  }
0xbc: {  	s0 =	sor.u32 s3, s0;
	s1 =	sshll.u32 s1, $0x11  }
0xbd: {  	s0 =	sor.u32 s1, s0  }
0xbe: {  	s0 =	sadd.s32 $0x8F2B, s0  }
0xbf: {  	[sflag:s0] =	ssyncadd.remote.s32 $0x1  }
0xc0: {  	_ =	sfence.sel $0xFFFF  }
0xc1: {  	[dreg:$0x0] =	wrdreg $0xFFFFFFFF;
	(pc) =	sbr.abs _section_cstart, $3  }
0xc2: {  	[dreg:$0x1] =	wrdreg $0xFFFFFFFF  }
0xc3: {  	_ =	task.clear_ibuf [dreg:s7], $0x2FFFF;
	_ =	strace $0x9FFFFFFF  }
0xc4: {  	(tm) =	ssettm $0x7FFFFFFF  }
0xc5: {  	_ =	shalt  }
tec
execute0_lowered:
.L_overlay_start_1:
0x0: {  	(tag) =	ssettag $0x1  }
0x1: {  	s0 =	rddreg [dreg:$0x0]  }
0x2: {  	s1 =	rddreg [dreg:$0x1]  }
0x3: {  	s3 =	srdreg.scid;
	s2 =	rddreg [dreg:$0x2]  }
0x4: {  	s4 =	simm.s32 $0x0;
	s9 =	sand.u32 $0x1, s3;
	s3 =	rddreg [dreg:$0x3]  }
0x5: {  	s8 =	stileid.u32;
	s31 =	simm.s32 $0xB040;
	[smem:$0x7FF] =	sst s4  }
0x6: {  	s13 =	smul.u32 $0xA000, s8;
	s6 =	sadd.s32 $0x2FA00, s0;
	s7 =	sadd.s32 $0x1BA00, s0  }
0x7: {  	s16 =	smul.u32 $0x1400, s8;
	s10 =	sadd.s32 $0xBB400, s0;
	s11 =	sadd.s32 $0xBB000, s0  }
0x8: {  	s5 =	sshll.u32 s9, $0x4;
	_ =	strace $0x80000047;
	s15 =	smul.u32 $0xA0000, s9  }
0x9: {  	[dreg:$0x5] =	wrdreg s10;
	s17 =	smul.u32 $0x14000, s9;
	s10 =	sadd.s32 $0xB9C00, s0  }
0xa: {  	s9 =	ssub.s32 $0x2, s9;
	s5 =	sor.u32 s8, s5;
	s8 =	sadd.s32 $0x7A00, s0  }
0xb: {  	s18 =	sshrl.u32 s9, $0x1;
	s19 =	sadd.s32 s13, s2;
	s21 =	sadd.s32 s16, s3  }
0xc: {  	s12 =	smul.u32 $0x9C4, s5;
	s5 =	sadd.s32 $0x43A00, s0;
	s15 =	sadd.s32 s13, s15  }
0xd: {  	s17 =	sadd.s32 s16, s17;
	s9 =	ssub.s32 s9, s18;
	[dreg:$0x8] =	wrdreg s19  }
0xe: {  	[dreg:$0xa] =	wrdreg s21;
	s13 =	simm.s32 $0x1;
	s15 =	sshrl.u32 s15, $0x3  }
0xf: {  	s17 =	sshrl.u32 s17, $0x3;
	s14 =	sadd.s32 s12, s0;
	s1 =	sadd.s32 s1, s12  }
0x10: {  	s15 =	sadd.s32 s15, s0;
	s18 =	sadd.s32 $0x7EE00, s14;
	[dreg:$0x7] =	wrdreg s1  }
0x11: {  	s0 =	sadd.s32 s17, s0;
	s20 =	sadd.s32 $0x192600, s15;
	[dreg:$0x6] =	wrdreg s18  }
0x12: {  	s30 =	smax.u32 s9, $0x1;
	s22 =	sadd.s32 $0xC0600, s0;
	[dreg:$0x9] =	wrdreg s20  }
0x13: {  	s9 =	simm.s32 $0x50;
	s23 =	sadd.s32 $0x16A600, s15;
	[dreg:$0xb] =	wrdreg s22  }
0x14: {  	s12 =	simm.s32 $0x9C40;
	s24 =	sadd.s32 $0x6B400, s14;
	[dreg:$0xc] =	wrdreg s23  }
0x15: {  	s25 =	sadd.s32 $0x57A00, s14;
	s26 =	sadd.s32 $0xA6200, s14;
	[dreg:$0xd] =	wrdreg s24  }
0x16: {  	s28 =	sadd.s32 $0xF2600, s15;
	s29 =	sadd.s32 $0xCA600, s15;
	[dreg:$0xe] =	wrdreg s25  }
0x17: {  	s1 =	simm.s32 $0x4E20;
	[dreg:$0xf] =	wrdreg s26;
	s22 =	sadd.s32 $0x92800, s14  }
0x18: {  	s23 =	sadd.s32 $0x142600, s15;
	s24 =	sadd.s32 $0xBB600, s0;
	s25 =	sadd.s32 $0xC5600, s0  }
0x19: {  	s26 =	sadd.s32 $0x11A600, s15;
	s0 =	simm.s32 $0x2;
	s14 =	simm.s32 $0x0  }
.LBB2_1:
0x1a: {  	s15 =	rddreg [dreg:$0x5]  }
0x1b: {  	[tilespmem:s31], [sflag:$0x2] =	stream.linear.gather [hbm4b:s15+s4], $0x280, $0x38;
	[tilespmem:$0x166C0] =	vst v63  }
0x1c: {  	_ =	swait.ge [sflag:s0], $0x280  }
0x1d: {  	[sflag:s0] =	ssyncset.done $0x0  }
0x1e: {  	s18 =	rddreg [dreg:$0x6];
	[sflag:s0] =	ssyncadd.s32 $0xFFFFFD80  }
0x1f: {  	[tilespmem:s4], [sflag:$0x2] =	stream.linear.gather [hbm4b:s18+s4], $0x4E20, $0x38;
	[tilespmem:$0x166C0] =	vst v63  }
0x20: {  	_ =	swait.ge [sflag:s0], $0x4E20  }
0x21: {  	[sflag:s0] =	ssyncset.done $0x0  }
0x22: {  	s19 =	rddreg [dreg:$0x7];
	[sflag:s0] =	ssyncadd.s32 $0xFFFFB1E0  }
0x23: {  	[tilespmem:s1], [sflag:$0x2] =	stream.linear.gather [hbm4b:s19+s4], $0x4E20, $0x38;
	[tilespmem:$0x166C0] =	vst v63  }
0x24: {  	s20 =	stileid.u32;
	_ =	swait.ge [sflag:s0], $0x4E20  }
0x25: {  	s15 =	sshll.u32 s20, $0x6;
	[sflag:s0] =	ssyncset.done $0x0;
	s16 =	rddreg [dreg:$0x8]  }
0x26: {  	s15 =	sor.u32 $0x1C02, s15;
	[sflag:s0] =	ssyncadd.s32 $0xFFFFB1E0;
	s16 =	sshrl.u32 s16, $0x3  }
0x27: {  	[spmem:s16], [sflag:s15] =	dma.local [hbm:s10], $0x1400  }
0x28: {  	_ =	swait.ge [sflag:s0], $0x1400  }
0x29: {  	[sflag:s0] =	ssyncset.done $0x0;
	s17 =	rddreg [dreg:$0xa]  }
0x2a: {  	[sflag:s0] =	ssyncadd.s32 $0xFFFFEC00;
	s17 =	sshrl.u32 s17, $0x3  }
0x2b: {  	[spmem:s17], [sflag:s15] =	dma.local [hbm:s11], $0x280  }
0x2c: {  	_ =	swait.ge [sflag:s0], $0x280  }
0x2d: {  	[sflag:s0] =	ssyncset.done $0x0  }
0x2e: {  	[sflag:s0] =	ssyncadd.s32 $0xFFFFFD80  }
0x2f: {  	s18 =	simm.s32 $0x0;
	[bflag:$0x0] =	sbarrier.arrive $0xFFFF  }
0x30: {  	[tilespmem:s12], [sflag:$0x1] =	stream.indirect.gather [hbm4b:s5+s9], $0x40, s18, s9, $0xb8;
	[tilespmem:$0x166C0] =	vst v63  }
0x31: {  	_ =	swait.ge [sflag:s13], $0x1400  }
0x32: {  	[sflag:s13] =	ssyncset.done $0x0  }
0x33: {  	s21 =	simm.s32 $0x4E20;
	[sflag:s13] =	ssyncadd.s32 $0xFFFFEC00  }
0x34: {  	[spmem:s2] =	stream.indirect.scatter.add.f32 [tilespmem:s12], [sflag:$0x2], $0x40, s21, s9, $0xb8;
	[tilespmem:$0x166C0] =	vst v63  }
0x35: {  	_ =	swait.ge [sflag:s0], $0x1400  }
0x36: {  	[sflag:s0] =	ssyncset.done $0x0  }
0x37: {  	[sflag:s0] =	ssyncadd.s32 $0xFFFFEC00  }
0x38: {  	[spmem:s3] =	stream.indirect.scatter.add.f32 [tilespmem:s31], [sflag:$0x2], $0x8, s21, s9, $0xb8;
	[tilespmem:$0x166C0] =	vst v63  }
0x39: {  	_ =	swait.ge [sflag:s0], $0x280  }
0x3a: {  	s19 =	simm.s32 $0x280;
	s18 =	simm.s32 $0x140;
	[sflag:s0] =	ssyncset.done $0x0  }
.LBB2_2:
0x3b: {  	s20 =	sshra.s32 s18, $0x2  }
0x3c: {  	[sflag:s0] =	ssyncadd.s32 $0xFFFFFD80;
	s18 =	smov.u32 s19;
	s21 =	sadd.s32 $0x140, s19  }
0x3d: {  	[tilespmem:s12], [sflag:$0x1] =	stream.indirect.gather [hbm4b:s5+s9], $0x40, s20, s9, $0xb8;
	[tilespmem:$0x166C0] =	vst v63  }
0x3e: {  	p0 =	sne.s32 s19, $0x13740;
	_ =	swait.ge [sflag:s13], $0x1400  }
0x3f: {  	[sflag:s13] =	ssyncset.done $0x0  }
0x40: {  	s19 =	sadd.s32 $0x4E20, s20;
	[sflag:s13] =	ssyncadd.s32 $0xFFFFEC00  }
0x41: {  	[spmem:s2] =	stream.indirect.scatter.add.f32 [tilespmem:s12], [sflag:$0x2], $0x40, s19, s9, $0xb8;
	[tilespmem:$0x166C0] =	vst v63  }
0x42: {  	_ =	swait.ge [sflag:s0], $0x1400  }
.Ltmp0:
0x43: {  	[sflag:s0] =	ssyncset.done $0x0;
	(pc) =	sbr.rel @p0 .LBB2_2-.Ltmp0, $4  }
0x44: {  	[sflag:s0] =	ssyncadd.s32 $0xFFFFEC00  }
0x45: {  	[spmem:s3] =	stream.indirect.scatter.add.f32 [tilespmem:s31], [sflag:$0x2], $0x8, s19, s9, $0xb8;
	[tilespmem:$0x166C0] =	vst v63  }
0x46: {  	_ =	swait.ge [sflag:s0], $0x280  }
0x47: {  	s19 =	smov.u32 s21;
	[sflag:s0] =	ssyncset.done $0x0  }
0x48: {  	s18 =	sshra.s32 s18, $0x2;
	[sflag:s0] =	ssyncadd.s32 $0xFFFFFD80  }
0x49: {  	[tilespmem:s12], [sflag:$0x1] =	stream.indirect.gather [hbm4b:s5+s9], $0x40, s18, s9, $0xb8;
	[tilespmem:$0x166C0] =	vst v63  }
0x4a: {  	_ =	swait.ge [sflag:s13], $0x1400  }
0x4b: {  	[sflag:s13] =	ssyncset.done $0x0  }
0x4c: {  	s18 =	sadd.s32 $0x4E20, s18;
	[sflag:s13] =	ssyncadd.s32 $0xFFFFEC00  }
0x4d: {  	[spmem:s2] =	stream.indirect.scatter.add.f32 [tilespmem:s12], [sflag:$0x2], $0x40, s18, s9, $0xb8;
	[tilespmem:$0x166C0] =	vst v63  }
0x4e: {  	_ =	swait.ge [sflag:s0], $0x1400  }
0x4f: {  	[sflag:s0] =	ssyncset.done $0x0  }
0x50: {  	[sflag:s0] =	ssyncadd.s32 $0xFFFFEC00  }
0x51: {  	[spmem:s3] =	stream.indirect.scatter.add.f32 [tilespmem:s31], [sflag:$0x2], $0x8, s18, s9, $0xb8;
	[tilespmem:$0x166C0] =	vst v63  }
0x52: {  	_ =	swait.ge [sflag:s0], $0x280  }
0x53: {  	[sflag:s0] =	ssyncset.done $0x0  }
0x54: {  	[sflag:s0] =	ssyncadd.s32 $0xFFFFFD80  }
0x55: {  	[bflag:$0x0] =	sbarrier.arrive $0xFFFF  }
0x56: {  	s21 =	rddreg [dreg:$0x9]  }
0x57: {  	[hbm:s21], [sflag:s15] =	dma.local [spmem:s16], $0x1400  }
0x58: {  	_ =	swait.ge [sflag:s0], $0x1400  }
0x59: {  	[sflag:s0] =	ssyncset.done $0x0  }
0x5a: {  	s19 =	rddreg [dreg:$0xb];
	[sflag:s0] =	ssyncadd.s32 $0xFFFFEC00  }
0x5b: {  	[hbm:s19], [sflag:s15] =	dma.local [spmem:s17], $0x280  }
0x5c: {  	_ =	swait.ge [sflag:s0], $0x280  }
0x5d: {  	[sflag:s0] =	ssyncset.done $0x0  }
0x5e: {  	[sflag:s0] =	ssyncadd.s32 $0xFFFFFD80  }
0x5f: {  	[bflag:$0x0] =	sbarrier.arrive $0xFFFF  }
0x60: {  	[spmem:s16], [sflag:s15] =	dma.local [hbm:s10], $0x1400  }
0x61: {  	_ =	swait.ge [sflag:s0], $0x1400  }
0x62: {  	[sflag:s0] =	ssyncset.done $0x0  }
0x63: {  	[sflag:s0] =	ssyncadd.s32 $0xFFFFEC00  }
0x64: {  	s20 =	simm.s32 $0x0;
	[bflag:$0x0] =	sbarrier.arrive $0xFFFF  }
0x65: {  	[tilespmem:s12], [sflag:$0x1] =	stream.indirect.gather [hbm4b:s6+s9], $0x40, s20, s9, $0xb8;
	[tilespmem:$0x166C0] =	vst v63  }
0x66: {  	_ =	swait.ge [sflag:s13], $0x1400  }
0x67: {  	[sflag:s13] =	ssyncset.done $0x0  }
0x68: {  	s21 =	simm.s32 $0x4E20;
	[sflag:s13] =	ssyncadd.s32 $0xFFFFEC00  }
0x69: {  	[spmem:s2] =	stream.indirect.scatter.add.f32 [tilespmem:s12], [sflag:$0x2], $0x40, s21, s9, $0xb8;
	[tilespmem:$0x166C0] =	vst v63  }
0x6a: {  	_ =	swait.ge [sflag:s0], $0x1400  }
0x6b: {  	s18 =	simm.s32 $0x140;
	s19 =	simm.s32 $0x280;
	[sflag:s0] =	ssyncset.done $0x0  }
.LBB2_4:
0x6c: {  	s20 =	sshra.s32 s18, $0x2  }
0x6d: {  	[sflag:s0] =	ssyncadd.s32 $0xFFFFEC00;
	s18 =	smov.u32 s19;
	s21 =	sadd.s32 $0x140, s19  }
0x6e: {  	[tilespmem:s12], [sflag:$0x1] =	stream.indirect.gather [hbm4b:s6+s9], $0x40, s20, s9, $0xb8;
	[tilespmem:$0x166C0] =	vst v63  }
0x6f: {  	p0 =	sne.s32 s19, $0x13740;
	_ =	swait.ge [sflag:s13], $0x1400  }
.Ltmp1:
0x70: {  	[sflag:s13] =	ssyncset.done $0x0;
	(pc) =	sbr.rel @p0 .LBB2_4-.Ltmp1, $4  }
0x71: {  	s19 =	sadd.s32 $0x4E20, s20;
	[sflag:s13] =	ssyncadd.s32 $0xFFFFEC00  }
0x72: {  	[spmem:s2] =	stream.indirect.scatter.add.f32 [tilespmem:s12], [sflag:$0x2], $0x40, s19, s9, $0xb8;
	[tilespmem:$0x166C0] =	vst v63  }
0x73: {  	_ =	swait.ge [sflag:s0], $0x1400  }
0x74: {  	s19 =	smov.u32 s21;
	[sflag:s0] =	ssyncset.done $0x0  }
0x75: {  	s18 =	sshra.s32 s18, $0x2;
	[sflag:s0] =	ssyncadd.s32 $0xFFFFEC00  }
0x76: {  	[tilespmem:s12], [sflag:$0x1] =	stream.indirect.gather [hbm4b:s6+s9], $0x40, s18, s9, $0xb8;
	[tilespmem:$0x166C0] =	vst v63  }
0x77: {  	_ =	swait.ge [sflag:s13], $0x1400  }
0x78: {  	[sflag:s13] =	ssyncset.done $0x0  }
0x79: {  	s18 =	sadd.s32 $0x4E20, s18;
	[sflag:s13] =	ssyncadd.s32 $0xFFFFEC00  }
0x7a: {  	[spmem:s2] =	stream.indirect.scatter.add.f32 [tilespmem:s12], [sflag:$0x2], $0x40, s18, s9, $0xb8;
	[tilespmem:$0x166C0] =	vst v63  }
0x7b: {  	_ =	swait.ge [sflag:s0], $0x1400  }
0x7c: {  	[sflag:s0] =	ssyncset.done $0x0  }
0x7d: {  	[sflag:s0] =	ssyncadd.s32 $0xFFFFEC00  }
0x7e: {  	[bflag:$0x0] =	sbarrier.arrive $0xFFFF  }
0x7f: {  	s19 =	rddreg [dreg:$0xc]  }
0x80: {  	[hbm:s19], [sflag:s15] =	dma.local [spmem:s16], $0x1400  }
0x81: {  	_ =	swait.ge [sflag:s0], $0x1400  }
0x82: {  	[sflag:s0] =	ssyncset.done $0x0  }
0x83: {  	[sflag:s0] =	ssyncadd.s32 $0xFFFFEC00  }
0x84: {  	[bflag:$0x0] =	sbarrier.arrive $0xFFFF  }
0x85: {  	s20 =	simm.s32 $0x0;
	s19 =	rddreg [dreg:$0xd]  }
0x86: {  	[tilespmem:s20], [sflag:$0x2] =	stream.linear.gather [hbm4b:s19+s20], $0x4E20, $0x38;
	[tilespmem:$0x166C0] =	vst v63  }
0x87: {  	_ =	swait.ge [sflag:s0], $0x4E20  }
0x88: {  	[sflag:s0] =	ssyncset.done $0x0  }
0x89: {  	s21 =	rddreg [dreg:$0xe];
	[sflag:s0] =	ssyncadd.s32 $0xFFFFB1E0  }
0x8a: {  	[tilespmem:s1], [sflag:$0x2] =	stream.linear.gather [hbm4b:s21+s20], $0x4E20, $0x38;
	[tilespmem:$0x166C0] =	vst v63  }
0x8b: {  	_ =	swait.ge [sflag:s0], $0x4E20  }
0x8c: {  	[sflag:s0] =	ssyncset.done $0x0  }
0x8d: {  	[sflag:s0] =	ssyncadd.s32 $0xFFFFB1E0  }
0x8e: {  	[spmem:s16], [sflag:s15] =	dma.local [hbm:s10], $0x1400  }
0x8f: {  	_ =	swait.ge [sflag:s0], $0x1400  }
0x90: {  	[sflag:s0] =	ssyncset.done $0x0  }
0x91: {  	[sflag:s0] =	ssyncadd.s32 $0xFFFFEC00  }
0x92: {  	[spmem:s17], [sflag:s15] =	dma.local [hbm:s11], $0x280  }
0x93: {  	_ =	swait.ge [sflag:s0], $0x280  }
0x94: {  	[sflag:s0] =	ssyncset.done $0x0  }
0x95: {  	[sflag:s0] =	ssyncadd.s32 $0xFFFFFD80  }
0x96: {  	s20 =	simm.s32 $0x0;
	[bflag:$0x0] =	sbarrier.arrive $0xFFFF  }
0x97: {  	[tilespmem:s12], [sflag:$0x1] =	stream.indirect.gather [hbm4b:s7+s9], $0x40, s20, s9, $0xb8;
	[tilespmem:$0x166C0] =	vst v63  }
0x98: {  	_ =	swait.ge [sflag:s13], $0x1400  }
0x99: {  	[sflag:s13] =	ssyncset.done $0x0  }
0x9a: {  	s21 =	simm.s32 $0x4E20;
	[sflag:s13] =	ssyncadd.s32 $0xFFFFEC00  }
0x9b: {  	[spmem:s2] =	stream.indirect.scatter.add.f32 [tilespmem:s12], [sflag:$0x2], $0x40, s21, s9, $0xb8;
	[tilespmem:$0x166C0] =	vst v63  }
0x9c: {  	_ =	swait.ge [sflag:s0], $0x1400  }
0x9d: {  	[sflag:s0] =	ssyncset.done $0x0  }
0x9e: {  	[sflag:s0] =	ssyncadd.s32 $0xFFFFEC00  }
0x9f: {  	[spmem:s3] =	stream.indirect.scatter.add.f32 [tilespmem:s31], [sflag:$0x2], $0x8, s21, s9, $0xb8;
	[tilespmem:$0x166C0] =	vst v63  }
0xa0: {  	_ =	swait.ge [sflag:s0], $0x280  }
0xa1: {  	s18 =	simm.s32 $0x140;
	s19 =	simm.s32 $0x280;
	[sflag:s0] =	ssyncset.done $0x0  }
.LBB2_6:
0xa2: {  	s20 =	sshra.s32 s18, $0x2  }
0xa3: {  	[sflag:s0] =	ssyncadd.s32 $0xFFFFFD80;
	s18 =	smov.u32 s19;
	s21 =	sadd.s32 $0x140, s19  }
0xa4: {  	[tilespmem:s12], [sflag:$0x1] =	stream.indirect.gather [hbm4b:s7+s9], $0x40, s20, s9, $0xb8;
	[tilespmem:$0x166C0] =	vst v63  }
0xa5: {  	p0 =	sne.s32 s19, $0x13740;
	_ =	swait.ge [sflag:s13], $0x1400  }
0xa6: {  	[sflag:s13] =	ssyncset.done $0x0  }
0xa7: {  	s19 =	sadd.s32 $0x4E20, s20;
	[sflag:s13] =	ssyncadd.s32 $0xFFFFEC00  }
0xa8: {  	[spmem:s2] =	stream.indirect.scatter.add.f32 [tilespmem:s12], [sflag:$0x2], $0x40, s19, s9, $0xb8;
	[tilespmem:$0x166C0] =	vst v63  }
0xa9: {  	_ =	swait.ge [sflag:s0], $0x1400  }
.Ltmp2:
0xaa: {  	[sflag:s0] =	ssyncset.done $0x0;
	(pc) =	sbr.rel @p0 .LBB2_6-.Ltmp2, $4  }
0xab: {  	[sflag:s0] =	ssyncadd.s32 $0xFFFFEC00  }
0xac: {  	[spmem:s3] =	stream.indirect.scatter.add.f32 [tilespmem:s31], [sflag:$0x2], $0x8, s19, s9, $0xb8;
	[tilespmem:$0x166C0] =	vst v63  }
0xad: {  	_ =	swait.ge [sflag:s0], $0x280  }
0xae: {  	s19 =	smov.u32 s21;
	[sflag:s0] =	ssyncset.done $0x0  }
0xaf: {  	s18 =	sshra.s32 s18, $0x2;
	[sflag:s0] =	ssyncadd.s32 $0xFFFFFD80  }
0xb0: {  	[tilespmem:s12], [sflag:$0x1] =	stream.indirect.gather [hbm4b:s7+s9], $0x40, s18, s9, $0xb8;
	[tilespmem:$0x166C0] =	vst v63  }
0xb1: {  	_ =	swait.ge [sflag:s13], $0x1400  }
0xb2: {  	[sflag:s13] =	ssyncset.done $0x0  }
0xb3: {  	s18 =	sadd.s32 $0x4E20, s18;
	[sflag:s13] =	ssyncadd.s32 $0xFFFFEC00  }
0xb4: {  	[spmem:s2] =	stream.indirect.scatter.add.f32 [tilespmem:s12], [sflag:$0x2], $0x40, s18, s9, $0xb8;
	[tilespmem:$0x166C0] =	vst v63  }
0xb5: {  	_ =	swait.ge [sflag:s0], $0x1400  }
0xb6: {  	[sflag:s0] =	ssyncset.done $0x0  }
0xb7: {  	[sflag:s0] =	ssyncadd.s32 $0xFFFFEC00  }
0xb8: {  	[spmem:s3] =	stream.indirect.scatter.add.f32 [tilespmem:s31], [sflag:$0x2], $0x8, s18, s9, $0xb8;
	[tilespmem:$0x166C0] =	vst v63  }
0xb9: {  	_ =	swait.ge [sflag:s0], $0x280  }
0xba: {  	[sflag:s0] =	ssyncset.done $0x0  }
0xbb: {  	[sflag:s0] =	ssyncadd.s32 $0xFFFFFD80  }
0xbc: {  	[bflag:$0x0] =	sbarrier.arrive $0xFFFF  }
0xbd: {  	[hbm:s23], [sflag:s15] =	dma.local [spmem:s16], $0x1400  }
0xbe: {  	_ =	swait.ge [sflag:s0], $0x1400  }
0xbf: {  	[sflag:s0] =	ssyncset.done $0x0  }
0xc0: {  	[sflag:s0] =	ssyncadd.s32 $0xFFFFEC00  }
0xc1: {  	[hbm:s24], [sflag:s15] =	dma.local [spmem:s17], $0x280  }
0xc2: {  	_ =	swait.ge [sflag:s0], $0x280  }
0xc3: {  	[sflag:s0] =	ssyncset.done $0x0  }
0xc4: {  	[sflag:s0] =	ssyncadd.s32 $0xFFFFFD80  }
0xc5: {  	[bflag:$0x0] =	sbarrier.arrive $0xFFFF  }
0xc6: {  	[spmem:s16], [sflag:s15] =	dma.local [hbm:s10], $0x1400  }
0xc7: {  	_ =	swait.ge [sflag:s0], $0x1400  }
0xc8: {  	[sflag:s0] =	ssyncset.done $0x0  }
0xc9: {  	[sflag:s0] =	ssyncadd.s32 $0xFFFFEC00  }
0xca: {  	s20 =	simm.s32 $0x0;
	[bflag:$0x0] =	sbarrier.arrive $0xFFFF  }
0xcb: {  	[tilespmem:s12], [sflag:$0x1] =	stream.indirect.gather [hbm4b:s8+s9], $0x40, s20, s9, $0xb8;
	[tilespmem:$0x166C0] =	vst v63  }
0xcc: {  	_ =	swait.ge [sflag:s13], $0x1400  }
0xcd: {  	[sflag:s13] =	ssyncset.done $0x0  }
0xce: {  	s21 =	simm.s32 $0x4E20;
	[sflag:s13] =	ssyncadd.s32 $0xFFFFEC00  }
0xcf: {  	[spmem:s2] =	stream.indirect.scatter.add.f32 [tilespmem:s12], [sflag:$0x2], $0x40, s21, s9, $0xb8;
	[tilespmem:$0x166C0] =	vst v63  }
0xd0: {  	_ =	swait.ge [sflag:s0], $0x1400  }
0xd1: {  	s19 =	simm.s32 $0x280;
	s18 =	simm.s32 $0x140;
	[sflag:s0] =	ssyncset.done $0x0  }
.LBB2_8:
0xd2: {  	s20 =	sshra.s32 s18, $0x2  }
0xd3: {  	[sflag:s0] =	ssyncadd.s32 $0xFFFFEC00;
	s18 =	smov.u32 s19;
	s21 =	sadd.s32 $0x140, s19  }
0xd4: {  	[tilespmem:s12], [sflag:$0x1] =	stream.indirect.gather [hbm4b:s8+s9], $0x40, s20, s9, $0xb8;
	[tilespmem:$0x166C0] =	vst v63  }
0xd5: {  	p0 =	sne.s32 s19, $0x13740;
	_ =	swait.ge [sflag:s13], $0x1400  }
.Ltmp3:
0xd6: {  	[sflag:s13] =	ssyncset.done $0x0;
	(pc) =	sbr.rel @p0 .LBB2_8-.Ltmp3, $4  }
0xd7: {  	s19 =	sadd.s32 $0x4E20, s20;
	[sflag:s13] =	ssyncadd.s32 $0xFFFFEC00  }
0xd8: {  	[spmem:s2] =	stream.indirect.scatter.add.f32 [tilespmem:s12], [sflag:$0x2], $0x40, s19, s9, $0xb8;
	[tilespmem:$0x166C0] =	vst v63  }
0xd9: {  	_ =	swait.ge [sflag:s0], $0x1400  }
0xda: {  	s19 =	smov.u32 s21;
	[sflag:s0] =	ssyncset.done $0x0  }
0xdb: {  	s18 =	sshra.s32 s18, $0x2;
	[sflag:s0] =	ssyncadd.s32 $0xFFFFEC00  }
0xdc: {  	[tilespmem:s12], [sflag:$0x1] =	stream.indirect.gather [hbm4b:s8+s9], $0x40, s18, s9, $0xb8;
	[tilespmem:$0x166C0] =	vst v63  }
0xdd: {  	_ =	swait.ge [sflag:s13], $0x1400  }
0xde: {  	[sflag:s13] =	ssyncset.done $0x0  }
0xdf: {  	s18 =	sadd.s32 $0x4E20, s18;
	[sflag:s13] =	ssyncadd.s32 $0xFFFFEC00  }
0xe0: {  	[spmem:s2] =	stream.indirect.scatter.add.f32 [tilespmem:s12], [sflag:$0x2], $0x40, s18, s9, $0xb8;
	[tilespmem:$0x166C0] =	vst v63  }
0xe1: {  	_ =	swait.ge [sflag:s0], $0x1400  }
0xe2: {  	[sflag:s0] =	ssyncset.done $0x0  }
0xe3: {  	[sflag:s0] =	ssyncadd.s32 $0xFFFFEC00  }
0xe4: {  	[bflag:$0x0] =	sbarrier.arrive $0xFFFF  }
0xe5: {  	[hbm:s26], [sflag:s15] =	dma.local [spmem:s16], $0x1400  }
0xe6: {  	_ =	swait.ge [sflag:s0], $0x1400  }
0xe7: {  	[sflag:s0] =	ssyncset.done $0x0  }
0xe8: {  	[sflag:s0] =	ssyncadd.s32 $0xFFFFEC00  }
0xe9: {  	[bflag:$0x0] =	sbarrier.arrive $0xFFFF  }
0xea: {  	s21 =	simm.s32 $0x0;
	s19 =	rddreg [dreg:$0xf]  }
0xeb: {  	[tilespmem:s21], [sflag:$0x2] =	stream.linear.gather [hbm4b:s19+s21], $0x4E20, $0x38;
	[tilespmem:$0x166C0] =	vst v63  }
0xec: {  	_ =	swait.ge [sflag:s0], $0x4E20  }
0xed: {  	[sflag:s0] =	ssyncset.done $0x0  }
0xee: {  	[sflag:s0] =	ssyncadd.s32 $0xFFFFB1E0  }
0xef: {  	[tilespmem:s1], [sflag:$0x2] =	stream.linear.gather [hbm4b:s22+s21], $0x4E20, $0x38;
	[tilespmem:$0x166C0] =	vst v63  }
0xf0: {  	_ =	swait.ge [sflag:s0], $0x4E20  }
0xf1: {  	[sflag:s0] =	ssyncset.done $0x0  }
0xf2: {  	[sflag:s0] =	ssyncadd.s32 $0xFFFFB1E0  }
0xf3: {  	[spmem:s16], [sflag:s15] =	dma.local [hbm:s10], $0x1400  }
0xf4: {  	_ =	swait.ge [sflag:s0], $0x1400  }
0xf5: {  	[sflag:s0] =	ssyncset.done $0x0  }
0xf6: {  	[sflag:s0] =	ssyncadd.s32 $0xFFFFEC00  }
0xf7: {  	[spmem:s17], [sflag:s15] =	dma.local [hbm:s11], $0x280  }
0xf8: {  	_ =	swait.ge [sflag:s0], $0x280  }
0xf9: {  	[sflag:s0] =	ssyncset.done $0x0  }
0xfa: {  	[sflag:s0] =	ssyncadd.s32 $0xFFFFFD80  }
0xfb: {  	s20 =	simm.s32 $0x0;
	[bflag:$0x0] =	sbarrier.arrive $0xFFFF  }
0xfc: {  	[tilespmem:s12], [sflag:$0x1] =	stream.indirect.gather [hbm4b:s5+s9], $0x40, s20, s9, $0xb8;
	[tilespmem:$0x166C0] =	vst v63  }
0xfd: {  	_ =	swait.ge [sflag:s13], $0x1400  }
0xfe: {  	[sflag:s13] =	ssyncset.done $0x0  }
0xff: {  	s21 =	simm.s32 $0x4E20;
	[sflag:s13] =	ssyncadd.s32 $0xFFFFEC00  }
0x100: {  	[spmem:s2] =	stream.indirect.scatter.add.f32 [tilespmem:s12], [sflag:$0x2], $0x40, s21, s9, $0xb8;
	[tilespmem:$0x166C0] =	vst v63  }
0x101: {  	_ =	swait.ge [sflag:s0], $0x1400  }
0x102: {  	[sflag:s0] =	ssyncset.done $0x0  }
0x103: {  	[sflag:s0] =	ssyncadd.s32 $0xFFFFEC00  }
0x104: {  	[spmem:s3] =	stream.indirect.scatter.add.f32 [tilespmem:s31], [sflag:$0x2], $0x8, s21, s9, $0xb8;
	[tilespmem:$0x166C0] =	vst v63  }
0x105: {  	_ =	swait.ge [sflag:s0], $0x280  }
0x106: {  	s18 =	simm.s32 $0x140;
	s19 =	simm.s32 $0x280;
	[sflag:s0] =	ssyncset.done $0x0  }
.LBB2_10:
0x107: {  	s20 =	sshra.s32 s18, $0x2  }
0x108: {  	[sflag:s0] =	ssyncadd.s32 $0xFFFFFD80;
	s18 =	smov.u32 s19;
	s21 =	sadd.s32 $0x140, s19  }
0x109: {  	[tilespmem:s12], [sflag:$0x1] =	stream.indirect.gather [hbm4b:s5+s9], $0x40, s20, s9, $0xb8;
	[tilespmem:$0x166C0] =	vst v63  }
0x10a: {  	p0 =	sne.s32 s19, $0x13740;
	_ =	swait.ge [sflag:s13], $0x1400  }
0x10b: {  	[sflag:s13] =	ssyncset.done $0x0  }
0x10c: {  	s19 =	sadd.s32 $0x4E20, s20;
	[sflag:s13] =	ssyncadd.s32 $0xFFFFEC00  }
0x10d: {  	[spmem:s2] =	stream.indirect.scatter.add.f32 [tilespmem:s12], [sflag:$0x2], $0x40, s19, s9, $0xb8;
	[tilespmem:$0x166C0] =	vst v63  }
0x10e: {  	_ =	swait.ge [sflag:s0], $0x1400  }
.Ltmp4:
0x10f: {  	[sflag:s0] =	ssyncset.done $0x0;
	(pc) =	sbr.rel @p0 .LBB2_10-.Ltmp4, $4  }
0x110: {  	[sflag:s0] =	ssyncadd.s32 $0xFFFFEC00  }
0x111: {  	[spmem:s3] =	stream.indirect.scatter.add.f32 [tilespmem:s31], [sflag:$0x2], $0x8, s19, s9, $0xb8;
	[tilespmem:$0x166C0] =	vst v63  }
0x112: {  	_ =	swait.ge [sflag:s0], $0x280  }
0x113: {  	s19 =	smov.u32 s21;
	[sflag:s0] =	ssyncset.done $0x0  }
0x114: {  	s18 =	sshra.s32 s18, $0x2;
	[sflag:s0] =	ssyncadd.s32 $0xFFFFFD80  }
0x115: {  	[tilespmem:s12], [sflag:$0x1] =	stream.indirect.gather [hbm4b:s5+s9], $0x40, s18, s9, $0xb8;
	[tilespmem:$0x166C0] =	vst v63  }
0x116: {  	_ =	swait.ge [sflag:s13], $0x1400  }
0x117: {  	[sflag:s13] =	ssyncset.done $0x0  }
0x118: {  	s18 =	sadd.s32 $0x4E20, s18;
	[sflag:s13] =	ssyncadd.s32 $0xFFFFEC00  }
0x119: {  	[spmem:s2] =	stream.indirect.scatter.add.f32 [tilespmem:s12], [sflag:$0x2], $0x40, s18, s9, $0xb8;
	[tilespmem:$0x166C0] =	vst v63  }
0x11a: {  	_ =	swait.ge [sflag:s0], $0x1400  }
0x11b: {  	[sflag:s0] =	ssyncset.done $0x0  }
0x11c: {  	[sflag:s0] =	ssyncadd.s32 $0xFFFFEC00  }
0x11d: {  	[spmem:s3] =	stream.indirect.scatter.add.f32 [tilespmem:s31], [sflag:$0x2], $0x8, s18, s9, $0xb8;
	[tilespmem:$0x166C0] =	vst v63  }
0x11e: {  	_ =	swait.ge [sflag:s0], $0x280  }
0x11f: {  	[sflag:s0] =	ssyncset.done $0x0  }
0x120: {  	[sflag:s0] =	ssyncadd.s32 $0xFFFFFD80  }
0x121: {  	[bflag:$0x0] =	sbarrier.arrive $0xFFFF  }
0x122: {  	[hbm:s28], [sflag:s15] =	dma.local [spmem:s16], $0x1400  }
0x123: {  	_ =	swait.ge [sflag:s0], $0x1400  }
0x124: {  	[sflag:s0] =	ssyncset.done $0x0  }
0x125: {  	[sflag:s0] =	ssyncadd.s32 $0xFFFFEC00  }
0x126: {  	[hbm:s25], [sflag:s15] =	dma.local [spmem:s17], $0x280  }
0x127: {  	_ =	swait.ge [sflag:s0], $0x280  }
0x128: {  	[sflag:s0] =	ssyncset.done $0x0  }
0x129: {  	[sflag:s0] =	ssyncadd.s32 $0xFFFFFD80  }
0x12a: {  	[bflag:$0x0] =	sbarrier.arrive $0xFFFF  }
0x12b: {  	[spmem:s16], [sflag:s15] =	dma.local [hbm:s10], $0x1400  }
0x12c: {  	_ =	swait.ge [sflag:s0], $0x1400  }
0x12d: {  	[sflag:s0] =	ssyncset.done $0x0  }
0x12e: {  	[sflag:s0] =	ssyncadd.s32 $0xFFFFEC00  }
0x12f: {  	s20 =	simm.s32 $0x0;
	[bflag:$0x0] =	sbarrier.arrive $0xFFFF  }
0x130: {  	[tilespmem:s12], [sflag:$0x1] =	stream.indirect.gather [hbm4b:s6+s9], $0x40, s20, s9, $0xb8;
	[tilespmem:$0x166C0] =	vst v63  }
0x131: {  	_ =	swait.ge [sflag:s13], $0x1400  }
0x132: {  	[sflag:s13] =	ssyncset.done $0x0  }
0x133: {  	s21 =	simm.s32 $0x4E20;
	[sflag:s13] =	ssyncadd.s32 $0xFFFFEC00  }
0x134: {  	[spmem:s2] =	stream.indirect.scatter.add.f32 [tilespmem:s12], [sflag:$0x2], $0x40, s21, s9, $0xb8;
	[tilespmem:$0x166C0] =	vst v63  }
0x135: {  	_ =	swait.ge [sflag:s0], $0x1400  }
0x136: {  	s18 =	simm.s32 $0x280;
	s17 =	simm.s32 $0x140;
	[sflag:s0] =	ssyncset.done $0x0  }
.LBB2_12:
0x137: {  	s19 =	sshra.s32 s17, $0x2  }
0x138: {  	[sflag:s0] =	ssyncadd.s32 $0xFFFFEC00;
	s17 =	smov.u32 s18;
	s20 =	sadd.s32 $0x140, s18  }
0x139: {  	[tilespmem:s12], [sflag:$0x1] =	stream.indirect.gather [hbm4b:s6+s9], $0x40, s19, s9, $0xb8;
	[tilespmem:$0x166C0] =	vst v63  }
0x13a: {  	p0 =	sne.s32 s18, $0x13740;
	_ =	swait.ge [sflag:s13], $0x1400  }
.Ltmp5:
0x13b: {  	[sflag:s13] =	ssyncset.done $0x0;
	(pc) =	sbr.rel @p0 .LBB2_12-.Ltmp5, $4  }
0x13c: {  	s18 =	sadd.s32 $0x4E20, s19;
	[sflag:s13] =	ssyncadd.s32 $0xFFFFEC00  }
0x13d: {  	[spmem:s2] =	stream.indirect.scatter.add.f32 [tilespmem:s12], [sflag:$0x2], $0x40, s18, s9, $0xb8;
	[tilespmem:$0x166C0] =	vst v63  }
0x13e: {  	_ =	swait.ge [sflag:s0], $0x1400  }
0x13f: {  	s18 =	smov.u32 s20;
	[sflag:s0] =	ssyncset.done $0x0  }
0x140: {  	s17 =	sshra.s32 s17, $0x2;
	[sflag:s0] =	ssyncadd.s32 $0xFFFFEC00  }
0x141: {  	[tilespmem:s12], [sflag:$0x1] =	stream.indirect.gather [hbm4b:s6+s9], $0x40, s17, s9, $0xb8;
	[tilespmem:$0x166C0] =	vst v63  }
0x142: {  	_ =	swait.ge [sflag:s13], $0x1400  }
0x143: {  	[sflag:s13] =	ssyncset.done $0x0  }
0x144: {  	s17 =	sadd.s32 $0x4E20, s17;
	[sflag:s13] =	ssyncadd.s32 $0xFFFFEC00  }
0x145: {  	[spmem:s2] =	stream.indirect.scatter.add.f32 [tilespmem:s12], [sflag:$0x2], $0x40, s17, s9, $0xb8;
	[tilespmem:$0x166C0] =	vst v63  }
0x146: {  	_ =	swait.ge [sflag:s0], $0x1400  }
0x147: {  	[sflag:s0] =	ssyncset.done $0x0  }
0x148: {  	s14 =	sadd.s32 $0x1, s14;
	[sflag:s0] =	ssyncadd.s32 $0xFFFFEC00  }
0x149: {  	p0 =	sne.s32 s14, s30;
	[bflag:$0x0] =	sbarrier.arrive $0xFFFF  }
0x14a: {  	[hbm:s29], [sflag:s15] =	dma.local [spmem:s16], $0x1400  }
.Ltmp6:
0x14b: {  	_ =	swait.ge [sflag:s0], $0x1400;
	(pc) =	sbr.rel @p0 .LBB2_1-.Ltmp6, $3  }
0x14c: {  	[sflag:s0] =	ssyncset.done $0x0  }
0x14d: {  	[sflag:s0] =	ssyncadd.s32 $0xFFFFEC00  }
0x14e: {  	[bflag:$0x0] =	sbarrier.arrive $0xFFFF;
	_ =	sdelay $0x1  }
0x14f: {  	_ =	sfence.sel $0x180000  }
0x150: {  	[bflag:$0x0] =	sbarrier.arrive $0xFFFF  }
0x151: {  	_ =	strace $0x90000047  }
0x152: {  	s0 =	stileid.u32;
	[bflag:$0x2] =	sbarrier.arrive $0xFFFF  }
0x153: {  	p0 =	sne.s32 s0, $0x0;
	s0 =	rddreg [dreg:$0x4]  }
0x154: {  	s0 =	sadd.s32 @!p0 $0x100000, s0  }
0x155: {  	[sflag:s0] =	ssyncadd.tile.s32 @!p0 $0x1;
	_ =	shalt  }
.Lfunc_end2:
_tile_overlayer_lowered:
.L_overlay_start_2:
0x156: {  	(tag) =	ssettag $0x2  }
0x157: {  	s0 =	rddreg [dreg:$0x0];
	s2 =	stileid.u32  }
0x158: {  	s1 =	rddreg [dreg:$0x1];
	p0 =	sne.s32 s2, $0x0  }
0x159: {  	s3 =	rddreg [dreg:$0x2];
	[bflag:$0x3] =	sbarrier.arrive $0xFFFF;
	s2 =	simm.s32 @!p0 $0x1C02  }
0x15a: {  	[timem:s3], [sflag:s2] =	dma.local @!p0 [hbm:s0], s1  }
0x15b: {  	s0 =	simm.s32 @!p0 $0x2  }
0x15c: {  	_ =	swait.ge @!p0 [sflag:s0], s1  }
0x15d: {  	s1 =	ssub.s32 @!p0 $0x0, s1;
	[sflag:s0] =	ssyncset.done @!p0 $0x0  }
0x15e: {  	[sflag:s0] =	ssyncadd.s32 @!p0 s1  }
0x15f: {  	[bflag:$0x3] =	sbarrier.arrive $0xFFFF  }
0x160: {  	_ =	shalt  }

// kernel: kernel.9.cloned.1.call-start
scs
__scs_entry_jumppad:
0x0: {  	(pc) =	sbr.rel $0x88, $3  }
0x1: {  	(tag) =	ssettag $0x0;
	lr =	simm.s32 $0x1  }
0x2: {  	[smem:$0x3F8B] =	sst lr;
	_ =	strace $0xD0000000  }
0x3: {  	_ = 	snop  }
0x4: {  	_ = 	snop  }
0x5: {  	_ = 	snop  }
0x6: {  	_ = 	snop  }
0x7: {  	_ = 	snop  }
__scs_overlays_trampoline_lowered:
0x8: {  	[smem:$0x3F9A] =	sst s0  }
0x9: {  	[smem:$0x3F9B] =	sst s1  }
0xa: {  	[smem:$0x3F9C] =	sst s2  }
0xb: {  	[smem:$0x3F9D] =	sst s3  }
0xc: {  	[smem:$0x3F9E] =	sst s4  }
0xd: {  	[smem:$0x3F9F] =	sst s5  }
0xe: {  	[smem:$0x3FA0] =	sst s6  }
0xf: {  	[smem:$0x3FA1] =	sst s7  }
0x10: {  	[smem:$0x3FA2] =	sst s8  }
0x11: {  	[smem:$0x3FA3] =	sst s9;
	s0 =	simm.s32 @!p0 $0x0  }
0x12: {  	s1 =	sld [smem:$0x3F89];
	s0 =	simm.s32 @p0 $0x1  }
0x13: {  	[smem:$0x3FA4] =	sst s0;
	s0 =	simm.s32 @!p1 $0x0  }
0x14: {  	s2 =	sld [smem:$0x3F88];
	s0 =	simm.s32 @p1 $0x1  }
0x15: {  	[smem:$0x3FA5] =	sst s0;
	s0 =	simm.s32 @!p2 $0x0  }
0x16: {  	s3 =	sld [smem:$0x3FDB];
	s0 =	simm.s32 @p2 $0x1  }
0x17: {  	s4 =	simm.s32 $0x1BF5;
	[smem:$0x3FA7] =	sst s0  }
0x18: {  	s0 =	sld [smem:$0x3F8A];
	_ =	swait.ge [sflag:s4], $0x0  }
0x19: {  	s7 =	sld [smem:$0x3F8B]  }
0x1a: {  	s8 =	sadd.s32 $0xFFFFE003, lr  }
0x1b: {  	s9 =	sadd.s32 $0xFFFFFEF7, lr;
	s5 =	simm.s32 $0xFFFFFFFF;
	p2 =	slt.u32 s8, $0xFFFFF086  }
0x1c: {  	p1 =	slt.u32 s9, $0xF7A;
	s5 =	simm.s32 @!p2 $0x0  }
0x1d: {  	s5 =	simm.s32 @p1 $0x1;
	p0 =	seq.s32 s7, s2  }
0x1e: {  	s7 =	smul.u32 @!p0 $0xF7A, s2;
	p2 =	seq.s32 @!p0 s5, $0x0  }
0x1f: {  	s9 =	smul.u32 $0xF7A, s1;
	s8 =	simm.s32 @!p0 $0x1BF5;
	p2 =	por !p2, p0  }
0x20: {  	[sflag:s8] =	ssyncset.s32 @!p0 $0xFFFFF086;
	s6 =	sadd.s32 @!p0 s3, s7;
	s7 =	simm.s32 @!p0 $0x108  }
0x21: {  	s3 =	sadd.s32 s3, s9;
	s6 =	sadd.s32 @!p0 $0x88, s6;
	s7 =	simm.s32 @p2 $0x1082  }
0x22: {  	[simem:s7], [sflag:s8] =	dma.local @!p0 [hbm:s6], $0xF7A  }
0x23: {  	s9 =	sor.u32 $0xD0000000, s2;
	s6 =	simm.s32 $0x108;
	_ =	swait.ge @!p0 [sflag:s8], $0x0  }
0x24: {  	s3 =	sadd.s32 $0x88, s3;
	s6 =	simm.s32 @!p1 $0x1082;
	[sflag:s4] =	ssyncset.s32 $0xFFFFF086  }
0x25: {  	[simem:s6], [sflag:s4] =	dma.local [hbm:s3], $0xF7A  }
0x26: {  	[smem:$0x3F8B] =	sst s1;
	(tag) =	ssettag s2;
	_ =	strace s9  }
0x27: {  	s1 =	sld [smem:$0x3F9B]  }
0x28: {  	s2 =	sld [smem:$0x3F9C]  }
0x29: {  	s4 =	sld [smem:$0x3F9E]  }
0x2a: {  	p0 =	seq.s32 s5, $0x0;
	s5 =	sld [smem:$0x3F9F]  }
0x2b: {  	s6 =	sld [smem:$0x3FA0]  }
0x2c: {  	s7 =	sld [smem:$0x3FA1]  }
0x2d: {  	s3 =	simm.s32 $0x108;
	s8 =	sld [smem:$0x3FA2]  }
0x2e: {  	s3 =	simm.s32 @!p0 $0x1082;
	s9 =	sld [smem:$0x3FA3]  }
0x2f: {  	lr =	sadd.s32 s0, s3;
	s0 =	sld [smem:$0x3F9A]  }
0x30: {  	s3 =	sld [smem:$0x3F9D]  }
0x31: {  	[smem:$0x3FA6] =	sst s10  }
0x32: {  	s10 =	sld [smem:$0x3FA4];
	_ =	sdelay $0x3  }
0x33: {  	p0 =	seq.s32 s10, $0x1;
	s10 =	sld [smem:$0x3FA6];
	_ =	sdelay $0x3  }
0x34: {  	[smem:$0x3FA6] =	sst s10  }
0x35: {  	s10 =	sld [smem:$0x3FA5];
	_ =	sdelay $0x3  }
0x36: {  	p1 =	seq.s32 s10, $0x1;
	s10 =	sld [smem:$0x3FA6];
	_ =	sdelay $0x3  }
0x37: {  	[smem:$0x3FA6] =	sst s10  }
0x38: {  	s10 =	sld [smem:$0x3FA7]  }
0x39: {  	_ = 	snop;
	(pc) =	sbr.ind lr, $3  }
0x3a: {  	_ = 	snop  }
0x3b: {  	_ = 	snop  }
0x3c: {  	p2 =	seq.s32 s10, $0x1;
	s10 =	sld [smem:$0x3FA6]  }
0x3d: {  	_ =	shalt  }
0x3e: {  	_ =	shalt  }
0x3f: {  	_ =	shalt  }
0x40: {  	_ =	shalt  }
0x41: {  	_ =	shalt  }
0x42: {  	_ =	shalt  }
0x43: {  	_ =	shalt  }
0x44: {  	_ =	shalt  }
0x45: {  	_ =	shalt  }
0x46: {  	_ =	shalt  }
0x47: {  	_ =	shalt  }
0x48: {  	_ =	shalt  }
0x49: {  	_ =	shalt  }
0x4a: {  	_ =	shalt  }
0x4b: {  	_ =	shalt  }
0x4c: {  	_ =	shalt  }
0x4d: {  	_ =	shalt  }
0x4e: {  	_ =	shalt  }
0x4f: {  	_ =	shalt  }
0x50: {  	_ =	shalt  }
0x51: {  	_ =	shalt  }
0x52: {  	_ =	shalt  }
0x53: {  	_ =	shalt  }
0x54: {  	_ =	shalt  }
0x55: {  	_ =	shalt  }
0x56: {  	_ =	shalt  }
0x57: {  	_ =	shalt  }
0x58: {  	_ =	shalt  }
0x59: {  	_ =	shalt  }
0x5a: {  	_ =	shalt  }
0x5b: {  	_ =	shalt  }
0x5c: {  	_ =	shalt  }
0x5d: {  	_ =	shalt  }
0x5e: {  	_ =	shalt  }
0x5f: {  	_ =	shalt  }
0x60: {  	_ =	shalt  }
0x61: {  	_ =	shalt  }
0x62: {  	_ =	shalt  }
0x63: {  	_ =	shalt  }
0x64: {  	_ =	shalt  }
0x65: {  	_ =	shalt  }
0x66: {  	_ =	shalt  }
0x67: {  	_ =	shalt  }
0x68: {  	_ =	shalt  }
0x69: {  	_ =	shalt  }
0x6a: {  	_ =	shalt  }
0x6b: {  	_ =	shalt  }
0x6c: {  	_ =	shalt  }
0x6d: {  	_ =	shalt  }
0x6e: {  	_ =	shalt  }
0x6f: {  	_ =	shalt  }
0x70: {  	_ =	shalt  }
0x71: {  	_ =	shalt  }
0x72: {  	_ =	shalt  }
0x73: {  	_ =	shalt  }
0x74: {  	_ =	shalt  }
0x75: {  	_ =	shalt  }
0x76: {  	_ =	shalt  }
0x77: {  	_ =	shalt  }
0x78: {  	_ =	shalt  }
0x79: {  	_ =	shalt  }
0x7a: {  	_ =	shalt  }
0x7b: {  	_ =	shalt  }
0x7c: {  	_ =	shalt  }
0x7d: {  	_ =	shalt  }
0x7e: {  	_ =	shalt  }
0x7f: {  	_ =	shalt  }
0x80: {  	_ =	shalt  }
0x81: {  	_ =	shalt  }
0x82: {  	_ =	shalt  }
0x83: {  	_ =	shalt  }
0x84: {  	_ =	shalt  }
0x85: {  	_ =	shalt  }
0x86: {  	_ =	shalt  }
0x87: {  	_ =	shalt  }
.Lfunc_end0:
.L_simem_size_0:
called_computation.1_lowered:
.L_overlay_start_0:
0x88: {  	s2 =	sld [smem:$0x3FD9]  }
0x89: {  	s3 =	sld [smem:$0x3FFE];
	_ =	sdelay $0x1  }
0x8a: {  	s1 =	srdreg.scid  }
0x8b: {  	s0 =	sand.u32 $0x1, s1  }
0x8c: {  	s17 =	sshll.u32 s0, $0xA;
	s2 =	sadd.s32 s3, s2  }
0x8d: {  	s2 =	sadd.s32 s2, s17  }
0x8e: {  	[smem:$0x3FB2] =	sst s2  }
0x8f: {  	_ = 	snop  }
0x90: {  	s2 =	sld [smem:$0x3FD0];
	(tm) =	ssettm $0x1  }
0x91: {  	s18 =	sld [smem:$0x3FFB];
	_ =	sdelay $0x3  }
0x92: {  	_ =	strace s18  }
0x93: {  	s3 =	sld [smem:$0x3FFC];
	_ =	sdelay $0x3  }
0x94: {  	_ =	strace s3  }
0x95: {  	s3 =	sld [smem:$0x3FFD];
	_ =	sdelay $0x3  }
0x96: {  	_ =	strace s3  }
0x97: {  	_ =	strace $0x8FFFFFFF  }
0x98: {  	s19 =	sld [smem:$0x3FDB];
	_ =	sdelay $0x1  }
0x99: {  	s4 =	simm.s32 $_scs_section_size  }
0x9a: {  	s5 =	simm.s32 $_size__tile_overlayer_lowered;
	s6 =	simm.s32 $_tile_overlayer_lowered  }
0x9b: {  	s22 =	simm.s32 $0x1BFF;
	s21 =	sshll.u32 s6, $0x1;
	s3 =	sadd.s32 s4, s19  }
0x9c: {  	s7 =	simm.s32 $0x0;
	s20 =	sshll.u32 s5, $0x1;
	s5 =	sadd.s32 s21, s3  }
0x9d: {  	[timem:s7], [sflag:s22] =	dma.local [hbm:s5], s20  }
0x9e: {  	_ =	swait.ge [sflag:s22], s20  }
0x9f: {  	s4 =	ssub.s32 $0x0, s20;
	[sflag:s22] =	ssyncset.done $0x0  }
0xa0: {  	[sflag:s22] =	ssyncadd.s32 s4;
	_ =	sdelay $0x1  }
0xa1: {  	s23 =	simm.s32 $0x1B8B  }
0xa2: {  	_ =	swait.ge [sflag:s23], $0x1  }
0xa3: {  	[sflag:s23] =	ssyncset.done $0x0  }
0xa4: {  	s25 =	simm.s32 $0x1B8E;
	s24 =	sld [smem:$0x3FFE];
	[sflag:s23] =	ssyncadd.s32 $0xFFFFFFFF  }
0xa5: {  	s26 =	simm.s32 $execute0_lowered;
	[smem:$0x3FD2] =	sst s25  }
0xa6: {  	s5 =	sshll.u32 s26, $0x1;
	_ =	strace $0x80000049;
	[dreg:$0x1] =	wrdreg $0xFFFFFFFF  }
0xa7: {  	s28 =	simm.s32 $_size_execute0_lowered;
	s3 =	sadd.s32 s3, s5;
	[dreg:$0x0] =	wrdreg $0x0  }
0xa8: {  	s5 =	sshll.u32 s28, $0x1;
	[dreg:$0x2] =	wrdreg s3  }
0xa9: {  	[dreg:$0x3] =	wrdreg s5  }
0xaa: {  	[dreg:$0x4] =	wrdreg $0xC0  }
0xab: {  	_ =	task [dreg:s7], $0x5FFFF  }
0xac: {  	[dreg:$0x1] =	wrdreg $0xFFFFFFFF  }
0xad: {  	[dreg:$0x0] =	wrdreg $0x60  }
0xae: {  	[dreg:$0x2] =	wrdreg s24  }
0xaf: {  	[dreg:$0x3] =	wrdreg s2  }
0xb0: {  	[dreg:$0x4] =	wrdreg $0xB0400  }
0xb1: {  	[dreg:$0x5] =	wrdreg $0x9  }
0xb2: {  	_ =	task.clear_ibuf [dreg:s7], $0x6FFFF;
	_ =	strace $0x90000049  }
0xb3: {  	s29 =	simm.s32 $0x9;
	_ =	strace $0x8000004B  }
0xb4: {  	_ =	swait.ge [sflag:s29], $0x1  }
0xb5: {  	[sflag:s29] =	ssyncadd.s32 $0xFFFFFFFF  }
0xb6: {  	_ =	strace $0x9000004B  }
0xb7: {  	_ =	sfence  }
0xb8: {  	s30 =	sld [smem:$0x0];
	_ =	sdelay $0x2  }
0xb9: {  	s31 =	sshll.u32 s1, $0xD;
	s1 =	sshrl.u32 s1, $0x2  }
0xba: {  	s3 =	sand.u32 $0x4000, s31;
	s1 =	sadd.s32 s1, s30  }
0xbb: {  	s0 =	sor.u32 s3, s0;
	s1 =	sshll.u32 s1, $0x11  }
0xbc: {  	s0 =	sor.u32 s1, s0  }
0xbd: {  	s0 =	sadd.s32 $0x8F2B, s0  }
0xbe: {  	[sflag:s0] =	ssyncadd.remote.s32 $0x1  }
0xbf: {  	_ =	sfence.sel $0xFFFF  }
0xc0: {  	[dreg:$0x0] =	wrdreg $0xFFFFFFFF;
	(pc) =	sbr.abs _section_cstart, $3  }
0xc1: {  	[dreg:$0x1] =	wrdreg $0xFFFFFFFF  }
0xc2: {  	_ =	task.clear_ibuf [dreg:s7], $0x2FFFF;
	_ =	strace $0x9FFFFFFF  }
0xc3: {  	(tm) =	ssettm $0x7FFFFFFF  }
tec
execute0_lowered:
.L_overlay_start_1:
0x0: {  	(tag) =	ssettag $0x1  }
0x1: {  	s9 =	rddreg [dreg:$0x0]  }
0x2: {  	s10 =	rddreg [dreg:$0x1]  }
0x3: {  	s0 =	srdreg.scid;
	s2 =	rddreg [dreg:$0x2]  }
0x4: {  	s3 =	simm.s32 $0x0;
	s19 =	simm.s32 $0x4E20;
	s22 =	simm.s32 $0x50  }
0x5: {  	s23 =	simm.s32 $0x9C40;
	s24 =	simm.s32 $0x1;
	s25 =	simm.s32 $0x0  }
0x6: {  	s8 =	sand.u32 $0x1, s0;
	s0 =	stileid.u32;
	[smem:$0x7FF] =	sst s3  }
0x7: {  	s5 =	sadd.s32 $0xE3600, s9;
	s6 =	sadd.s32 $0xCF600, s9;
	s12 =	smul.u32 $0xA000, s0  }
0x8: {  	s7 =	sadd.s32 $0xBB600, s9;
	s1 =	sshll.u32 s8, $0x4;
	s13 =	smul.u32 $0xA0000, s8  }
0x9: {  	s15 =	ssub.s32 $0x2, s8;
	s8 =	sadd.s32 $0xB9C00, s9;
	s20 =	sshll.u32 s0, $0x6  }
0xa: {  	s4 =	sor.u32 s0, s1;
	s1 =	rddreg [dreg:$0x3];
	_ =	strace $0x8000004A  }
0xb: {  	s16 =	sshrl.u32 s15, $0x1;
	s20 =	sor.u32 $0x1C02, s20;
	s11 =	smul.u32 $0x9C4, s4  }
0xc: {  	s4 =	sadd.s32 $0x92800, s9;
	s13 =	sadd.s32 s12, s13;
	s18 =	ssub.s32 s15, s16  }
0xd: {  	s21 =	sadd.s32 s12, s2;
	s13 =	sshrl.u32 s13, $0x3;
	s14 =	sadd.s32 s11, s9  }
0xe: {  	s21 =	sshrl.u32 s21, $0x3;
	s17 =	sadd.s32 s13, s9;
	s9 =	sadd.s32 $0x7EE00, s14  }
0xf: {  	s10 =	sadd.s32 s10, s11;
	s11 =	sadd.s32 $0x16F600, s17;
	s12 =	sadd.s32 $0x147600, s17  }
0x10: {  	s13 =	sadd.s32 $0x6B400, s14;
	s14 =	sadd.s32 $0x57A00, s14;
	s15 =	sadd.s32 $0x11F600, s17  }
0x11: {  	s16 =	sadd.s32 $0xF7600, s17;
	s17 =	smax.u32 s18, $0x1;
	s18 =	simm.s32 $0x2  }
.LBB2_1:
0x12: {  	[tilespmem:s3], [sflag:$0x2] =	stream.linear.gather [hbm4b:s9+s3], $0x4E20, $0x38;
	[tilespmem:$0x15040] =	vst v63  }
0x13: {  	_ =	swait.ge [sflag:s18], $0x4E20  }
0x14: {  	[sflag:s18] =	ssyncset.done $0x0  }
0x15: {  	[sflag:s18] =	ssyncadd.s32 $0xFFFFB1E0  }
0x16: {  	[tilespmem:s19], [sflag:$0x2] =	stream.linear.gather [hbm4b:s10+s3], $0x4E20, $0x38;
	[tilespmem:$0x15040] =	vst v63  }
0x17: {  	_ =	swait.ge [sflag:s18], $0x4E20  }
0x18: {  	[sflag:s18] =	ssyncset.done $0x0  }
0x19: {  	[sflag:s18] =	ssyncadd.s32 $0xFFFFB1E0  }
0x1a: {  	[spmem:s21], [sflag:s20] =	dma.local [hbm:s8], $0x1400  }
0x1b: {  	_ =	swait.ge [sflag:s18], $0x1400  }
0x1c: {  	[sflag:s18] =	ssyncset.done $0x0  }
0x1d: {  	[sflag:s18] =	ssyncadd.s32 $0xFFFFEC00  }
0x1e: {  	s26 =	simm.s32 $0x0;
	[bflag:$0x0] =	sbarrier.arrive $0xFFFF  }
0x1f: {  	[tilespmem:s23], [sflag:$0x1] =	stream.indirect.gather [hbm4b:s4+s22], $0x40, s26, s22, $0xb8;
	[tilespmem:$0x15040] =	vst v63  }
0x20: {  	_ =	swait.ge [sflag:s24], $0x1400  }
0x21: {  	[sflag:s24] =	ssyncset.done $0x0  }
0x22: {  	s31 =	simm.s32 $0x4E20;
	[sflag:s24] =	ssyncadd.s32 $0xFFFFEC00  }
0x23: {  	[spmem:s2] =	stream.indirect.scatter.add.f32 [tilespmem:s23], [sflag:$0x2], $0x40, s31, s22, $0xb8;
	[tilespmem:$0x15040] =	vst v63  }
0x24: {  	_ =	swait.ge [sflag:s18], $0x1400  }
0x25: {  	s28 =	simm.s32 $0x280;
	s26 =	simm.s32 $0x140;
	[sflag:s18] =	ssyncset.done $0x0  }
.LBB2_2:
0x26: {  	s29 =	sshra.s32 s26, $0x2  }
0x27: {  	[sflag:s18] =	ssyncadd.s32 $0xFFFFEC00;
	s26 =	smov.u32 s28;
	s30 =	sadd.s32 $0x140, s28  }
0x28: {  	[tilespmem:s23], [sflag:$0x1] =	stream.indirect.gather [hbm4b:s4+s22], $0x40, s29, s22, $0xb8;
	[tilespmem:$0x15040] =	vst v63  }
0x29: {  	p0 =	sne.s32 s28, $0x13740;
	_ =	swait.ge [sflag:s24], $0x1400  }
.Ltmp0:
0x2a: {  	[sflag:s24] =	ssyncset.done $0x0;
	(pc) =	sbr.rel @p0 .LBB2_2-.Ltmp0, $4  }
0x2b: {  	s28 =	sadd.s32 $0x4E20, s29;
	[sflag:s24] =	ssyncadd.s32 $0xFFFFEC00  }
0x2c: {  	[spmem:s2] =	stream.indirect.scatter.add.f32 [tilespmem:s23], [sflag:$0x2], $0x40, s28, s22, $0xb8;
	[tilespmem:$0x15040] =	vst v63  }
0x2d: {  	_ =	swait.ge [sflag:s18], $0x1400  }
0x2e: {  	s28 =	smov.u32 s30;
	[sflag:s18] =	ssyncset.done $0x0  }
0x2f: {  	s26 =	sshra.s32 s26, $0x2;
	[sflag:s18] =	ssyncadd.s32 $0xFFFFEC00  }
0x30: {  	[tilespmem:s23], [sflag:$0x1] =	stream.indirect.gather [hbm4b:s4+s22], $0x40, s26, s22, $0xb8;
	[tilespmem:$0x15040] =	vst v63  }
0x31: {  	_ =	swait.ge [sflag:s24], $0x1400  }
0x32: {  	[sflag:s24] =	ssyncset.done $0x0  }
0x33: {  	s26 =	sadd.s32 $0x4E20, s26;
	[sflag:s24] =	ssyncadd.s32 $0xFFFFEC00  }
0x34: {  	[spmem:s2] =	stream.indirect.scatter.add.f32 [tilespmem:s23], [sflag:$0x2], $0x40, s26, s22, $0xb8;
	[tilespmem:$0x15040] =	vst v63  }
0x35: {  	_ =	swait.ge [sflag:s18], $0x1400  }
0x36: {  	[sflag:s18] =	ssyncset.done $0x0  }
0x37: {  	[sflag:s18] =	ssyncadd.s32 $0xFFFFEC00  }
0x38: {  	[bflag:$0x0] =	sbarrier.arrive $0xFFFF  }
0x39: {  	[hbm:s11], [sflag:s20] =	dma.local [spmem:s21], $0x1400  }
0x3a: {  	_ =	swait.ge [sflag:s18], $0x1400  }
0x3b: {  	[sflag:s18] =	ssyncset.done $0x0  }
0x3c: {  	[sflag:s18] =	ssyncadd.s32 $0xFFFFEC00  }
0x3d: {  	[bflag:$0x0] =	sbarrier.arrive $0xFFFF  }
0x3e: {  	[spmem:s21], [sflag:s20] =	dma.local [hbm:s8], $0x1400  }
0x3f: {  	_ =	swait.ge [sflag:s18], $0x1400  }
0x40: {  	[sflag:s18] =	ssyncset.done $0x0  }
0x41: {  	[sflag:s18] =	ssyncadd.s32 $0xFFFFEC00  }
0x42: {  	s30 =	simm.s32 $0x0;
	[bflag:$0x0] =	sbarrier.arrive $0xFFFF  }
0x43: {  	[tilespmem:s23], [sflag:$0x1] =	stream.indirect.gather [hbm4b:s5+s22], $0x40, s30, s22, $0xb8;
	[tilespmem:$0x15040] =	vst v63  }
0x44: {  	_ =	swait.ge [sflag:s24], $0x1400  }
0x45: {  	[sflag:s24] =	ssyncset.done $0x0  }
0x46: {  	s31 =	simm.s32 $0x4E20;
	[sflag:s24] =	ssyncadd.s32 $0xFFFFEC00  }
0x47: {  	[spmem:s2] =	stream.indirect.scatter.add.f32 [tilespmem:s23], [sflag:$0x2], $0x40, s31, s22, $0xb8;
	[tilespmem:$0x15040] =	vst v63  }
0x48: {  	_ =	swait.ge [sflag:s18], $0x1400  }
0x49: {  	s28 =	simm.s32 $0x280;
	s26 =	simm.s32 $0x140;
	[sflag:s18] =	ssyncset.done $0x0  }
.LBB2_4:
0x4a: {  	s29 =	sshra.s32 s26, $0x2  }
0x4b: {  	[sflag:s18] =	ssyncadd.s32 $0xFFFFEC00;
	s26 =	smov.u32 s28;
	s30 =	sadd.s32 $0x140, s28  }
0x4c: {  	[tilespmem:s23], [sflag:$0x1] =	stream.indirect.gather [hbm4b:s5+s22], $0x40, s29, s22, $0xb8;
	[tilespmem:$0x15040] =	vst v63  }
0x4d: {  	p0 =	sne.s32 s28, $0x13740;
	_ =	swait.ge [sflag:s24], $0x1400  }
.Ltmp1:
0x4e: {  	[sflag:s24] =	ssyncset.done $0x0;
	(pc) =	sbr.rel @p0 .LBB2_4-.Ltmp1, $4  }
0x4f: {  	s28 =	sadd.s32 $0x4E20, s29;
	[sflag:s24] =	ssyncadd.s32 $0xFFFFEC00  }
0x50: {  	[spmem:s2] =	stream.indirect.scatter.add.f32 [tilespmem:s23], [sflag:$0x2], $0x40, s28, s22, $0xb8;
	[tilespmem:$0x15040] =	vst v63  }
0x51: {  	_ =	swait.ge [sflag:s18], $0x1400  }
0x52: {  	s28 =	smov.u32 s30;
	[sflag:s18] =	ssyncset.done $0x0  }
0x53: {  	s26 =	sshra.s32 s26, $0x2;
	[sflag:s18] =	ssyncadd.s32 $0xFFFFEC00  }
0x54: {  	[tilespmem:s23], [sflag:$0x1] =	stream.indirect.gather [hbm4b:s5+s22], $0x40, s26, s22, $0xb8;
	[tilespmem:$0x15040] =	vst v63  }
0x55: {  	_ =	swait.ge [sflag:s24], $0x1400  }
0x56: {  	[sflag:s24] =	ssyncset.done $0x0  }
0x57: {  	s26 =	sadd.s32 $0x4E20, s26;
	[sflag:s24] =	ssyncadd.s32 $0xFFFFEC00  }
0x58: {  	[spmem:s2] =	stream.indirect.scatter.add.f32 [tilespmem:s23], [sflag:$0x2], $0x40, s26, s22, $0xb8;
	[tilespmem:$0x15040] =	vst v63  }
0x59: {  	_ =	swait.ge [sflag:s18], $0x1400  }
0x5a: {  	[sflag:s18] =	ssyncset.done $0x0  }
0x5b: {  	[sflag:s18] =	ssyncadd.s32 $0xFFFFEC00  }
0x5c: {  	[bflag:$0x0] =	sbarrier.arrive $0xFFFF  }
0x5d: {  	[hbm:s12], [sflag:s20] =	dma.local [spmem:s21], $0x1400  }
0x5e: {  	_ =	swait.ge [sflag:s18], $0x1400  }
0x5f: {  	[sflag:s18] =	ssyncset.done $0x0  }
0x60: {  	[sflag:s18] =	ssyncadd.s32 $0xFFFFEC00  }
0x61: {  	s29 =	simm.s32 $0x0;
	[bflag:$0x0] =	sbarrier.arrive $0xFFFF  }
0x62: {  	[tilespmem:s29], [sflag:$0x2] =	stream.linear.gather [hbm4b:s13+s29], $0x4E20, $0x38;
	[tilespmem:$0x15040] =	vst v63  }
0x63: {  	_ =	swait.ge [sflag:s18], $0x4E20  }
0x64: {  	[sflag:s18] =	ssyncset.done $0x0  }
0x65: {  	[sflag:s18] =	ssyncadd.s32 $0xFFFFB1E0  }
0x66: {  	[tilespmem:s19], [sflag:$0x2] =	stream.linear.gather [hbm4b:s14+s29], $0x4E20, $0x38;
	[tilespmem:$0x15040] =	vst v63  }
0x67: {  	_ =	swait.ge [sflag:s18], $0x4E20  }
0x68: {  	[sflag:s18] =	ssyncset.done $0x0  }
0x69: {  	[sflag:s18] =	ssyncadd.s32 $0xFFFFB1E0  }
0x6a: {  	[spmem:s21], [sflag:s20] =	dma.local [hbm:s8], $0x1400  }
0x6b: {  	_ =	swait.ge [sflag:s18], $0x1400  }
0x6c: {  	[sflag:s18] =	ssyncset.done $0x0  }
0x6d: {  	[sflag:s18] =	ssyncadd.s32 $0xFFFFEC00  }
0x6e: {  	s30 =	simm.s32 $0x0;
	[bflag:$0x0] =	sbarrier.arrive $0xFFFF  }
0x6f: {  	[tilespmem:s23], [sflag:$0x1] =	stream.indirect.gather [hbm4b:s6+s22], $0x40, s30, s22, $0xb8;
	[tilespmem:$0x15040] =	vst v63  }
0x70: {  	_ =	swait.ge [sflag:s24], $0x1400  }
0x71: {  	[sflag:s24] =	ssyncset.done $0x0  }
0x72: {  	s31 =	simm.s32 $0x4E20;
	[sflag:s24] =	ssyncadd.s32 $0xFFFFEC00  }
0x73: {  	[spmem:s2] =	stream.indirect.scatter.add.f32 [tilespmem:s23], [sflag:$0x2], $0x40, s31, s22, $0xb8;
	[tilespmem:$0x15040] =	vst v63  }
0x74: {  	_ =	swait.ge [sflag:s18], $0x1400  }
0x75: {  	s28 =	simm.s32 $0x280;
	s26 =	simm.s32 $0x140;
	[sflag:s18] =	ssyncset.done $0x0  }
.LBB2_6:
0x76: {  	s29 =	sshra.s32 s26, $0x2  }
0x77: {  	[sflag:s18] =	ssyncadd.s32 $0xFFFFEC00;
	s26 =	smov.u32 s28;
	s30 =	sadd.s32 $0x140, s28  }
0x78: {  	[tilespmem:s23], [sflag:$0x1] =	stream.indirect.gather [hbm4b:s6+s22], $0x40, s29, s22, $0xb8;
	[tilespmem:$0x15040] =	vst v63  }
0x79: {  	p0 =	sne.s32 s28, $0x13740;
	_ =	swait.ge [sflag:s24], $0x1400  }
.Ltmp2:
0x7a: {  	[sflag:s24] =	ssyncset.done $0x0;
	(pc) =	sbr.rel @p0 .LBB2_6-.Ltmp2, $4  }
0x7b: {  	s28 =	sadd.s32 $0x4E20, s29;
	[sflag:s24] =	ssyncadd.s32 $0xFFFFEC00  }
0x7c: {  	[spmem:s2] =	stream.indirect.scatter.add.f32 [tilespmem:s23], [sflag:$0x2], $0x40, s28, s22, $0xb8;
	[tilespmem:$0x15040] =	vst v63  }
0x7d: {  	_ =	swait.ge [sflag:s18], $0x1400  }
0x7e: {  	s28 =	smov.u32 s30;
	[sflag:s18] =	ssyncset.done $0x0  }
0x7f: {  	s26 =	sshra.s32 s26, $0x2;
	[sflag:s18] =	ssyncadd.s32 $0xFFFFEC00  }
0x80: {  	[tilespmem:s23], [sflag:$0x1] =	stream.indirect.gather [hbm4b:s6+s22], $0x40, s26, s22, $0xb8;
	[tilespmem:$0x15040] =	vst v63  }
0x81: {  	_ =	swait.ge [sflag:s24], $0x1400  }
0x82: {  	[sflag:s24] =	ssyncset.done $0x0  }
0x83: {  	s26 =	sadd.s32 $0x4E20, s26;
	[sflag:s24] =	ssyncadd.s32 $0xFFFFEC00  }
0x84: {  	[spmem:s2] =	stream.indirect.scatter.add.f32 [tilespmem:s23], [sflag:$0x2], $0x40, s26, s22, $0xb8;
	[tilespmem:$0x15040] =	vst v63  }
0x85: {  	_ =	swait.ge [sflag:s18], $0x1400  }
0x86: {  	[sflag:s18] =	ssyncset.done $0x0  }
0x87: {  	[sflag:s18] =	ssyncadd.s32 $0xFFFFEC00  }
0x88: {  	[bflag:$0x0] =	sbarrier.arrive $0xFFFF  }
0x89: {  	[hbm:s15], [sflag:s20] =	dma.local [spmem:s21], $0x1400  }
0x8a: {  	_ =	swait.ge [sflag:s18], $0x1400  }
0x8b: {  	[sflag:s18] =	ssyncset.done $0x0  }
0x8c: {  	[sflag:s18] =	ssyncadd.s32 $0xFFFFEC00  }
0x8d: {  	[bflag:$0x0] =	sbarrier.arrive $0xFFFF  }
0x8e: {  	[spmem:s21], [sflag:s20] =	dma.local [hbm:s8], $0x1400  }
0x8f: {  	_ =	swait.ge [sflag:s18], $0x1400  }
0x90: {  	[sflag:s18] =	ssyncset.done $0x0  }
0x91: {  	[sflag:s18] =	ssyncadd.s32 $0xFFFFEC00  }
0x92: {  	s30 =	simm.s32 $0x0;
	[bflag:$0x0] =	sbarrier.arrive $0xFFFF  }
0x93: {  	[tilespmem:s23], [sflag:$0x1] =	stream.indirect.gather [hbm4b:s7+s22], $0x40, s30, s22, $0xb8;
	[tilespmem:$0x15040] =	vst v63  }
0x94: {  	_ =	swait.ge [sflag:s24], $0x1400  }
0x95: {  	[sflag:s24] =	ssyncset.done $0x0  }
0x96: {  	s31 =	simm.s32 $0x4E20;
	[sflag:s24] =	ssyncadd.s32 $0xFFFFEC00  }
0x97: {  	[spmem:s2] =	stream.indirect.scatter.add.f32 [tilespmem:s23], [sflag:$0x2], $0x40, s31, s22, $0xb8;
	[tilespmem:$0x15040] =	vst v63  }
0x98: {  	_ =	swait.ge [sflag:s18], $0x1400  }
0x99: {  	s28 =	simm.s32 $0x280;
	s26 =	simm.s32 $0x140;
	[sflag:s18] =	ssyncset.done $0x0  }
.LBB2_8:
0x9a: {  	s29 =	sshra.s32 s26, $0x2  }
0x9b: {  	[sflag:s18] =	ssyncadd.s32 $0xFFFFEC00;
	s26 =	smov.u32 s28;
	s30 =	sadd.s32 $0x140, s28  }
0x9c: {  	[tilespmem:s23], [sflag:$0x1] =	stream.indirect.gather [hbm4b:s7+s22], $0x40, s29, s22, $0xb8;
	[tilespmem:$0x15040] =	vst v63  }
0x9d: {  	p0 =	sne.s32 s28, $0x13740;
	_ =	swait.ge [sflag:s24], $0x1400  }
.Ltmp3:
0x9e: {  	[sflag:s24] =	ssyncset.done $0x0;
	(pc) =	sbr.rel @p0 .LBB2_8-.Ltmp3, $4  }
0x9f: {  	s28 =	sadd.s32 $0x4E20, s29;
	[sflag:s24] =	ssyncadd.s32 $0xFFFFEC00  }
0xa0: {  	[spmem:s2] =	stream.indirect.scatter.add.f32 [tilespmem:s23], [sflag:$0x2], $0x40, s28, s22, $0xb8;
	[tilespmem:$0x15040] =	vst v63  }
0xa1: {  	_ =	swait.ge [sflag:s18], $0x1400  }
0xa2: {  	s28 =	smov.u32 s30;
	[sflag:s18] =	ssyncset.done $0x0  }
0xa3: {  	s26 =	sshra.s32 s26, $0x2;
	[sflag:s18] =	ssyncadd.s32 $0xFFFFEC00  }
0xa4: {  	[tilespmem:s23], [sflag:$0x1] =	stream.indirect.gather [hbm4b:s7+s22], $0x40, s26, s22, $0xb8;
	[tilespmem:$0x15040] =	vst v63  }
0xa5: {  	_ =	swait.ge [sflag:s24], $0x1400  }
0xa6: {  	[sflag:s24] =	ssyncset.done $0x0  }
0xa7: {  	s26 =	sadd.s32 $0x4E20, s26;
	[sflag:s24] =	ssyncadd.s32 $0xFFFFEC00  }
0xa8: {  	[spmem:s2] =	stream.indirect.scatter.add.f32 [tilespmem:s23], [sflag:$0x2], $0x40, s26, s22, $0xb8;
	[tilespmem:$0x15040] =	vst v63  }
0xa9: {  	_ =	swait.ge [sflag:s18], $0x1400  }
0xaa: {  	[sflag:s18] =	ssyncset.done $0x0  }
0xab: {  	s25 =	sadd.s32 $0x1, s25;
	[sflag:s18] =	ssyncadd.s32 $0xFFFFEC00  }
0xac: {  	p0 =	sne.s32 s25, s17;
	[bflag:$0x0] =	sbarrier.arrive $0xFFFF  }
0xad: {  	[hbm:s16], [sflag:s20] =	dma.local [spmem:s21], $0x1400  }
.Ltmp4:
0xae: {  	_ =	swait.ge [sflag:s18], $0x1400;
	(pc) =	sbr.rel @p0 .LBB2_1-.Ltmp4, $3  }
0xaf: {  	[sflag:s18] =	ssyncset.done $0x0  }
0xb0: {  	[sflag:s18] =	ssyncadd.s32 $0xFFFFEC00  }
0xb1: {  	[bflag:$0x0] =	sbarrier.arrive $0xFFFF;
	_ =	sdelay $0x1  }
0xb2: {  	_ =	sfence.sel $0x180000  }
0xb3: {  	[bflag:$0x0] =	sbarrier.arrive $0xFFFF  }
0xb4: {  	p0 =	sne.s32 s0, $0x0;
	_ =	strace $0x9000004A  }
0xb5: {  	s0 =	sadd.s32 @!p0 $0x100000, s1;
	[bflag:$0x2] =	sbarrier.arrive $0xFFFF  }
0xb6: {  	[sflag:s0] =	ssyncadd.tile.s32 @!p0 $0x1;
	_ =	shalt  }
.Lfunc_end2:
_tile_overlayer_lowered:
.L_overlay_start_2:
0xb7: {  	(tag) =	ssettag $0x2  }
0xb8: {  	s0 =	rddreg [dreg:$0x0];
	s2 =	stileid.u32  }
0xb9: {  	s1 =	rddreg [dreg:$0x1];
	p0 =	sne.s32 s2, $0x0  }
0xba: {  	s3 =	rddreg [dreg:$0x2];
	[bflag:$0x3] =	sbarrier.arrive $0xFFFF;
	s2 =	simm.s32 @!p0 $0x1C02  }
0xbb: {  	[timem:s3], [sflag:s2] =	dma.local @!p0 [hbm:s0], s1  }
0xbc: {  	s0 =	simm.s32 @!p0 $0x2  }
0xbd: {  	_ =	swait.ge @!p0 [sflag:s0], s1  }
0xbe: {  	s1 =	ssub.s32 @!p0 $0x0, s1;
	[sflag:s0] =	ssyncset.done @!p0 $0x0  }
0xbf: {  	[sflag:s0] =	ssyncadd.s32 @!p0 s1  }
0xc0: {  	[bflag:$0x3] =	sbarrier.arrive $0xFFFF  }
0xc1: {  	_ =	shalt  }

</sc_bundles>
